<compile_context>
chip_gen: v7x
topology: tpu7x:2x2x1
jax: 0.10.2.dev20260603
libtpu: 0.0.44.dev20260713+nightly
codegen_flags: <defaults>
</compile_context>

<pallas_src>
import functools

import jax
import jax.numpy as jnp
from jax import lax
from jax.experimental import pallas as pl
from jax.experimental.pallas import tpu as pltpu
from jax.experimental.pallas import tpu_sc as plsc

_LANES = 16
_BLK = 128


@functools.lru_cache(maxsize=None)
def _build_gather_kernel(B, N, H, W):
    info = plsc.get_sparse_core_info()
    NC, NS = info.num_cores, info.num_subcores
    NW = NC * NS
    HW = H * W
    NP = -(-N // _BLK)
    TPB = NW // B
    BPT = -(-NP // TPB)
    CB = 64
    NBUF = 3
    C = CB * _BLK
    n_chunks = -(-BPT // CB)

    mesh = plsc.VectorSubcoreMesh(core_axis_name="c", subcore_axis_name="s")

    @functools.partial(
        pl.kernel,
        mesh=mesh,
        out_type=jax.ShapeDtypeStruct((B * NP * 2 * _BLK,), jnp.float32),
        compiler_params=pltpu.CompilerParams(use_tc_tiling_on_sc=False),
        scratch_types=[
            pltpu.VMEM((C,), jnp.float32),
            pltpu.VMEM((C,), jnp.float32),
            *[pltpu.VMEM((2 * C,), jnp.int32) for _ in range(NBUF)],
            *[pltpu.VMEM((2 * C,), jnp.float32) for _ in range(NBUF)],
            *[pltpu.SemaphoreType.DMA for _ in range(NBUF)],
        ],
    )
    def gather_kernel(x_hbm, y_hbm, flow_hbm, out_hbm, x_v, y_v, *bufs):
        idx_bufs = bufs[:NBUF]
        rows_bufs = bufs[NBUF:2 * NBUF]
        sems = bufs[2 * NBUF:]
        wid = lax.axis_index("s") * NC + lax.axis_index("c")
        batch = wid // TPB
        q = wid % TPB
        blk_lo = q * BPT
        blk_hi = jnp.minimum(blk_lo + BPT, NP)
        plane0 = batch * (2 * HW)

        def chunk_coords(j):
            kb = jnp.minimum(blk_lo + j * CB, blk_hi - CB)
            return kb, batch * N + kb * _BLK, (batch * NP + kb) * (2 * _BLK)

        def compute_idx(ev_g, idx_v):
            pltpu.sync_copy(x_hbm.at[pl.ds(ev_g, C)], x_v)
            pltpu.sync_copy(y_hbm.at[pl.ds(ev_g, C)], y_v)

            def body(i, carry):
                xv = x_v[pl.ds(i * _LANES, _LANES)]
                yv = y_v[pl.ds(i * _LANES, _LANES)]
                ti = (xv + yv * float(W)).astype(jnp.int32)
                ti = jnp.clip(ti, 0, HW - 1) + plane0
                pos = ((i >> 3) * (2 * _BLK)) + ((i & 7) * _LANES)
                idx_v[pl.ds(pos, _LANES)] = ti
                idx_v[pl.ds(pos + _BLK, _LANES)] = ti + HW
                return carry

            lax.fori_loop(0, C // _LANES, body, 0)

        gathers = [None] * n_chunks
        out_offs = [None] * n_chunks

        def drain(k):
            gathers[k].wait()
            pltpu.sync_copy(rows_bufs[k % NBUF],
                            out_hbm.at[pl.ds(out_offs[k], 2 * C)])

        for j in range(n_chunks):
            b = j % NBUF
            _, ev_g, out_offs[j] = chunk_coords(j)
            compute_idx(ev_g, idx_bufs[b])
            gathers[j] = pltpu.async_copy(flow_hbm.at[idx_bufs[b]], rows_bufs[b],
                                          sems[b])
            if j >= NBUF - 1:
                drain(j - (NBUF - 1))
        for k in range(max(0, n_chunks - (NBUF - 1)), n_chunks):
            drain(k)

    return gather_kernel


def kernel(flow_map, event_list, event_mask, dt_input, dt_gt):
    B, _, H, W = flow_map.shape
    N = event_list.shape[1]
    NP = -(-N // _BLK)
    big = jnp.float32(3.4e38)
    flow_flat = flow_map.reshape(B * 2 * H * W)
    x_col = jnp.minimum(event_list[:, :, 1].reshape(B * N), big)
    y_col = jnp.minimum(event_list[:, :, 2].reshape(B * N), big)
    out = _build_gather_kernel(B, N, H, W)(x_col, y_col, flow_flat)
    res = out.reshape(B, NP, 2, _BLK).transpose(0, 1, 3, 2)
    return res.reshape(B, NP * _BLK, 2)[:, :N, :]

# --- scband reference (transcript-rebuilt; emitter-appended) ---
"""Pipeline reference for scband-base-validation-metric-18442589569627 (READ-ONLY COPY).

The authoritative reference and input builder live on the scoring server;
editing this copy changes nothing except your own understanding.
"""

import jax, jax.numpy as jnp
import numpy as np

RES = (512, 512)
B, N = 8, 500000

def setup_inputs(seed: int = 0) -> dict:
    key = jax.random.key(seed)
    k1, k2, k3, k4, k5, k6 = jax.random.split(key, 6)
    H, W = RES
    flow_map = jax.random.normal(k1, (B, 2, H, W), dtype=jnp.float32)
    ts = jax.random.uniform(k2, (B, N, 1), dtype=jnp.float32)
    x = jax.random.randint(k3, (B, N, 1), 0, H).astype(jnp.float32)
    y = jax.random.randint(k4, (B, N, 1), 0, W).astype(jnp.float32)
    p = (jax.random.randint(k5, (B, N, 1), 0, 2) * 2 - 1).astype(jnp.float32)
    event_list = jnp.concatenate([ts, x, y, p], axis=2)
    event_mask = (jax.random.uniform(k6, (B, H, W)) > 0.5).astype(jnp.float32)
    dt_input = jnp.asarray(0.033, dtype=jnp.float32)
    dt_gt = jnp.asarray(0.033, dtype=jnp.float32)
    return {"flow_map": flow_map, "event_list": event_list, "event_mask": event_mask, "dt_input": dt_input, "dt_gt": dt_gt}

def reference(flow_map, event_list, event_mask, dt_input, dt_gt):
    # Faithful translation of BaseValidationMetric.event_flow_association on fresh state
    # (self._flow_list is None, so the returned event_flow IS the new _flow_list).
    H, W = RES
    b = flow_map.shape[0]
    flow_idx = event_list[:, :, 1:3]
    flow_idx = flow_idx * jnp.array([1.0, float(W)], dtype=flow_idx.dtype)  # flow_idx[:,:,1] *= res[1]
    idx = jnp.sum(flow_idx, axis=2).astype(jnp.int32)  # [B, N]
    flow = flow_map.reshape(b, 2, -1).transpose(0, 2, 1)  # [B, H*W, 2]
    idx2 = jnp.broadcast_to(idx[:, :, None], idx.shape + (2,))  # repeat(1,1,2)
    event_flow = jnp.take_along_axis(flow, idx2, axis=1)  # torch.gather(flow, 1, ...)
    return event_flow

if __name__ == "__main__":
    import jax
    _d = setup_inputs()
    print(jax.jit(kernel)(*tuple(_d.values())))

</pallas_src>

<mosaic_0001>
#map = affine_map<(d0, d1) -> (0)>
module attributes {stable_mosaic.version = 14 : i64} {
  func.func @gather_kernel(%arg0: i32, %arg1: i32, %arg2: memref<4000000xf32, #tpu.memory_space<hbm>>, %arg3: memref<4000000xf32, #tpu.memory_space<hbm>>, %arg4: memref<4194304xf32, #tpu.memory_space<hbm>>, %arg5: memref<8001536xf32, #tpu.memory_space<hbm>>, %arg6: memref<8192xf32, #tpu.memory_space<vmem>>, %arg7: memref<8192xf32, #tpu.memory_space<vmem>>, %arg8: memref<16384xi32, #tpu.memory_space<vmem>>, %arg9: memref<16384xi32, #tpu.memory_space<vmem>>, %arg10: memref<16384xi32, #tpu.memory_space<vmem>>, %arg11: memref<16384xf32, #tpu.memory_space<vmem>>, %arg12: memref<16384xf32, #tpu.memory_space<vmem>>, %arg13: memref<16384xf32, #tpu.memory_space<vmem>>, %arg14: memref<!tpu.dma_semaphore, #tpu.memory_space<semaphore_mem>>, %arg15: memref<!tpu.dma_semaphore, #tpu.memory_space<semaphore_mem>>, %arg16: memref<!tpu.dma_semaphore, #tpu.memory_space<semaphore_mem>>) attributes {dimension_semantics = [#tpu.dimension_semantics<core_parallel>, #tpu.dimension_semantics<subcore_parallel>], iteration_bounds = array<i64: 2, 16>, scalar_prefetch = 0 : i64, scratch_operands = 11 : i64, tpu.core_type = #tpu.core_type<sc_vector_subcore>, window_params = [{transform_indices = #map}, {transform_indices = #map}, {transform_indices = #map}, {transform_indices = #map}]} {
    %mul3A = arith.constant 2 : i32
    %mul3A_0 = arith.muli %arg1, %mul3A : i32
    %add3A = arith.addi %mul3A_0, %arg0 : i32
    %jit3A = arith.constant 4 : i32
    %div3A = arith.divsi %add3A, %jit3A : i32
    %sign3A = arith.constant 0 : i32
    %sign3A_1 = arith.cmpi sgt, %add3A, %sign3A : i32
    %sign3A_2 = arith.extui %sign3A_1 : i1 to i32
    %sign3A_3 = arith.constant 0 : i32
    %sign3A_4 = arith.cmpi slt, %add3A, %sign3A_3 : i32
    %sign3A_5 = arith.extui %sign3A_4 : i1 to i32
    %sign3A_6 = arith.subi %sign3A_2, %sign3A_5 : i32
    %sign3A_7 = arith.constant 0 : i32
    %sign3A_8 = arith.cmpi sgt, %jit3A, %sign3A_7 : i32
    %sign3A_9 = arith.extui %sign3A_8 : i1 to i32
    %sign3A_10 = arith.constant 0 : i32
    %sign3A_11 = arith.cmpi slt, %jit3A, %sign3A_10 : i32
    %sign3A_12 = arith.extui %sign3A_11 : i1 to i32
    %sign3A_13 = arith.subi %sign3A_9, %sign3A_12 : i32
    %ne3A = arith.cmpi ne, %sign3A_6, %sign3A_13 : i32
    %rem3A = arith.remsi %add3A, %jit3A : i32
    %ne3A_14 = arith.constant 0 : i32
    %ne3A_15 = arith.cmpi ne, %rem3A, %ne3A_14 : i32
    %and3A = arith.andi %ne3A, %ne3A_15 : i1
    %sub3A = arith.constant 1 : i32
    %sub3A_16 = arith.subi %div3A, %sub3A : i32
    %select_n3A = arith.select %and3A, %sub3A_16, %div3A : i32
    %jit3A_17 = arith.constant 4 : i32
    %eq3A = arith.constant 0 : i32
    %eq3A_18 = arith.cmpi eq, %jit3A_17, %eq3A : i32
    %jit3A_19 = arith.constant 1 : i32
    %select_n3A_20 = arith.select %eq3A_18, %jit3A_19, %jit3A_17 : i32
    %rem3A_21 = arith.remsi %add3A, %select_n3A_20 : i32
    %ne3A_22 = arith.constant 0 : i32
    %ne3A_23 = arith.cmpi ne, %rem3A_21, %ne3A_22 : i32
    %lt3A = arith.constant 0 : i32
    %lt3A_24 = arith.cmpi slt, %rem3A_21, %lt3A : i32
    %lt3A_25 = arith.constant 0 : i32
    %lt3A_26 = arith.cmpi slt, %select_n3A_20, %lt3A_25 : i32
    %ne3A_27 = arith.xori %lt3A_24, %lt3A_26 : i1
    %and3A_28 = arith.andi %ne3A_27, %ne3A_23 : i1
    %add3A_29 = arith.addi %rem3A_21, %select_n3A_20 : i32
    %select_n3A_30 = arith.select %and3A_28, %add3A_29, %rem3A_21 : i32
    %mul3A_31 = arith.constant 977 : i32
    %mul3A_32 = arith.muli %select_n3A_30, %mul3A_31 : i32
    %add3A_33 = arith.constant 977 : i32
    %add3A_34 = arith.addi %mul3A_32, %add3A_33 : i32
    %min3A = arith.constant 3907 : i32
    %min3A_35 = arith.minsi %add3A_34, %min3A : i32
    %mul3A_36 = arith.constant 524288 : i32
    %mul3A_37 = arith.muli %select_n3A, %mul3A_36 : i32
    %add3A_38 = arith.constant 0 : i32
    %add3A_39 = arith.addi %mul3A_32, %add3A_38 : i32
    %sub3A_40 = arith.constant 64 : i32
    %sub3A_41 = arith.subi %min3A_35, %sub3A_40 : i32
    %min3A_42 = arith.minsi %add3A_39, %sub3A_41 : i32
    %mul3A_43 = arith.constant 500000 : i32
    %mul3A_44 = arith.muli %select_n3A, %mul3A_43 : i32
    %mul3A_45 = arith.constant 128 : i32
    %mul3A_46 = arith.muli %min3A_42, %mul3A_45 : i32
    %add3A_47 = arith.addi %mul3A_44, %mul3A_46 : i32
    %mul3A_48 = arith.constant 3907 : i32
    %mul3A_49 = arith.muli %select_n3A, %mul3A_48 : i32
    %add3A_50 = arith.addi %mul3A_49, %min3A_42 : i32
    %mul3A_51 = arith.constant 256 : i32
    %mul3A_52 = arith.muli %add3A_50, %mul3A_51 : i32
    "tpu.region"() ({
      %run_scoped3A = tpu.sem_alloc : memref<!tpu.dma_semaphore, #tpu.memory_space<semaphore_mem>>
      %dma_start3A_435 = tpu.memref_slice %arg2[%add3A_47] : memref<4000000xf32, #tpu.memory_space<hbm>> -> memref<8192xf32, #tpu.memory_space<hbm>>
      %dma_start3A_436 = tpu.memref_slice %arg2[%add3A_47] : memref<4000000xf32, #tpu.memory_space<hbm>> -> memref<8192xf32, #tpu.memory_space<hbm>>
      tpu.enqueue_dma source(%dma_start3A_436 : memref<8192xf32, #tpu.memory_space<hbm>>) target(%arg6 : memref<8192xf32, #tpu.memory_space<vmem>>) target_semaphore(%run_scoped3A : memref<!tpu.dma_semaphore, #tpu.memory_space<semaphore_mem>>)
      %dma_wait3A_437 = tpu.memref_slice %arg2[%add3A_47] : memref<4000000xf32, #tpu.memory_space<hbm>> -> memref<8192xf32, #tpu.memory_space<hbm>>
      %dma_wait3A_438 = tpu.memref_slice %arg2[%add3A_47] : memref<4000000xf32, #tpu.memory_space<hbm>> -> memref<8192xf32, #tpu.memory_space<hbm>>
      tpu.wait_dma2 semaphore(%run_scoped3A : memref<!tpu.dma_semaphore, #tpu.memory_space<semaphore_mem>>) src(%dma_wait3A_438 : memref<8192xf32, #tpu.memory_space<hbm>>) dst(%arg6 : memref<8192xf32, #tpu.memory_space<vmem>>)
      tpu.yield
    }) : () -> ()
    "tpu.region"() ({
      %run_scoped3A = tpu.sem_alloc : memref<!tpu.dma_semaphore, #tpu.memory_space<semaphore_mem>>
      %dma_start3A_435 = tpu.memref_slice %arg3[%add3A_47] : memref<4000000xf32, #tpu.memory_space<hbm>> -> memref<8192xf32, #tpu.memory_space<hbm>>
      %dma_start3A_436 = tpu.memref_slice %arg3[%add3A_47] : memref<4000000xf32, #tpu.memory_space<hbm>> -> memref<8192xf32, #tpu.memory_space<hbm>>
      tpu.enqueue_dma source(%dma_start3A_436 : memref<8192xf32, #tpu.memory_space<hbm>>) target(%arg7 : memref<8192xf32, #tpu.memory_space<vmem>>) target_semaphore(%run_scoped3A : memref<!tpu.dma_semaphore, #tpu.memory_space<semaphore_mem>>)
      %dma_wait3A_437 = tpu.memref_slice %arg3[%add3A_47] : memref<4000000xf32, #tpu.memory_space<hbm>> -> memref<8192xf32, #tpu.memory_space<hbm>>
      %dma_wait3A_438 = tpu.memref_slice %arg3[%add3A_47] : memref<4000000xf32, #tpu.memory_space<hbm>> -> memref<8192xf32, #tpu.memory_space<hbm>>
      tpu.wait_dma2 semaphore(%run_scoped3A : memref<!tpu.dma_semaphore, #tpu.memory_space<semaphore_mem>>) src(%dma_wait3A_438 : memref<8192xf32, #tpu.memory_space<hbm>>) dst(%arg7 : memref<8192xf32, #tpu.memory_space<vmem>>)
      tpu.yield
    }) : () -> ()
    %scan3A = arith.constant 0 : i32
    %scan3A_53 = arith.constant 0 : i32
    %scan3A_54 = arith.constant 512 : i32
    %scan3A_55 = arith.addi %scan3A_53, %scan3A_54 : i32
    %scan3A_56 = arith.constant 1 : i32
    scf.for %scan3A_435 = %scan3A_53 to %scan3A_55 step %scan3A_56  : i32 {
      %mul3A_436 = arith.constant 16 : i32
      %mul3A_437 = arith.muli %scan3A_435, %mul3A_436 : i32
      %get3A = arith.index_cast %mul3A_437 : i32 to index
      %get3A_438 = tpu.vector_load %arg6[%get3A] {strides = array<i32>} : memref<8192xf32, #tpu.memory_space<vmem>>, vector<16xf32>,
      %get3A_439 = vector.shape_cast %get3A_438 : vector<16xf32> to vector<16xf32>
      %mul3A_440 = arith.constant 16 : i32
      %mul3A_441 = arith.muli %scan3A_435, %mul3A_440 : i32
      %get3A_442 = arith.index_cast %mul3A_441 : i32 to index
      %get3A_443 = tpu.vector_load %arg7[%get3A_442] {strides = array<i32>} : memref<8192xf32, #tpu.memory_space<vmem>>, vector<16xf32>,
      %get3A_444 = vector.shape_cast %get3A_443 : vector<16xf32> to vector<16xf32>
      %mul3A_445 = arith.constant 5.120000e+02 : f32
      %mul3A_446 = vector.broadcast %mul3A_445 : f32 to vector<16xf32>
      %mul3A_447 = arith.mulf %get3A_444, %mul3A_446 : vector<16xf32>
      %add3A_448 = arith.addf %get3A_439, %mul3A_447 : vector<16xf32>
      %convert_element_type3A = arith.fptosi %add3A_448 : vector<16xf32> to vector<16xi32>
      %jit3A_449 = arith.constant 0 : i32
      %jit3A_450 = arith.constant 262143 : i32
      %max3A = vector.broadcast %jit3A_449 : i32 to vector<16xi32>
      %max3A_451 = arith.maxsi %max3A, %convert_element_type3A : vector<16xi32>
      %min3A_452 = vector.broadcast %jit3A_450 : i32 to vector<16xi32>
      %min3A_453 = arith.minsi %min3A_452, %max3A_451 : vector<16xi32>
      %add3A_454 = vector.broadcast %mul3A_37 : i32 to vector<16xi32>
      %add3A_455 = arith.addi %min3A_453, %add3A_454 : vector<16xi32>
      %shift_right_arithmetic3A = arith.constant 3 : i32
      %shift_right_arithmetic3A_456 = arith.shrsi %scan3A_435, %shift_right_arithmetic3A : i32
      %mul3A_457 = arith.constant 256 : i32
      %mul3A_458 = arith.muli %shift_right_arithmetic3A_456, %mul3A_457 : i32
      %and3A_459 = arith.constant 7 : i32
      %and3A_460 = arith.andi %scan3A_435, %and3A_459 : i32
      %mul3A_461 = arith.constant 16 : i32
      %mul3A_462 = arith.muli %and3A_460, %mul3A_461 : i32
      %add3A_463 = arith.addi %mul3A_458, %mul3A_462 : i32
      %swap3A = arith.index_cast %add3A_463 : i32 to index
      %swap3A_464 = tpu.vector_load %arg8[%swap3A] {strides = array<i32>} : memref<16384xi32, #tpu.memory_space<vmem>>, vector<16xi32>,
      %swap3A_465 = vector.shape_cast %swap3A_464 : vector<16xi32> to vector<16xi32>
      %swap3A_466 = vector.shape_cast %add3A_455 : vector<16xi32> to vector<16xi32>
      tpu.vector_store %arg8[%swap3A], %swap3A_466 {strides = array<i32>} : memref<16384xi32, #tpu.memory_space<vmem>>, vector<16xi32>,
      %add3A_467 = arith.constant 262144 : i32
      %add3A_468 = vector.broadcast %add3A_467 : i32 to vector<16xi32>
      %add3A_469 = arith.addi %add3A_455, %add3A_468 : vector<16xi32>
      %add3A_470 = arith.constant 128 : i32
      %add3A_471 = arith.addi %add3A_463, %add3A_470 : i32
      %swap3A_472 = arith.index_cast %add3A_471 : i32 to index
      %swap3A_473 = tpu.vector_load %arg8[%swap3A_472] {strides = array<i32>} : memref<16384xi32, #tpu.memory_space<vmem>>, vector<16xi32>,
      %swap3A_474 = vector.shape_cast %swap3A_473 : vector<16xi32> to vector<16xi32>
      %swap3A_475 = vector.shape_cast %add3A_469 : vector<16xi32> to vector<16xi32>
      tpu.vector_store %arg8[%swap3A_472], %swap3A_475 {strides = array<i32>} : memref<16384xi32, #tpu.memory_space<vmem>>, vector<16xi32>,
    }
    %scan3A_57 = arith.constant 512 : i32
    %dma_start3A = arith.constant 0 : i32
    %dma_start3A_58 = tpu.memref_slice %arg4[%dma_start3A] : memref<4194304xf32, #tpu.memory_space<hbm>> -> memref<4194304xf32, #tpu.memory_space<hbm>>
    tpu.enqueue_indirect_dma source(%dma_start3A_58 : memref<4194304xf32, #tpu.memory_space<hbm>>) target(%arg11 : memref<16384xf32, #tpu.memory_space<vmem>>) offsets(%arg8 : memref<16384xi32, #tpu.memory_space<vmem>>) semaphore(%arg14 : memref<!tpu.dma_semaphore, #tpu.memory_space<semaphore_mem>>)
    %add3A_59 = arith.constant 64 : i32
    %add3A_60 = arith.addi %mul3A_32, %add3A_59 : i32
    %sub3A_61 = arith.constant 64 : i32
    %sub3A_62 = arith.subi %min3A_35, %sub3A_61 : i32
    %min3A_63 = arith.minsi %add3A_60, %sub3A_62 : i32
    %mul3A_64 = arith.constant 500000 : i32
    %mul3A_65 = arith.muli %select_n3A, %mul3A_64 : i32
    %mul3A_66 = arith.constant 128 : i32
    %mul3A_67 = arith.muli %min3A_63, %mul3A_66 : i32
    %add3A_68 = arith.addi %mul3A_65, %mul3A_67 : i32
    %mul3A_69 = arith.constant 3907 : i32
    %mul3A_70 = arith.muli %select_n3A, %mul3A_69 : i32
    %add3A_71 = arith.addi %mul3A_70, %min3A_63 : i32
    %mul3A_72 = arith.constant 256 : i32
    %mul3A_73 = arith.muli %add3A_71, %mul3A_72 : i32
    "tpu.region"() ({
      %run_scoped3A = tpu.sem_alloc : memref<!tpu.dma_semaphore, #tpu.memory_space<semaphore_mem>>
      %dma_start3A_435 = tpu.memref_slice %arg2[%add3A_68] : memref<4000000xf32, #tpu.memory_space<hbm>> -> memref<8192xf32, #tpu.memory_space<hbm>>
      %dma_start3A_436 = tpu.memref_slice %arg2[%add3A_68] : memref<4000000xf32, #tpu.memory_space<hbm>> -> memref<8192xf32, #tpu.memory_space<hbm>>
      tpu.enqueue_dma source(%dma_start3A_436 : memref<8192xf32, #tpu.memory_space<hbm>>) target(%arg6 : memref<8192xf32, #tpu.memory_space<vmem>>) target_semaphore(%run_scoped3A : memref<!tpu.dma_semaphore, #tpu.memory_space<semaphore_mem>>)
      %dma_wait3A_437 = tpu.memref_slice %arg2[%add3A_68] : memref<4000000xf32, #tpu.memory_space<hbm>> -> memref<8192xf32, #tpu.memory_space<hbm>>
      %dma_wait3A_438 = tpu.memref_slice %arg2[%add3A_68] : memref<4000000xf32, #tpu.memory_space<hbm>> -> memref<8192xf32, #tpu.memory_space<hbm>>
      tpu.wait_dma2 semaphore(%run_scoped3A : memref<!tpu.dma_semaphore, #tpu.memory_space<semaphore_mem>>) src(%dma_wait3A_438 : memref<8192xf32, #tpu.memory_space<hbm>>) dst(%arg6 : memref<8192xf32, #tpu.memory_space<vmem>>)
      tpu.yield
    }) : () -> ()
    "tpu.region"() ({
      %run_scoped3A = tpu.sem_alloc : memref<!tpu.dma_semaphore, #tpu.memory_space<semaphore_mem>>
      %dma_start3A_435 = tpu.memref_slice %arg3[%add3A_68] : memref<4000000xf32, #tpu.memory_space<hbm>> -> memref<8192xf32, #tpu.memory_space<hbm>>
      %dma_start3A_436 = tpu.memref_slice %arg3[%add3A_68] : memref<4000000xf32, #tpu.memory_space<hbm>> -> memref<8192xf32, #tpu.memory_space<hbm>>
      tpu.enqueue_dma source(%dma_start3A_436 : memref<8192xf32, #tpu.memory_space<hbm>>) target(%arg7 : memref<8192xf32, #tpu.memory_space<vmem>>) target_semaphore(%run_scoped3A : memref<!tpu.dma_semaphore, #tpu.memory_space<semaphore_mem>>)
      %dma_wait3A_437 = tpu.memref_slice %arg3[%add3A_68] : memref<4000000xf32, #tpu.memory_space<hbm>> -> memref<8192xf32, #tpu.memory_space<hbm>>
      %dma_wait3A_438 = tpu.memref_slice %arg3[%add3A_68] : memref<4000000xf32, #tpu.memory_space<hbm>> -> memref<8192xf32, #tpu.memory_space<hbm>>
      tpu.wait_dma2 semaphore(%run_scoped3A : memref<!tpu.dma_semaphore, #tpu.memory_space<semaphore_mem>>) src(%dma_wait3A_438 : memref<8192xf32, #tpu.memory_space<hbm>>) dst(%arg7 : memref<8192xf32, #tpu.memory_space<vmem>>)
      tpu.yield
    }) : () -> ()
    %scan3A_74 = arith.constant 0 : i32
    %scan3A_75 = arith.constant 0 : i32
    %scan3A_76 = arith.constant 512 : i32
    %scan3A_77 = arith.addi %scan3A_75, %scan3A_76 : i32
    %scan3A_78 = arith.constant 1 : i32
    scf.for %scan3A_435 = %scan3A_75 to %scan3A_77 step %scan3A_78  : i32 {
      %mul3A_436 = arith.constant 16 : i32
      %mul3A_437 = arith.muli %scan3A_435, %mul3A_436 : i32
      %get3A = arith.index_cast %mul3A_437 : i32 to index
      %get3A_438 = tpu.vector_load %arg6[%get3A] {strides = array<i32>} : memref<8192xf32, #tpu.memory_space<vmem>>, vector<16xf32>,
      %get3A_439 = vector.shape_cast %get3A_438 : vector<16xf32> to vector<16xf32>
      %mul3A_440 = arith.constant 16 : i32
      %mul3A_441 = arith.muli %scan3A_435, %mul3A_440 : i32
      %get3A_442 = arith.index_cast %mul3A_441 : i32 to index
      %get3A_443 = tpu.vector_load %arg7[%get3A_442] {strides = array<i32>} : memref<8192xf32, #tpu.memory_space<vmem>>, vector<16xf32>,
      %get3A_444 = vector.shape_cast %get3A_443 : vector<16xf32> to vector<16xf32>
      %mul3A_445 = arith.constant 5.120000e+02 : f32
      %mul3A_446 = vector.broadcast %mul3A_445 : f32 to vector<16xf32>
      %mul3A_447 = arith.mulf %get3A_444, %mul3A_446 : vector<16xf32>
      %add3A_448 = arith.addf %get3A_439, %mul3A_447 : vector<16xf32>
      %convert_element_type3A = arith.fptosi %add3A_448 : vector<16xf32> to vector<16xi32>
      %jit3A_449 = arith.constant 0 : i32
      %jit3A_450 = arith.constant 262143 : i32
      %max3A = vector.broadcast %jit3A_449 : i32 to vector<16xi32>
      %max3A_451 = arith.maxsi %max3A, %convert_element_type3A : vector<16xi32>
      %min3A_452 = vector.broadcast %jit3A_450 : i32 to vector<16xi32>
      %min3A_453 = arith.minsi %min3A_452, %max3A_451 : vector<16xi32>
      %add3A_454 = vector.broadcast %mul3A_37 : i32 to vector<16xi32>
      %add3A_455 = arith.addi %min3A_453, %add3A_454 : vector<16xi32>
      %shift_right_arithmetic3A = arith.constant 3 : i32
      %shift_right_arithmetic3A_456 = arith.shrsi %scan3A_435, %shift_right_arithmetic3A : i32
      %mul3A_457 = arith.constant 256 : i32
      %mul3A_458 = arith.muli %shift_right_arithmetic3A_456, %mul3A_457 : i32
      %and3A_459 = arith.constant 7 : i32
      %and3A_460 = arith.andi %scan3A_435, %and3A_459 : i32
      %mul3A_461 = arith.constant 16 : i32
      %mul3A_462 = arith.muli %and3A_460, %mul3A_461 : i32
      %add3A_463 = arith.addi %mul3A_458, %mul3A_462 : i32
      %swap3A = arith.index_cast %add3A_463 : i32 to index
      %swap3A_464 = tpu.vector_load %arg9[%swap3A] {strides = array<i32>} : memref<16384xi32, #tpu.memory_space<vmem>>, vector<16xi32>,
      %swap3A_465 = vector.shape_cast %swap3A_464 : vector<16xi32> to vector<16xi32>
      %swap3A_466 = vector.shape_cast %add3A_455 : vector<16xi32> to vector<16xi32>
      tpu.vector_store %arg9[%swap3A], %swap3A_466 {strides = array<i32>} : memref<16384xi32, #tpu.memory_space<vmem>>, vector<16xi32>,
      %add3A_467 = arith.constant 262144 : i32
      %add3A_468 = vector.broadcast %add3A_467 : i32 to vector<16xi32>
      %add3A_469 = arith.addi %add3A_455, %add3A_468 : vector<16xi32>
      %add3A_470 = arith.constant 128 : i32
      %add3A_471 = arith.addi %add3A_463, %add3A_470 : i32
      %swap3A_472 = arith.index_cast %add3A_471 : i32 to index
      %swap3A_473 = tpu.vector_load %arg9[%swap3A_472] {strides = array<i32>} : memref<16384xi32, #tpu.memory_space<vmem>>, vector<16xi32>,
      %swap3A_474 = vector.shape_cast %swap3A_473 : vector<16xi32> to vector<16xi32>
      %swap3A_475 = vector.shape_cast %add3A_469 : vector<16xi32> to vector<16xi32>
      tpu.vector_store %arg9[%swap3A_472], %swap3A_475 {strides = array<i32>} : memref<16384xi32, #tpu.memory_space<vmem>>, vector<16xi32>,
    }
    %scan3A_79 = arith.constant 512 : i32
    %dma_start3A_80 = arith.constant 0 : i32
    %dma_start3A_81 = tpu.memref_slice %arg4[%dma_start3A_80] : memref<4194304xf32, #tpu.memory_space<hbm>> -> memref<4194304xf32, #tpu.memory_space<hbm>>
    tpu.enqueue_indirect_dma source(%dma_start3A_81 : memref<4194304xf32, #tpu.memory_space<hbm>>) target(%arg12 : memref<16384xf32, #tpu.memory_space<vmem>>) offsets(%arg9 : memref<16384xi32, #tpu.memory_space<vmem>>) semaphore(%arg15 : memref<!tpu.dma_semaphore, #tpu.memory_space<semaphore_mem>>)
    %add3A_82 = arith.constant 128 : i32
    %add3A_83 = arith.addi %mul3A_32, %add3A_82 : i32
    %sub3A_84 = arith.constant 64 : i32
    %sub3A_85 = arith.subi %min3A_35, %sub3A_84 : i32
    %min3A_86 = arith.minsi %add3A_83, %sub3A_85 : i32
    %mul3A_87 = arith.constant 500000 : i32
    %mul3A_88 = arith.muli %select_n3A, %mul3A_87 : i32
    %mul3A_89 = arith.constant 128 : i32
    %mul3A_90 = arith.muli %min3A_86, %mul3A_89 : i32
    %add3A_91 = arith.addi %mul3A_88, %mul3A_90 : i32
    %mul3A_92 = arith.constant 3907 : i32
    %mul3A_93 = arith.muli %select_n3A, %mul3A_92 : i32
    %add3A_94 = arith.addi %mul3A_93, %min3A_86 : i32
    %mul3A_95 = arith.constant 256 : i32
    %mul3A_96 = arith.muli %add3A_94, %mul3A_95 : i32
    "tpu.region"() ({
      %run_scoped3A = tpu.sem_alloc : memref<!tpu.dma_semaphore, #tpu.memory_space<semaphore_mem>>
      %dma_start3A_435 = tpu.memref_slice %arg2[%add3A_91] : memref<4000000xf32, #tpu.memory_space<hbm>> -> memref<8192xf32, #tpu.memory_space<hbm>>
      %dma_start3A_436 = tpu.memref_slice %arg2[%add3A_91] : memref<4000000xf32, #tpu.memory_space<hbm>> -> memref<8192xf32, #tpu.memory_space<hbm>>
      tpu.enqueue_dma source(%dma_start3A_436 : memref<8192xf32, #tpu.memory_space<hbm>>) target(%arg6 : memref<8192xf32, #tpu.memory_space<vmem>>) target_semaphore(%run_scoped3A : memref<!tpu.dma_semaphore, #tpu.memory_space<semaphore_mem>>)
      %dma_wait3A_437 = tpu.memref_slice %arg2[%add3A_91] : memref<4000000xf32, #tpu.memory_space<hbm>> -> memref<8192xf32, #tpu.memory_space<hbm>>
      %dma_wait3A_438 = tpu.memref_slice %arg2[%add3A_91] : memref<4000000xf32, #tpu.memory_space<hbm>> -> memref<8192xf32, #tpu.memory_space<hbm>>
      tpu.wait_dma2 semaphore(%run_scoped3A : memref<!tpu.dma_semaphore, #tpu.memory_space<semaphore_mem>>) src(%dma_wait3A_438 : memref<8192xf32, #tpu.memory_space<hbm>>) dst(%arg6 : memref<8192xf32, #tpu.memory_space<vmem>>)
      tpu.yield
    }) : () -> ()
    "tpu.region"() ({
      %run_scoped3A = tpu.sem_alloc : memref<!tpu.dma_semaphore, #tpu.memory_space<semaphore_mem>>
      %dma_start3A_435 = tpu.memref_slice %arg3[%add3A_91] : memref<4000000xf32, #tpu.memory_space<hbm>> -> memref<8192xf32, #tpu.memory_space<hbm>>
      %dma_start3A_436 = tpu.memref_slice %arg3[%add3A_91] : memref<4000000xf32, #tpu.memory_space<hbm>> -> memref<8192xf32, #tpu.memory_space<hbm>>
      tpu.enqueue_dma source(%dma_start3A_436 : memref<8192xf32, #tpu.memory_space<hbm>>) target(%arg7 : memref<8192xf32, #tpu.memory_space<vmem>>) target_semaphore(%run_scoped3A : memref<!tpu.dma_semaphore, #tpu.memory_space<semaphore_mem>>)
      %dma_wait3A_437 = tpu.memref_slice %arg3[%add3A_91] : memref<4000000xf32, #tpu.memory_space<hbm>> -> memref<8192xf32, #tpu.memory_space<hbm>>
      %dma_wait3A_438 = tpu.memref_slice %arg3[%add3A_91] : memref<4000000xf32, #tpu.memory_space<hbm>> -> memref<8192xf32, #tpu.memory_space<hbm>>
      tpu.wait_dma2 semaphore(%run_scoped3A : memref<!tpu.dma_semaphore, #tpu.memory_space<semaphore_mem>>) src(%dma_wait3A_438 : memref<8192xf32, #tpu.memory_space<hbm>>) dst(%arg7 : memref<8192xf32, #tpu.memory_space<vmem>>)
      tpu.yield
    }) : () -> ()
    %scan3A_97 = arith.constant 0 : i32
    %scan3A_98 = arith.constant 0 : i32
    %scan3A_99 = arith.constant 512 : i32
    %scan3A_100 = arith.addi %scan3A_98, %scan3A_99 : i32
    %scan3A_101 = arith.constant 1 : i32
    scf.for %scan3A_435 = %scan3A_98 to %scan3A_100 step %scan3A_101  : i32 {
      %mul3A_436 = arith.constant 16 : i32
      %mul3A_437 = arith.muli %scan3A_435, %mul3A_436 : i32
      %get3A = arith.index_cast %mul3A_437 : i32 to index
      %get3A_438 = tpu.vector_load %arg6[%get3A] {strides = array<i32>} : memref<8192xf32, #tpu.memory_space<vmem>>, vector<16xf32>,
      %get3A_439 = vector.shape_cast %get3A_438 : vector<16xf32> to vector<16xf32>
      %mul3A_440 = arith.constant 16 : i32
      %mul3A_441 = arith.muli %scan3A_435, %mul3A_440 : i32
      %get3A_442 = arith.index_cast %mul3A_441 : i32 to index
      %get3A_443 = tpu.vector_load %arg7[%get3A_442] {strides = array<i32>} : memref<8192xf32, #tpu.memory_space<vmem>>, vector<16xf32>,
      %get3A_444 = vector.shape_cast %get3A_443 : vector<16xf32> to vector<16xf32>
      %mul3A_445 = arith.constant 5.120000e+02 : f32
      %mul3A_446 = vector.broadcast %mul3A_445 : f32 to vector<16xf32>
      %mul3A_447 = arith.mulf %get3A_444, %mul3A_446 : vector<16xf32>
      %add3A_448 = arith.addf %get3A_439, %mul3A_447 : vector<16xf32>
      %convert_element_type3A = arith.fptosi %add3A_448 : vector<16xf32> to vector<16xi32>
      %jit3A_449 = arith.constant 0 : i32
      %jit3A_450 = arith.constant 262143 : i32
      %max3A = vector.broadcast %jit3A_449 : i32 to vector<16xi32>
      %max3A_451 = arith.maxsi %max3A, %convert_element_type3A : vector<16xi32>
      %min3A_452 = vector.broadcast %jit3A_450 : i32 to vector<16xi32>
      %min3A_453 = arith.minsi %min3A_452, %max3A_451 : vector<16xi32>
      %add3A_454 = vector.broadcast %mul3A_37 : i32 to vector<16xi32>
      %add3A_455 = arith.addi %min3A_453, %add3A_454 : vector<16xi32>
      %shift_right_arithmetic3A = arith.constant 3 : i32
      %shift_right_arithmetic3A_456 = arith.shrsi %scan3A_435, %shift_right_arithmetic3A : i32
      %mul3A_457 = arith.constant 256 : i32
      %mul3A_458 = arith.muli %shift_right_arithmetic3A_456, %mul3A_457 : i32
      %and3A_459 = arith.constant 7 : i32
      %and3A_460 = arith.andi %scan3A_435, %and3A_459 : i32
      %mul3A_461 = arith.constant 16 : i32
      %mul3A_462 = arith.muli %and3A_460, %mul3A_461 : i32
      %add3A_463 = arith.addi %mul3A_458, %mul3A_462 : i32
      %swap3A = arith.index_cast %add3A_463 : i32 to index
      %swap3A_464 = tpu.vector_load %arg10[%swap3A] {strides = array<i32>} : memref<16384xi32, #tpu.memory_space<vmem>>, vector<16xi32>,
      %swap3A_465 = vector.shape_cast %swap3A_464 : vector<16xi32> to vector<16xi32>
      %swap3A_466 = vector.shape_cast %add3A_455 : vector<16xi32> to vector<16xi32>
      tpu.vector_store %arg10[%swap3A], %swap3A_466 {strides = array<i32>} : memref<16384xi32, #tpu.memory_space<vmem>>, vector<16xi32>,
      %add3A_467 = arith.constant 262144 : i32
      %add3A_468 = vector.broadcast %add3A_467 : i32 to vector<16xi32>
      %add3A_469 = arith.addi %add3A_455, %add3A_468 : vector<16xi32>
      %add3A_470 = arith.constant 128 : i32
      %add3A_471 = arith.addi %add3A_463, %add3A_470 : i32
      %swap3A_472 = arith.index_cast %add3A_471 : i32 to index
      %swap3A_473 = tpu.vector_load %arg10[%swap3A_472] {strides = array<i32>} : memref<16384xi32, #tpu.memory_space<vmem>>, vector<16xi32>,
      %swap3A_474 = vector.shape_cast %swap3A_473 : vector<16xi32> to vector<16xi32>
      %swap3A_475 = vector.shape_cast %add3A_469 : vector<16xi32> to vector<16xi32>
      tpu.vector_store %arg10[%swap3A_472], %swap3A_475 {strides = array<i32>} : memref<16384xi32, #tpu.memory_space<vmem>>, vector<16xi32>,
    }
    %scan3A_102 = arith.constant 512 : i32
    %dma_start3A_103 = arith.constant 0 : i32
    %dma_start3A_104 = tpu.memref_slice %arg4[%dma_start3A_103] : memref<4194304xf32, #tpu.memory_space<hbm>> -> memref<4194304xf32, #tpu.memory_space<hbm>>
    tpu.enqueue_indirect_dma source(%dma_start3A_104 : memref<4194304xf32, #tpu.memory_space<hbm>>) target(%arg13 : memref<16384xf32, #tpu.memory_space<vmem>>) offsets(%arg10 : memref<16384xi32, #tpu.memory_space<vmem>>) semaphore(%arg16 : memref<!tpu.dma_semaphore, #tpu.memory_space<semaphore_mem>>)
    %dma_wait3A = arith.constant 0 : i32
    %dma_wait3A_105 = tpu.memref_slice %arg4[%dma_wait3A] : memref<4194304xf32, #tpu.memory_space<hbm>> -> memref<4194304xf32, #tpu.memory_space<hbm>>
    tpu.wait_indirect_dma semaphore(%arg14 : memref<!tpu.dma_semaphore, #tpu.memory_space<semaphore_mem>>) src(%dma_wait3A_105 : memref<4194304xf32, #tpu.memory_space<hbm>>) dst(%arg11 : memref<16384xf32, #tpu.memory_space<vmem>>)
    "tpu.region"() ({
      %run_scoped3A = tpu.sem_alloc : memref<!tpu.dma_semaphore, #tpu.memory_space<semaphore_mem>>
      %dma_start3A_435 = tpu.memref_slice %arg5[%mul3A_52] : memref<8001536xf32, #tpu.memory_space<hbm>> -> memref<16384xf32, #tpu.memory_space<hbm>>
      %dma_start3A_436 = tpu.memref_slice %arg5[%mul3A_52] : memref<8001536xf32, #tpu.memory_space<hbm>> -> memref<16384xf32, #tpu.memory_space<hbm>>
      tpu.enqueue_dma source(%arg11 : memref<16384xf32, #tpu.memory_space<vmem>>) target(%dma_start3A_436 : memref<16384xf32, #tpu.memory_space<hbm>>) target_semaphore(%run_scoped3A : memref<!tpu.dma_semaphore, #tpu.memory_space<semaphore_mem>>)
      %dma_wait3A_437 = tpu.memref_slice %arg5[%mul3A_52] : memref<8001536xf32, #tpu.memory_space<hbm>> -> memref<16384xf32, #tpu.memory_space<hbm>>
      %dma_wait3A_438 = tpu.memref_slice %arg5[%mul3A_52] : memref<8001536xf32, #tpu.memory_space<hbm>> -> memref<16384xf32, #tpu.memory_space<hbm>>
      tpu.wait_dma2 semaphore(%run_scoped3A : memref<!tpu.dma_semaphore, #tpu.memory_space<semaphore_mem>>) src(%arg11 : memref<16384xf32, #tpu.memory_space<vmem>>) dst(%dma_wait3A_438 : memref<16384xf32, #tpu.memory_space<hbm>>)
      tpu.yield
    }) : () -> ()
    %add3A_106 = arith.constant 192 : i32
    %add3A_107 = arith.addi %mul3A_32, %add3A_106 : i32
    %sub3A_108 = arith.constant 64 : i32
    %sub3A_109 = arith.subi %min3A_35, %sub3A_108 : i32
    %min3A_110 = arith.minsi %add3A_107, %sub3A_109 : i32
    %mul3A_111 = arith.constant 500000 : i32
    %mul3A_112 = arith.muli %select_n3A, %mul3A_111 : i32
    %mul3A_113 = arith.constant 128 : i32
    %mul3A_114 = arith.muli %min3A_110, %mul3A_113 : i32
    %add3A_115 = arith.addi %mul3A_112, %mul3A_114 : i32
    %mul3A_116 = arith.constant 3907 : i32
    %mul3A_117 = arith.muli %select_n3A, %mul3A_116 : i32
    %add3A_118 = arith.addi %mul3A_117, %min3A_110 : i32
    %mul3A_119 = arith.constant 256 : i32
    %mul3A_120 = arith.muli %add3A_118, %mul3A_119 : i32
    "tpu.region"() ({
      %run_scoped3A = tpu.sem_alloc : memref<!tpu.dma_semaphore, #tpu.memory_space<semaphore_mem>>
      %dma_start3A_435 = tpu.memref_slice %arg2[%add3A_115] : memref<4000000xf32, #tpu.memory_space<hbm>> -> memref<8192xf32, #tpu.memory_space<hbm>>
      %dma_start3A_436 = tpu.memref_slice %arg2[%add3A_115] : memref<4000000xf32, #tpu.memory_space<hbm>> -> memref<8192xf32, #tpu.memory_space<hbm>>
      tpu.enqueue_dma source(%dma_start3A_436 : memref<8192xf32, #tpu.memory_space<hbm>>) target(%arg6 : memref<8192xf32, #tpu.memory_space<vmem>>) target_semaphore(%run_scoped3A : memref<!tpu.dma_semaphore, #tpu.memory_space<semaphore_mem>>)
      %dma_wait3A_437 = tpu.memref_slice %arg2[%add3A_115] : memref<4000000xf32, #tpu.memory_space<hbm>> -> memref<8192xf32, #tpu.memory_space<hbm>>
      %dma_wait3A_438 = tpu.memref_slice %arg2[%add3A_115] : memref<4000000xf32, #tpu.memory_space<hbm>> -> memref<8192xf32, #tpu.memory_space<hbm>>
      tpu.wait_dma2 semaphore(%run_scoped3A : memref<!tpu.dma_semaphore, #tpu.memory_space<semaphore_mem>>) src(%dma_wait3A_438 : memref<8192xf32, #tpu.memory_space<hbm>>) dst(%arg6 : memref<8192xf32, #tpu.memory_space<vmem>>)
      tpu.yield
    }) : () -> ()
    "tpu.region"() ({
      %run_scoped3A = tpu.sem_alloc : memref<!tpu.dma_semaphore, #tpu.memory_space<semaphore_mem>>
      %dma_start3A_435 = tpu.memref_slice %arg3[%add3A_115] : memref<4000000xf32, #tpu.memory_space<hbm>> -> memref<8192xf32, #tpu.memory_space<hbm>>
      %dma_start3A_436 = tpu.memref_slice %arg3[%add3A_115] : memref<4000000xf32, #tpu.memory_space<hbm>> -> memref<8192xf32, #tpu.memory_space<hbm>>
      tpu.enqueue_dma source(%dma_start3A_436 : memref<8192xf32, #tpu.memory_space<hbm>>) target(%arg7 : memref<8192xf32, #tpu.memory_space<vmem>>) target_semaphore(%run_scoped3A : memref<!tpu.dma_semaphore, #tpu.memory_space<semaphore_mem>>)
      %dma_wait3A_437 = tpu.memref_slice %arg3[%add3A_115] : memref<4000000xf32, #tpu.memory_space<hbm>> -> memref<8192xf32, #tpu.memory_space<hbm>>
      %dma_wait3A_438 = tpu.memref_slice %arg3[%add3A_115] : memref<4000000xf32, #tpu.memory_space<hbm>> -> memref<8192xf32, #tpu.memory_space<hbm>>
      tpu.wait_dma2 semaphore(%run_scoped3A : memref<!tpu.dma_semaphore, #tpu.memory_space<semaphore_mem>>) src(%dma_wait3A_438 : memref<8192xf32, #tpu.memory_space<hbm>>) dst(%arg7 : memref<8192xf32, #tpu.memory_space<vmem>>)
      tpu.yield
    }) : () -> ()
    %scan3A_121 = arith.constant 0 : i32
    %scan3A_122 = arith.constant 0 : i32
    %scan3A_123 = arith.constant 512 : i32
    %scan3A_124 = arith.addi %scan3A_122, %scan3A_123 : i32
    %scan3A_125 = arith.constant 1 : i32
    scf.for %scan3A_435 = %scan3A_122 to %scan3A_124 step %scan3A_125  : i32 {
      %mul3A_436 = arith.constant 16 : i32
      %mul3A_437 = arith.muli %scan3A_435, %mul3A_436 : i32
      %get3A = arith.index_cast %mul3A_437 : i32 to index
      %get3A_438 = tpu.vector_load %arg6[%get3A] {strides = array<i32>} : memref<8192xf32, #tpu.memory_space<vmem>>, vector<16xf32>,
      %get3A_439 = vector.shape_cast %get3A_438 : vector<16xf32> to vector<16xf32>
      %mul3A_440 = arith.constant 16 : i32
      %mul3A_441 = arith.muli %scan3A_435, %mul3A_440 : i32
      %get3A_442 = arith.index_cast %mul3A_441 : i32 to index
      %get3A_443 = tpu.vector_load %arg7[%get3A_442] {strides = array<i32>} : memref<8192xf32, #tpu.memory_space<vmem>>, vector<16xf32>,
      %get3A_444 = vector.shape_cast %get3A_443 : vector<16xf32> to vector<16xf32>
      %mul3A_445 = arith.constant 5.120000e+02 : f32
      %mul3A_446 = vector.broadcast %mul3A_445 : f32 to vector<16xf32>
      %mul3A_447 = arith.mulf %get3A_444, %mul3A_446 : vector<16xf32>
      %add3A_448 = arith.addf %get3A_439, %mul3A_447 : vector<16xf32>
      %convert_element_type3A = arith.fptosi %add3A_448 : vector<16xf32> to vector<16xi32>
      %jit3A_449 = arith.constant 0 : i32
      %jit3A_450 = arith.constant 262143 : i32
      %max3A = vector.broadcast %jit3A_449 : i32 to vector<16xi32>
      %max3A_451 = arith.maxsi %max3A, %convert_element_type3A : vector<16xi32>
      %min3A_452 = vector.broadcast %jit3A_450 : i32 to vector<16xi32>
      %min3A_453 = arith.minsi %min3A_452, %max3A_451 : vector<16xi32>
      %add3A_454 = vector.broadcast %mul3A_37 : i32 to vector<16xi32>
      %add3A_455 = arith.addi %min3A_453, %add3A_454 : vector<16xi32>
      %shift_right_arithmetic3A = arith.constant 3 : i32
      %shift_right_arithmetic3A_456 = arith.shrsi %scan3A_435, %shift_right_arithmetic3A : i32
      %mul3A_457 = arith.constant 256 : i32
      %mul3A_458 = arith.muli %shift_right_arithmetic3A_456, %mul3A_457 : i32
      %and3A_459 = arith.constant 7 : i32
      %and3A_460 = arith.andi %scan3A_435, %and3A_459 : i32
      %mul3A_461 = arith.constant 16 : i32
      %mul3A_462 = arith.muli %and3A_460, %mul3A_461 : i32
      %add3A_463 = arith.addi %mul3A_458, %mul3A_462 : i32
      %swap3A = arith.index_cast %add3A_463 : i32 to index
      %swap3A_464 = tpu.vector_load %arg8[%swap3A] {strides = array<i32>} : memref<16384xi32, #tpu.memory_space<vmem>>, vector<16xi32>,
      %swap3A_465 = vector.shape_cast %swap3A_464 : vector<16xi32> to vector<16xi32>
      %swap3A_466 = vector.shape_cast %add3A_455 : vector<16xi32> to vector<16xi32>
      tpu.vector_store %arg8[%swap3A], %swap3A_466 {strides = array<i32>} : memref<16384xi32, #tpu.memory_space<vmem>>, vector<16xi32>,
      %add3A_467 = arith.constant 262144 : i32
      %add3A_468 = vector.broadcast %add3A_467 : i32 to vector<16xi32>
      %add3A_469 = arith.addi %add3A_455, %add3A_468 : vector<16xi32>
      %add3A_470 = arith.constant 128 : i32
      %add3A_471 = arith.addi %add3A_463, %add3A_470 : i32
      %swap3A_472 = arith.index_cast %add3A_471 : i32 to index
      %swap3A_473 = tpu.vector_load %arg8[%swap3A_472] {strides = array<i32>} : memref<16384xi32, #tpu.memory_space<vmem>>, vector<16xi32>,
      %swap3A_474 = vector.shape_cast %swap3A_473 : vector<16xi32> to vector<16xi32>
      %swap3A_475 = vector.shape_cast %add3A_469 : vector<16xi32> to vector<16xi32>
      tpu.vector_store %arg8[%swap3A_472], %swap3A_475 {strides = array<i32>} : memref<16384xi32, #tpu.memory_space<vmem>>, vector<16xi32>,
    }
    %scan3A_126 = arith.constant 512 : i32
    %dma_start3A_127 = arith.constant 0 : i32
    %dma_start3A_128 = tpu.memref_slice %arg4[%dma_start3A_127] : memref<4194304xf32, #tpu.memory_space<hbm>> -> memref<4194304xf32, #tpu.memory_space<hbm>>
    tpu.enqueue_indirect_dma source(%dma_start3A_128 : memref<4194304xf32, #tpu.memory_space<hbm>>) target(%arg11 : memref<16384xf32, #tpu.memory_space<vmem>>) offsets(%arg8 : memref<16384xi32, #tpu.memory_space<vmem>>) semaphore(%arg14 : memref<!tpu.dma_semaphore, #tpu.memory_space<semaphore_mem>>)
    %dma_wait3A_129 = arith.constant 0 : i32
    %dma_wait3A_130 = tpu.memref_slice %arg4[%dma_wait3A_129] : memref<4194304xf32, #tpu.memory_space<hbm>> -> memref<4194304xf32, #tpu.memory_space<hbm>>
    tpu.wait_indirect_dma semaphore(%arg15 : memref<!tpu.dma_semaphore, #tpu.memory_space<semaphore_mem>>) src(%dma_wait3A_130 : memref<4194304xf32, #tpu.memory_space<hbm>>) dst(%arg12 : memref<16384xf32, #tpu.memory_space<vmem>>)
    "tpu.region"() ({
      %run_scoped3A = tpu.sem_alloc : memref<!tpu.dma_semaphore, #tpu.memory_space<semaphore_mem>>
      %dma_start3A_435 = tpu.memref_slice %arg5[%mul3A_73] : memref<8001536xf32, #tpu.memory_space<hbm>> -> memref<16384xf32, #tpu.memory_space<hbm>>
      %dma_start3A_436 = tpu.memref_slice %arg5[%mul3A_73] : memref<8001536xf32, #tpu.memory_space<hbm>> -> memref<16384xf32, #tpu.memory_space<hbm>>
      tpu.enqueue_dma source(%arg12 : memref<16384xf32, #tpu.memory_space<vmem>>) target(%dma_start3A_436 : memref<16384xf32, #tpu.memory_space<hbm>>) target_semaphore(%run_scoped3A : memref<!tpu.dma_semaphore, #tpu.memory_space<semaphore_mem>>)
      %dma_wait3A_437 = tpu.memref_slice %arg5[%mul3A_73] : memref<8001536xf32, #tpu.memory_space<hbm>> -> memref<16384xf32, #tpu.memory_space<hbm>>
      %dma_wait3A_438 = tpu.memref_slice %arg5[%mul3A_73] : memref<8001536xf32, #tpu.memory_space<hbm>> -> memref<16384xf32, #tpu.memory_space<hbm>>
      tpu.wait_dma2 semaphore(%run_scoped3A : memref<!tpu.dma_semaphore, #tpu.memory_space<semaphore_mem>>) src(%arg12 : memref<16384xf32, #tpu.memory_space<vmem>>) dst(%dma_wait3A_438 : memref<16384xf32, #tpu.memory_space<hbm>>)
      tpu.yield
    }) : () -> ()
    %add3A_131 = arith.constant 256 : i32
    %add3A_132 = arith.addi %mul3A_32, %add3A_131 : i32
    %sub3A_133 = arith.constant 64 : i32
    %sub3A_134 = arith.subi %min3A_35, %sub3A_133 : i32
    %min3A_135 = arith.minsi %add3A_132, %sub3A_134 : i32
    %mul3A_136 = arith.constant 500000 : i32
    %mul3A_137 = arith.muli %select_n3A, %mul3A_136 : i32
    %mul3A_138 = arith.constant 128 : i32
    %mul3A_139 = arith.muli %min3A_135, %mul3A_138 : i32
    %add3A_140 = arith.addi %mul3A_137, %mul3A_139 : i32
    %mul3A_141 = arith.constant 3907 : i32
    %mul3A_142 = arith.muli %select_n3A, %mul3A_141 : i32
    %add3A_143 = arith.addi %mul3A_142, %min3A_135 : i32
    %mul3A_144 = arith.constant 256 : i32
    %mul3A_145 = arith.muli %add3A_143, %mul3A_144 : i32
    "tpu.region"() ({
      %run_scoped3A = tpu.sem_alloc : memref<!tpu.dma_semaphore, #tpu.memory_space<semaphore_mem>>
      %dma_start3A_435 = tpu.memref_slice %arg2[%add3A_140] : memref<4000000xf32, #tpu.memory_space<hbm>> -> memref<8192xf32, #tpu.memory_space<hbm>>
      %dma_start3A_436 = tpu.memref_slice %arg2[%add3A_140] : memref<4000000xf32, #tpu.memory_space<hbm>> -> memref<8192xf32, #tpu.memory_space<hbm>>
      tpu.enqueue_dma source(%dma_start3A_436 : memref<8192xf32, #tpu.memory_space<hbm>>) target(%arg6 : memref<8192xf32, #tpu.memory_space<vmem>>) target_semaphore(%run_scoped3A : memref<!tpu.dma_semaphore, #tpu.memory_space<semaphore_mem>>)
      %dma_wait3A_437 = tpu.memref_slice %arg2[%add3A_140] : memref<4000000xf32, #tpu.memory_space<hbm>> -> memref<8192xf32, #tpu.memory_space<hbm>>
      %dma_wait3A_438 = tpu.memref_slice %arg2[%add3A_140] : memref<4000000xf32, #tpu.memory_space<hbm>> -> memref<8192xf32, #tpu.memory_space<hbm>>
      tpu.wait_dma2 semaphore(%run_scoped3A : memref<!tpu.dma_semaphore, #tpu.memory_space<semaphore_mem>>) src(%dma_wait3A_438 : memref<8192xf32, #tpu.memory_space<hbm>>) dst(%arg6 : memref<8192xf32, #tpu.memory_space<vmem>>)
      tpu.yield
    }) : () -> ()
    "tpu.region"() ({
      %run_scoped3A = tpu.sem_alloc : memref<!tpu.dma_semaphore, #tpu.memory_space<semaphore_mem>>
      %dma_start3A_435 = tpu.memref_slice %arg3[%add3A_140] : memref<4000000xf32, #tpu.memory_space<hbm>> -> memref<8192xf32, #tpu.memory_space<hbm>>
      %dma_start3A_436 = tpu.memref_slice %arg3[%add3A_140] : memref<4000000xf32, #tpu.memory_space<hbm>> -> memref<8192xf32, #tpu.memory_space<hbm>>
      tpu.enqueue_dma source(%dma_start3A_436 : memref<8192xf32, #tpu.memory_space<hbm>>) target(%arg7 : memref<8192xf32, #tpu.memory_space<vmem>>) target_semaphore(%run_scoped3A : memref<!tpu.dma_semaphore, #tpu.memory_space<semaphore_mem>>)
      %dma_wait3A_437 = tpu.memref_slice %arg3[%add3A_140] : memref<4000000xf32, #tpu.memory_space<hbm>> -> memref<8192xf32, #tpu.memory_space<hbm>>
      %dma_wait3A_438 = tpu.memref_slice %arg3[%add3A_140] : memref<4000000xf32, #tpu.memory_space<hbm>> -> memref<8192xf32, #tpu.memory_space<hbm>>
      tpu.wait_dma2 semaphore(%run_scoped3A : memref<!tpu.dma_semaphore, #tpu.memory_space<semaphore_mem>>) src(%dma_wait3A_438 : memref<8192xf32, #tpu.memory_space<hbm>>) dst(%arg7 : memref<8192xf32, #tpu.memory_space<vmem>>)
      tpu.yield
    }) : () -> ()
    %scan3A_146 = arith.constant 0 : i32
    %scan3A_147 = arith.constant 0 : i32
    %scan3A_148 = arith.constant 512 : i32
    %scan3A_149 = arith.addi %scan3A_147, %scan3A_148 : i32
    %scan3A_150 = arith.constant 1 : i32
    scf.for %scan3A_435 = %scan3A_147 to %scan3A_149 step %scan3A_150  : i32 {
      %mul3A_436 = arith.constant 16 : i32
      %mul3A_437 = arith.muli %scan3A_435, %mul3A_436 : i32
      %get3A = arith.index_cast %mul3A_437 : i32 to index
      %get3A_438 = tpu.vector_load %arg6[%get3A] {strides = array<i32>} : memref<8192xf32, #tpu.memory_space<vmem>>, vector<16xf32>,
      %get3A_439 = vector.shape_cast %get3A_438 : vector<16xf32> to vector<16xf32>
      %mul3A_440 = arith.constant 16 : i32
      %mul3A_441 = arith.muli %scan3A_435, %mul3A_440 : i32
      %get3A_442 = arith.index_cast %mul3A_441 : i32 to index
      %get3A_443 = tpu.vector_load %arg7[%get3A_442] {strides = array<i32>} : memref<8192xf32, #tpu.memory_space<vmem>>, vector<16xf32>,
      %get3A_444 = vector.shape_cast %get3A_443 : vector<16xf32> to vector<16xf32>
      %mul3A_445 = arith.constant 5.120000e+02 : f32
      %mul3A_446 = vector.broadcast %mul3A_445 : f32 to vector<16xf32>
      %mul3A_447 = arith.mulf %get3A_444, %mul3A_446 : vector<16xf32>
      %add3A_448 = arith.addf %get3A_439, %mul3A_447 : vector<16xf32>
      %convert_element_type3A = arith.fptosi %add3A_448 : vector<16xf32> to vector<16xi32>
      %jit3A_449 = arith.constant 0 : i32
      %jit3A_450 = arith.constant 262143 : i32
      %max3A = vector.broadcast %jit3A_449 : i32 to vector<16xi32>
      %max3A_451 = arith.maxsi %max3A, %convert_element_type3A : vector<16xi32>
      %min3A_452 = vector.broadcast %jit3A_450 : i32 to vector<16xi32>
      %min3A_453 = arith.minsi %min3A_452, %max3A_451 : vector<16xi32>
      %add3A_454 = vector.broadcast %mul3A_37 : i32 to vector<16xi32>
      %add3A_455 = arith.addi %min3A_453, %add3A_454 : vector<16xi32>
      %shift_right_arithmetic3A = arith.constant 3 : i32
      %shift_right_arithmetic3A_456 = arith.shrsi %scan3A_435, %shift_right_arithmetic3A : i32
      %mul3A_457 = arith.constant 256 : i32
      %mul3A_458 = arith.muli %shift_right_arithmetic3A_456, %mul3A_457 : i32
      %and3A_459 = arith.constant 7 : i32
      %and3A_460 = arith.andi %scan3A_435, %and3A_459 : i32
      %mul3A_461 = arith.constant 16 : i32
      %mul3A_462 = arith.muli %and3A_460, %mul3A_461 : i32
      %add3A_463 = arith.addi %mul3A_458, %mul3A_462 : i32
      %swap3A = arith.index_cast %add3A_463 : i32 to index
      %swap3A_464 = tpu.vector_load %arg9[%swap3A] {strides = array<i32>} : memref<16384xi32, #tpu.memory_space<vmem>>, vector<16xi32>,
      %swap3A_465 = vector.shape_cast %swap3A_464 : vector<16xi32> to vector<16xi32>
      %swap3A_466 = vector.shape_cast %add3A_455 : vector<16xi32> to vector<16xi32>
      tpu.vector_store %arg9[%swap3A], %swap3A_466 {strides = array<i32>} : memref<16384xi32, #tpu.memory_space<vmem>>, vector<16xi32>,
      %add3A_467 = arith.constant 262144 : i32
      %add3A_468 = vector.broadcast %add3A_467 : i32 to vector<16xi32>
      %add3A_469 = arith.addi %add3A_455, %add3A_468 : vector<16xi32>
      %add3A_470 = arith.constant 128 : i32
      %add3A_471 = arith.addi %add3A_463, %add3A_470 : i32
      %swap3A_472 = arith.index_cast %add3A_471 : i32 to index
      %swap3A_473 = tpu.vector_load %arg9[%swap3A_472] {strides = array<i32>} : memref<16384xi32, #tpu.memory_space<vmem>>, vector<16xi32>,
      %swap3A_474 = vector.shape_cast %swap3A_473 : vector<16xi32> to vector<16xi32>
      %swap3A_475 = vector.shape_cast %add3A_469 : vector<16xi32> to vector<16xi32>
      tpu.vector_store %arg9[%swap3A_472], %swap3A_475 {strides = array<i32>} : memref<16384xi32, #tpu.memory_space<vmem>>, vector<16xi32>,
    }
    %scan3A_151 = arith.constant 512 : i32
    %dma_start3A_152 = arith.constant 0 : i32
    %dma_start3A_153 = tpu.memref_slice %arg4[%dma_start3A_152] : memref<4194304xf32, #tpu.memory_space<hbm>> -> memref<4194304xf32, #tpu.memory_space<hbm>>
    tpu.enqueue_indirect_dma source(%dma_start3A_153 : memref<4194304xf32, #tpu.memory_space<hbm>>) target(%arg12 : memref<16384xf32, #tpu.memory_space<vmem>>) offsets(%arg9 : memref<16384xi32, #tpu.memory_space<vmem>>) semaphore(%arg15 : memref<!tpu.dma_semaphore, #tpu.memory_space<semaphore_mem>>)
    %dma_wait3A_154 = arith.constant 0 : i32
    %dma_wait3A_155 = tpu.memref_slice %arg4[%dma_wait3A_154] : memref<4194304xf32, #tpu.memory_space<hbm>> -> memref<4194304xf32, #tpu.memory_space<hbm>>
    tpu.wait_indirect_dma semaphore(%arg16 : memref<!tpu.dma_semaphore, #tpu.memory_space<semaphore_mem>>) src(%dma_wait3A_155 : memref<4194304xf32, #tpu.memory_space<hbm>>) dst(%arg13 : memref<16384xf32, #tpu.memory_space<vmem>>)
    "tpu.region"() ({
      %run_scoped3A = tpu.sem_alloc : memref<!tpu.dma_semaphore, #tpu.memory_space<semaphore_mem>>
      %dma_start3A_435 = tpu.memref_slice %arg5[%mul3A_96] : memref<8001536xf32, #tpu.memory_space<hbm>> -> memref<16384xf32, #tpu.memory_space<hbm>>
      %dma_start3A_436 = tpu.memref_slice %arg5[%mul3A_96] : memref<8001536xf32, #tpu.memory_space<hbm>> -> memref<16384xf32, #tpu.memory_space<hbm>>
      tpu.enqueue_dma source(%arg13 : memref<16384xf32, #tpu.memory_space<vmem>>) target(%dma_start3A_436 : memref<16384xf32, #tpu.memory_space<hbm>>) target_semaphore(%run_scoped3A : memref<!tpu.dma_semaphore, #tpu.memory_space<semaphore_mem>>)
      %dma_wait3A_437 = tpu.memref_slice %arg5[%mul3A_96] : memref<8001536xf32, #tpu.memory_space<hbm>> -> memref<16384xf32, #tpu.memory_space<hbm>>
      %dma_wait3A_438 = tpu.memref_slice %arg5[%mul3A_96] : memref<8001536xf32, #tpu.memory_space<hbm>> -> memref<16384xf32, #tpu.memory_space<hbm>>
      tpu.wait_dma2 semaphore(%run_scoped3A : memref<!tpu.dma_semaphore, #tpu.memory_space<semaphore_mem>>) src(%arg13 : memref<16384xf32, #tpu.memory_space<vmem>>) dst(%dma_wait3A_438 : memref<16384xf32, #tpu.memory_space<hbm>>)
      tpu.yield
    }) : () -> ()
    %add3A_156 = arith.constant 320 : i32
    %add3A_157 = arith.addi %mul3A_32, %add3A_156 : i32
    %sub3A_158 = arith.constant 64 : i32
    %sub3A_159 = arith.subi %min3A_35, %sub3A_158 : i32
    %min3A_160 = arith.minsi %add3A_157, %sub3A_159 : i32
    %mul3A_161 = arith.constant 500000 : i32
    %mul3A_162 = arith.muli %select_n3A, %mul3A_161 : i32
    %mul3A_163 = arith.constant 128 : i32
    %mul3A_164 = arith.muli %min3A_160, %mul3A_163 : i32
    %add3A_165 = arith.addi %mul3A_162, %mul3A_164 : i32
    %mul3A_166 = arith.constant 3907 : i32
    %mul3A_167 = arith.muli %select_n3A, %mul3A_166 : i32
    %add3A_168 = arith.addi %mul3A_167, %min3A_160 : i32
    %mul3A_169 = arith.constant 256 : i32
    %mul3A_170 = arith.muli %add3A_168, %mul3A_169 : i32
    "tpu.region"() ({
      %run_scoped3A = tpu.sem_alloc : memref<!tpu.dma_semaphore, #tpu.memory_space<semaphore_mem>>
      %dma_start3A_435 = tpu.memref_slice %arg2[%add3A_165] : memref<4000000xf32, #tpu.memory_space<hbm>> -> memref<8192xf32, #tpu.memory_space<hbm>>
      %dma_start3A_436 = tpu.memref_slice %arg2[%add3A_165] : memref<4000000xf32, #tpu.memory_space<hbm>> -> memref<8192xf32, #tpu.memory_space<hbm>>
      tpu.enqueue_dma source(%dma_start3A_436 : memref<8192xf32, #tpu.memory_space<hbm>>) target(%arg6 : memref<8192xf32, #tpu.memory_space<vmem>>) target_semaphore(%run_scoped3A : memref<!tpu.dma_semaphore, #tpu.memory_space<semaphore_mem>>)
      %dma_wait3A_437 = tpu.memref_slice %arg2[%add3A_165] : memref<4000000xf32, #tpu.memory_space<hbm>> -> memref<8192xf32, #tpu.memory_space<hbm>>
      %dma_wait3A_438 = tpu.memref_slice %arg2[%add3A_165] : memref<4000000xf32, #tpu.memory_space<hbm>> -> memref<8192xf32, #tpu.memory_space<hbm>>
      tpu.wait_dma2 semaphore(%run_scoped3A : memref<!tpu.dma_semaphore, #tpu.memory_space<semaphore_mem>>) src(%dma_wait3A_438 : memref<8192xf32, #tpu.memory_space<hbm>>) dst(%arg6 : memref<8192xf32, #tpu.memory_space<vmem>>)
      tpu.yield
    }) : () -> ()
    "tpu.region"() ({
      %run_scoped3A = tpu.sem_alloc : memref<!tpu.dma_semaphore, #tpu.memory_space<semaphore_mem>>
      %dma_start3A_435 = tpu.memref_slice %arg3[%add3A_165] : memref<4000000xf32, #tpu.memory_space<hbm>> -> memref<8192xf32, #tpu.memory_space<hbm>>
      %dma_start3A_436 = tpu.memref_slice %arg3[%add3A_165] : memref<4000000xf32, #tpu.memory_space<hbm>> -> memref<8192xf32, #tpu.memory_space<hbm>>
      tpu.enqueue_dma source(%dma_start3A_436 : memref<8192xf32, #tpu.memory_space<hbm>>) target(%arg7 : memref<8192xf32, #tpu.memory_space<vmem>>) target_semaphore(%run_scoped3A : memref<!tpu.dma_semaphore, #tpu.memory_space<semaphore_mem>>)
      %dma_wait3A_437 = tpu.memref_slice %arg3[%add3A_165] : memref<4000000xf32, #tpu.memory_space<hbm>> -> memref<8192xf32, #tpu.memory_space<hbm>>
      %dma_wait3A_438 = tpu.memref_slice %arg3[%add3A_165] : memref<4000000xf32, #tpu.memory_space<hbm>> -> memref<8192xf32, #tpu.memory_space<hbm>>
      tpu.wait_dma2 semaphore(%run_scoped3A : memref<!tpu.dma_semaphore, #tpu.memory_space<semaphore_mem>>) src(%dma_wait3A_438 : memref<8192xf32, #tpu.memory_space<hbm>>) dst(%arg7 : memref<8192xf32, #tpu.memory_space<vmem>>)
      tpu.yield
    }) : () -> ()
    %scan3A_171 = arith.constant 0 : i32
    %scan3A_172 = arith.constant 0 : i32
    %scan3A_173 = arith.constant 512 : i32
    %scan3A_174 = arith.addi %scan3A_172, %scan3A_173 : i32
    %scan3A_175 = arith.constant 1 : i32
    scf.for %scan3A_435 = %scan3A_172 to %scan3A_174 step %scan3A_175  : i32 {
      %mul3A_436 = arith.constant 16 : i32
      %mul3A_437 = arith.muli %scan3A_435, %mul3A_436 : i32
      %get3A = arith.index_cast %mul3A_437 : i32 to index
      %get3A_438 = tpu.vector_load %arg6[%get3A] {strides = array<i32>} : memref<8192xf32, #tpu.memory_space<vmem>>, vector<16xf32>,
      %get3A_439 = vector.shape_cast %get3A_438 : vector<16xf32> to vector<16xf32>
      %mul3A_440 = arith.constant 16 : i32
      %mul3A_441 = arith.muli %scan3A_435, %mul3A_440 : i32
      %get3A_442 = arith.index_cast %mul3A_441 : i32 to index
      %get3A_443 = tpu.vector_load %arg7[%get3A_442] {strides = array<i32>} : memref<8192xf32, #tpu.memory_space<vmem>>, vector<16xf32>,
      %get3A_444 = vector.shape_cast %get3A_443 : vector<16xf32> to vector<16xf32>
      %mul3A_445 = arith.constant 5.120000e+02 : f32
      %mul3A_446 = vector.broadcast %mul3A_445 : f32 to vector<16xf32>
      %mul3A_447 = arith.mulf %get3A_444, %mul3A_446 : vector<16xf32>
      %add3A_448 = arith.addf %get3A_439, %mul3A_447 : vector<16xf32>
      %convert_element_type3A = arith.fptosi %add3A_448 : vector<16xf32> to vector<16xi32>
      %jit3A_449 = arith.constant 0 : i32
      %jit3A_450 = arith.constant 262143 : i32
      %max3A = vector.broadcast %jit3A_449 : i32 to vector<16xi32>
      %max3A_451 = arith.maxsi %max3A, %convert_element_type3A : vector<16xi32>
      %min3A_452 = vector.broadcast %jit3A_450 : i32 to vector<16xi32>
      %min3A_453 = arith.minsi %min3A_452, %max3A_451 : vector<16xi32>
      %add3A_454 = vector.broadcast %mul3A_37 : i32 to vector<16xi32>
      %add3A_455 = arith.addi %min3A_453, %add3A_454 : vector<16xi32>
      %shift_right_arithmetic3A = arith.constant 3 : i32
      %shift_right_arithmetic3A_456 = arith.shrsi %scan3A_435, %shift_right_arithmetic3A : i32
      %mul3A_457 = arith.constant 256 : i32
      %mul3A_458 = arith.muli %shift_right_arithmetic3A_456, %mul3A_457 : i32
      %and3A_459 = arith.constant 7 : i32
      %and3A_460 = arith.andi %scan3A_435, %and3A_459 : i32
      %mul3A_461 = arith.constant 16 : i32
      %mul3A_462 = arith.muli %and3A_460, %mul3A_461 : i32
      %add3A_463 = arith.addi %mul3A_458, %mul3A_462 : i32
      %swap3A = arith.index_cast %add3A_463 : i32 to index
      %swap3A_464 = tpu.vector_load %arg10[%swap3A] {strides = array<i32>} : memref<16384xi32, #tpu.memory_space<vmem>>, vector<16xi32>,
      %swap3A_465 = vector.shape_cast %swap3A_464 : vector<16xi32> to vector<16xi32>
      %swap3A_466 = vector.shape_cast %add3A_455 : vector<16xi32> to vector<16xi32>
      tpu.vector_store %arg10[%swap3A], %swap3A_466 {strides = array<i32>} : memref<16384xi32, #tpu.memory_space<vmem>>, vector<16xi32>,
      %add3A_467 = arith.constant 262144 : i32
      %add3A_468 = vector.broadcast %add3A_467 : i32 to vector<16xi32>
      %add3A_469 = arith.addi %add3A_455, %add3A_468 : vector<16xi32>
      %add3A_470 = arith.constant 128 : i32
      %add3A_471 = arith.addi %add3A_463, %add3A_470 : i32
      %swap3A_472 = arith.index_cast %add3A_471 : i32 to index
      %swap3A_473 = tpu.vector_load %arg10[%swap3A_472] {strides = array<i32>} : memref<16384xi32, #tpu.memory_space<vmem>>, vector<16xi32>,
      %swap3A_474 = vector.shape_cast %swap3A_473 : vector<16xi32> to vector<16xi32>
      %swap3A_475 = vector.shape_cast %add3A_469 : vector<16xi32> to vector<16xi32>
      tpu.vector_store %arg10[%swap3A_472], %swap3A_475 {strides = array<i32>} : memref<16384xi32, #tpu.memory_space<vmem>>, vector<16xi32>,
    }
    %scan3A_176 = arith.constant 512 : i32
    %dma_start3A_177 = arith.constant 0 : i32
    %dma_start3A_178 = tpu.memref_slice %arg4[%dma_start3A_177] : memref<4194304xf32, #tpu.memory_space<hbm>> -> memref<4194304xf32, #tpu.memory_space<hbm>>
    tpu.enqueue_indirect_dma source(%dma_start3A_178 : memref<4194304xf32, #tpu.memory_space<hbm>>) target(%arg13 : memref<16384xf32, #tpu.memory_space<vmem>>) offsets(%arg10 : memref<16384xi32, #tpu.memory_space<vmem>>) semaphore(%arg16 : memref<!tpu.dma_semaphore, #tpu.memory_space<semaphore_mem>>)
    %dma_wait3A_179 = arith.constant 0 : i32
    %dma_wait3A_180 = tpu.memref_slice %arg4[%dma_wait3A_179] : memref<4194304xf32, #tpu.memory_space<hbm>> -> memref<4194304xf32, #tpu.memory_space<hbm>>
    tpu.wait_indirect_dma semaphore(%arg14 : memref<!tpu.dma_semaphore, #tpu.memory_space<semaphore_mem>>) src(%dma_wait3A_180 : memref<4194304xf32, #tpu.memory_space<hbm>>) dst(%arg11 : memref<16384xf32, #tpu.memory_space<vmem>>)
    "tpu.region"() ({
      %run_scoped3A = tpu.sem_alloc : memref<!tpu.dma_semaphore, #tpu.memory_space<semaphore_mem>>
      %dma_start3A_435 = tpu.memref_slice %arg5[%mul3A_120] : memref<8001536xf32, #tpu.memory_space<hbm>> -> memref<16384xf32, #tpu.memory_space<hbm>>
      %dma_start3A_436 = tpu.memref_slice %arg5[%mul3A_120] : memref<8001536xf32, #tpu.memory_space<hbm>> -> memref<16384xf32, #tpu.memory_space<hbm>>
      tpu.enqueue_dma source(%arg11 : memref<16384xf32, #tpu.memory_space<vmem>>) target(%dma_start3A_436 : memref<16384xf32, #tpu.memory_space<hbm>>) target_semaphore(%run_scoped3A : memref<!tpu.dma_semaphore, #tpu.memory_space<semaphore_mem>>)
      %dma_wait3A_437 = tpu.memref_slice %arg5[%mul3A_120] : memref<8001536xf32, #tpu.memory_space<hbm>> -> memref<16384xf32, #tpu.memory_space<hbm>>
      %dma_wait3A_438 = tpu.memref_slice %arg5[%mul3A_120] : memref<8001536xf32, #tpu.memory_space<hbm>> -> memref<16384xf32, #tpu.memory_space<hbm>>
      tpu.wait_dma2 semaphore(%run_scoped3A : memref<!tpu.dma_semaphore, #tpu.memory_space<semaphore_mem>>) src(%arg11 : memref<16384xf32, #tpu.memory_space<vmem>>) dst(%dma_wait3A_438 : memref<16384xf32, #tpu.memory_space<hbm>>)
      tpu.yield
    }) : () -> ()
    %add3A_181 = arith.constant 384 : i32
    %add3A_182 = arith.addi %mul3A_32, %add3A_181 : i32
    %sub3A_183 = arith.constant 64 : i32
    %sub3A_184 = arith.subi %min3A_35, %sub3A_183 : i32
    %min3A_185 = arith.minsi %add3A_182, %sub3A_184 : i32
    %mul3A_186 = arith.constant 500000 : i32
    %mul3A_187 = arith.muli %select_n3A, %mul3A_186 : i32
    %mul3A_188 = arith.constant 128 : i32
    %mul3A_189 = arith.muli %min3A_185, %mul3A_188 : i32
    %add3A_190 = arith.addi %mul3A_187, %mul3A_189 : i32
    %mul3A_191 = arith.constant 3907 : i32
    %mul3A_192 = arith.muli %select_n3A, %mul3A_191 : i32
    %add3A_193 = arith.addi %mul3A_192, %min3A_185 : i32
    %mul3A_194 = arith.constant 256 : i32
    %mul3A_195 = arith.muli %add3A_193, %mul3A_194 : i32
    "tpu.region"() ({
      %run_scoped3A = tpu.sem_alloc : memref<!tpu.dma_semaphore, #tpu.memory_space<semaphore_mem>>
      %dma_start3A_435 = tpu.memref_slice %arg2[%add3A_190] : memref<4000000xf32, #tpu.memory_space<hbm>> -> memref<8192xf32, #tpu.memory_space<hbm>>
      %dma_start3A_436 = tpu.memref_slice %arg2[%add3A_190] : memref<4000000xf32, #tpu.memory_space<hbm>> -> memref<8192xf32, #tpu.memory_space<hbm>>
      tpu.enqueue_dma source(%dma_start3A_436 : memref<8192xf32, #tpu.memory_space<hbm>>) target(%arg6 : memref<8192xf32, #tpu.memory_space<vmem>>) target_semaphore(%run_scoped3A : memref<!tpu.dma_semaphore, #tpu.memory_space<semaphore_mem>>)
      %dma_wait3A_437 = tpu.memref_slice %arg2[%add3A_190] : memref<4000000xf32, #tpu.memory_space<hbm>> -> memref<8192xf32, #tpu.memory_space<hbm>>
      %dma_wait3A_438 = tpu.memref_slice %arg2[%add3A_190] : memref<4000000xf32, #tpu.memory_space<hbm>> -> memref<8192xf32, #tpu.memory_space<hbm>>
      tpu.wait_dma2 semaphore(%run_scoped3A : memref<!tpu.dma_semaphore, #tpu.memory_space<semaphore_mem>>) src(%dma_wait3A_438 : memref<8192xf32, #tpu.memory_space<hbm>>) dst(%arg6 : memref<8192xf32, #tpu.memory_space<vmem>>)
      tpu.yield
    }) : () -> ()
    "tpu.region"() ({
      %run_scoped3A = tpu.sem_alloc : memref<!tpu.dma_semaphore, #tpu.memory_space<semaphore_mem>>
      %dma_start3A_435 = tpu.memref_slice %arg3[%add3A_190] : memref<4000000xf32, #tpu.memory_space<hbm>> -> memref<8192xf32, #tpu.memory_space<hbm>>
      %dma_start3A_436 = tpu.memref_slice %arg3[%add3A_190] : memref<4000000xf32, #tpu.memory_space<hbm>> -> memref<8192xf32, #tpu.memory_space<hbm>>
      tpu.enqueue_dma source(%dma_start3A_436 : memref<8192xf32, #tpu.memory_space<hbm>>) target(%arg7 : memref<8192xf32, #tpu.memory_space<vmem>>) target_semaphore(%run_scoped3A : memref<!tpu.dma_semaphore, #tpu.memory_space<semaphore_mem>>)
      %dma_wait3A_437 = tpu.memref_slice %arg3[%add3A_190] : memref<4000000xf32, #tpu.memory_space<hbm>> -> memref<8192xf32, #tpu.memory_space<hbm>>
      %dma_wait3A_438 = tpu.memref_slice %arg3[%add3A_190] : memref<4000000xf32, #tpu.memory_space<hbm>> -> memref<8192xf32, #tpu.memory_space<hbm>>
      tpu.wait_dma2 semaphore(%run_scoped3A : memref<!tpu.dma_semaphore, #tpu.memory_space<semaphore_mem>>) src(%dma_wait3A_438 : memref<8192xf32, #tpu.memory_space<hbm>>) dst(%arg7 : memref<8192xf32, #tpu.memory_space<vmem>>)
      tpu.yield
    }) : () -> ()
    %scan3A_196 = arith.constant 0 : i32
    %scan3A_197 = arith.constant 0 : i32
    %scan3A_198 = arith.constant 512 : i32
    %scan3A_199 = arith.addi %scan3A_197, %scan3A_198 : i32
    %scan3A_200 = arith.constant 1 : i32
    scf.for %scan3A_435 = %scan3A_197 to %scan3A_199 step %scan3A_200  : i32 {
      %mul3A_436 = arith.constant 16 : i32
      %mul3A_437 = arith.muli %scan3A_435, %mul3A_436 : i32
      %get3A = arith.index_cast %mul3A_437 : i32 to index
      %get3A_438 = tpu.vector_load %arg6[%get3A] {strides = array<i32>} : memref<8192xf32, #tpu.memory_space<vmem>>, vector<16xf32>,
      %get3A_439 = vector.shape_cast %get3A_438 : vector<16xf32> to vector<16xf32>
      %mul3A_440 = arith.constant 16 : i32
      %mul3A_441 = arith.muli %scan3A_435, %mul3A_440 : i32
      %get3A_442 = arith.index_cast %mul3A_441 : i32 to index
      %get3A_443 = tpu.vector_load %arg7[%get3A_442] {strides = array<i32>} : memref<8192xf32, #tpu.memory_space<vmem>>, vector<16xf32>,
      %get3A_444 = vector.shape_cast %get3A_443 : vector<16xf32> to vector<16xf32>
      %mul3A_445 = arith.constant 5.120000e+02 : f32
      %mul3A_446 = vector.broadcast %mul3A_445 : f32 to vector<16xf32>
      %mul3A_447 = arith.mulf %get3A_444, %mul3A_446 : vector<16xf32>
      %add3A_448 = arith.addf %get3A_439, %mul3A_447 : vector<16xf32>
      %convert_element_type3A = arith.fptosi %add3A_448 : vector<16xf32> to vector<16xi32>
      %jit3A_449 = arith.constant 0 : i32
      %jit3A_450 = arith.constant 262143 : i32
      %max3A = vector.broadcast %jit3A_449 : i32 to vector<16xi32>
      %max3A_451 = arith.maxsi %max3A, %convert_element_type3A : vector<16xi32>
      %min3A_452 = vector.broadcast %jit3A_450 : i32 to vector<16xi32>
      %min3A_453 = arith.minsi %min3A_452, %max3A_451 : vector<16xi32>
      %add3A_454 = vector.broadcast %mul3A_37 : i32 to vector<16xi32>
      %add3A_455 = arith.addi %min3A_453, %add3A_454 : vector<16xi32>
      %shift_right_arithmetic3A = arith.constant 3 : i32
      %shift_right_arithmetic3A_456 = arith.shrsi %scan3A_435, %shift_right_arithmetic3A : i32
      %mul3A_457 = arith.constant 256 : i32
      %mul3A_458 = arith.muli %shift_right_arithmetic3A_456, %mul3A_457 : i32
      %and3A_459 = arith.constant 7 : i32
      %and3A_460 = arith.andi %scan3A_435, %and3A_459 : i32
      %mul3A_461 = arith.constant 16 : i32
      %mul3A_462 = arith.muli %and3A_460, %mul3A_461 : i32
      %add3A_463 = arith.addi %mul3A_458, %mul3A_462 : i32
      %swap3A = arith.index_cast %add3A_463 : i32 to index
      %swap3A_464 = tpu.vector_load %arg8[%swap3A] {strides = array<i32>} : memref<16384xi32, #tpu.memory_space<vmem>>, vector<16xi32>,
      %swap3A_465 = vector.shape_cast %swap3A_464 : vector<16xi32> to vector<16xi32>
      %swap3A_466 = vector.shape_cast %add3A_455 : vector<16xi32> to vector<16xi32>
      tpu.vector_store %arg8[%swap3A], %swap3A_466 {strides = array<i32>} : memref<16384xi32, #tpu.memory_space<vmem>>, vector<16xi32>,
      %add3A_467 = arith.constant 262144 : i32
      %add3A_468 = vector.broadcast %add3A_467 : i32 to vector<16xi32>
      %add3A_469 = arith.addi %add3A_455, %add3A_468 : vector<16xi32>
      %add3A_470 = arith.constant 128 : i32
      %add3A_471 = arith.addi %add3A_463, %add3A_470 : i32
      %swap3A_472 = arith.index_cast %add3A_471 : i32 to index
      %swap3A_473 = tpu.vector_load %arg8[%swap3A_472] {strides = array<i32>} : memref<16384xi32, #tpu.memory_space<vmem>>, vector<16xi32>,
      %swap3A_474 = vector.shape_cast %swap3A_473 : vector<16xi32> to vector<16xi32>
      %swap3A_475 = vector.shape_cast %add3A_469 : vector<16xi32> to vector<16xi32>
      tpu.vector_store %arg8[%swap3A_472], %swap3A_475 {strides = array<i32>} : memref<16384xi32, #tpu.memory_space<vmem>>, vector<16xi32>,
    }
    %scan3A_201 = arith.constant 512 : i32
    %dma_start3A_202 = arith.constant 0 : i32
    %dma_start3A_203 = tpu.memref_slice %arg4[%dma_start3A_202] : memref<4194304xf32, #tpu.memory_space<hbm>> -> memref<4194304xf32, #tpu.memory_space<hbm>>
    tpu.enqueue_indirect_dma source(%dma_start3A_203 : memref<4194304xf32, #tpu.memory_space<hbm>>) target(%arg11 : memref<16384xf32, #tpu.memory_space<vmem>>) offsets(%arg8 : memref<16384xi32, #tpu.memory_space<vmem>>) semaphore(%arg14 : memref<!tpu.dma_semaphore, #tpu.memory_space<semaphore_mem>>)
    %dma_wait3A_204 = arith.constant 0 : i32
    %dma_wait3A_205 = tpu.memref_slice %arg4[%dma_wait3A_204] : memref<4194304xf32, #tpu.memory_space<hbm>> -> memref<4194304xf32, #tpu.memory_space<hbm>>
    tpu.wait_indirect_dma semaphore(%arg15 : memref<!tpu.dma_semaphore, #tpu.memory_space<semaphore_mem>>) src(%dma_wait3A_205 : memref<4194304xf32, #tpu.memory_space<hbm>>) dst(%arg12 : memref<16384xf32, #tpu.memory_space<vmem>>)
    "tpu.region"() ({
      %run_scoped3A = tpu.sem_alloc : memref<!tpu.dma_semaphore, #tpu.memory_space<semaphore_mem>>
      %dma_start3A_435 = tpu.memref_slice %arg5[%mul3A_145] : memref<8001536xf32, #tpu.memory_space<hbm>> -> memref<16384xf32, #tpu.memory_space<hbm>>
      %dma_start3A_436 = tpu.memref_slice %arg5[%mul3A_145] : memref<8001536xf32, #tpu.memory_space<hbm>> -> memref<16384xf32, #tpu.memory_space<hbm>>
      tpu.enqueue_dma source(%arg12 : memref<16384xf32, #tpu.memory_space<vmem>>) target(%dma_start3A_436 : memref<16384xf32, #tpu.memory_space<hbm>>) target_semaphore(%run_scoped3A : memref<!tpu.dma_semaphore, #tpu.memory_space<semaphore_mem>>)
      %dma_wait3A_437 = tpu.memref_slice %arg5[%mul3A_145] : memref<8001536xf32, #tpu.memory_space<hbm>> -> memref<16384xf32, #tpu.memory_space<hbm>>
      %dma_wait3A_438 = tpu.memref_slice %arg5[%mul3A_145] : memref<8001536xf32, #tpu.memory_space<hbm>> -> memref<16384xf32, #tpu.memory_space<hbm>>
      tpu.wait_dma2 semaphore(%run_scoped3A : memref<!tpu.dma_semaphore, #tpu.memory_space<semaphore_mem>>) src(%arg12 : memref<16384xf32, #tpu.memory_space<vmem>>) dst(%dma_wait3A_438 : memref<16384xf32, #tpu.memory_space<hbm>>)
      tpu.yield
    }) : () -> ()
    %add3A_206 = arith.constant 448 : i32
    %add3A_207 = arith.addi %mul3A_32, %add3A_206 : i32
    %sub3A_208 = arith.constant 64 : i32
    %sub3A_209 = arith.subi %min3A_35, %sub3A_208 : i32
    %min3A_210 = arith.minsi %add3A_207, %sub3A_209 : i32
    %mul3A_211 = arith.constant 500000 : i32
    %mul3A_212 = arith.muli %select_n3A, %mul3A_211 : i32
    %mul3A_213 = arith.constant 128 : i32
    %mul3A_214 = arith.muli %min3A_210, %mul3A_213 : i32
    %add3A_215 = arith.addi %mul3A_212, %mul3A_214 : i32
    %mul3A_216 = arith.constant 3907 : i32
    %mul3A_217 = arith.muli %select_n3A, %mul3A_216 : i32
    %add3A_218 = arith.addi %mul3A_217, %min3A_210 : i32
    %mul3A_219 = arith.constant 256 : i32
    %mul3A_220 = arith.muli %add3A_218, %mul3A_219 : i32
    "tpu.region"() ({
      %run_scoped3A = tpu.sem_alloc : memref<!tpu.dma_semaphore, #tpu.memory_space<semaphore_mem>>
      %dma_start3A_435 = tpu.memref_slice %arg2[%add3A_215] : memref<4000000xf32, #tpu.memory_space<hbm>> -> memref<8192xf32, #tpu.memory_space<hbm>>
      %dma_start3A_436 = tpu.memref_slice %arg2[%add3A_215] : memref<4000000xf32, #tpu.memory_space<hbm>> -> memref<8192xf32, #tpu.memory_space<hbm>>
      tpu.enqueue_dma source(%dma_start3A_436 : memref<8192xf32, #tpu.memory_space<hbm>>) target(%arg6 : memref<8192xf32, #tpu.memory_space<vmem>>) target_semaphore(%run_scoped3A : memref<!tpu.dma_semaphore, #tpu.memory_space<semaphore_mem>>)
      %dma_wait3A_437 = tpu.memref_slice %arg2[%add3A_215] : memref<4000000xf32, #tpu.memory_space<hbm>> -> memref<8192xf32, #tpu.memory_space<hbm>>
      %dma_wait3A_438 = tpu.memref_slice %arg2[%add3A_215] : memref<4000000xf32, #tpu.memory_space<hbm>> -> memref<8192xf32, #tpu.memory_space<hbm>>
      tpu.wait_dma2 semaphore(%run_scoped3A : memref<!tpu.dma_semaphore, #tpu.memory_space<semaphore_mem>>) src(%dma_wait3A_438 : memref<8192xf32, #tpu.memory_space<hbm>>) dst(%arg6 : memref<8192xf32, #tpu.memory_space<vmem>>)
      tpu.yield
    }) : () -> ()
    "tpu.region"() ({
      %run_scoped3A = tpu.sem_alloc : memref<!tpu.dma_semaphore, #tpu.memory_space<semaphore_mem>>
      %dma_start3A_435 = tpu.memref_slice %arg3[%add3A_215] : memref<4000000xf32, #tpu.memory_space<hbm>> -> memref<8192xf32, #tpu.memory_space<hbm>>
      %dma_start3A_436 = tpu.memref_slice %arg3[%add3A_215] : memref<4000000xf32, #tpu.memory_space<hbm>> -> memref<8192xf32, #tpu.memory_space<hbm>>
      tpu.enqueue_dma source(%dma_start3A_436 : memref<8192xf32, #tpu.memory_space<hbm>>) target(%arg7 : memref<8192xf32, #tpu.memory_space<vmem>>) target_semaphore(%run_scoped3A : memref<!tpu.dma_semaphore, #tpu.memory_space<semaphore_mem>>)
      %dma_wait3A_437 = tpu.memref_slice %arg3[%add3A_215] : memref<4000000xf32, #tpu.memory_space<hbm>> -> memref<8192xf32, #tpu.memory_space<hbm>>
      %dma_wait3A_438 = tpu.memref_slice %arg3[%add3A_215] : memref<4000000xf32, #tpu.memory_space<hbm>> -> memref<8192xf32, #tpu.memory_space<hbm>>
      tpu.wait_dma2 semaphore(%run_scoped3A : memref<!tpu.dma_semaphore, #tpu.memory_space<semaphore_mem>>) src(%dma_wait3A_438 : memref<8192xf32, #tpu.memory_space<hbm>>) dst(%arg7 : memref<8192xf32, #tpu.memory_space<vmem>>)
      tpu.yield
    }) : () -> ()
    %scan3A_221 = arith.constant 0 : i32
    %scan3A_222 = arith.constant 0 : i32
    %scan3A_223 = arith.constant 512 : i32
    %scan3A_224 = arith.addi %scan3A_222, %scan3A_223 : i32
    %scan3A_225 = arith.constant 1 : i32
    scf.for %scan3A_435 = %scan3A_222 to %scan3A_224 step %scan3A_225  : i32 {
      %mul3A_436 = arith.constant 16 : i32
      %mul3A_437 = arith.muli %scan3A_435, %mul3A_436 : i32
      %get3A = arith.index_cast %mul3A_437 : i32 to index
      %get3A_438 = tpu.vector_load %arg6[%get3A] {strides = array<i32>} : memref<8192xf32, #tpu.memory_space<vmem>>, vector<16xf32>,
      %get3A_439 = vector.shape_cast %get3A_438 : vector<16xf32> to vector<16xf32>
      %mul3A_440 = arith.constant 16 : i32
      %mul3A_441 = arith.muli %scan3A_435, %mul3A_440 : i32
      %get3A_442 = arith.index_cast %mul3A_441 : i32 to index
      %get3A_443 = tpu.vector_load %arg7[%get3A_442] {strides = array<i32>} : memref<8192xf32, #tpu.memory_space<vmem>>, vector<16xf32>,
      %get3A_444 = vector.shape_cast %get3A_443 : vector<16xf32> to vector<16xf32>
      %mul3A_445 = arith.constant 5.120000e+02 : f32
      %mul3A_446 = vector.broadcast %mul3A_445 : f32 to vector<16xf32>
      %mul3A_447 = arith.mulf %get3A_444, %mul3A_446 : vector<16xf32>
      %add3A_448 = arith.addf %get3A_439, %mul3A_447 : vector<16xf32>
      %convert_element_type3A = arith.fptosi %add3A_448 : vector<16xf32> to vector<16xi32>
      %jit3A_449 = arith.constant 0 : i32
      %jit3A_450 = arith.constant 262143 : i32
      %max3A = vector.broadcast %jit3A_449 : i32 to vector<16xi32>
      %max3A_451 = arith.maxsi %max3A, %convert_element_type3A : vector<16xi32>
      %min3A_452 = vector.broadcast %jit3A_450 : i32 to vector<16xi32>
      %min3A_453 = arith.minsi %min3A_452, %max3A_451 : vector<16xi32>
      %add3A_454 = vector.broadcast %mul3A_37 : i32 to vector<16xi32>
      %add3A_455 = arith.addi %min3A_453, %add3A_454 : vector<16xi32>
      %shift_right_arithmetic3A = arith.constant 3 : i32
      %shift_right_arithmetic3A_456 = arith.shrsi %scan3A_435, %shift_right_arithmetic3A : i32
      %mul3A_457 = arith.constant 256 : i32
      %mul3A_458 = arith.muli %shift_right_arithmetic3A_456, %mul3A_457 : i32
      %and3A_459 = arith.constant 7 : i32
      %and3A_460 = arith.andi %scan3A_435, %and3A_459 : i32
      %mul3A_461 = arith.constant 16 : i32
      %mul3A_462 = arith.muli %and3A_460, %mul3A_461 : i32
      %add3A_463 = arith.addi %mul3A_458, %mul3A_462 : i32
      %swap3A = arith.index_cast %add3A_463 : i32 to index
      %swap3A_464 = tpu.vector_load %arg9[%swap3A] {strides = array<i32>} : memref<16384xi32, #tpu.memory_space<vmem>>, vector<16xi32>,
      %swap3A_465 = vector.shape_cast %swap3A_464 : vector<16xi32> to vector<16xi32>
      %swap3A_466 = vector.shape_cast %add3A_455 : vector<16xi32> to vector<16xi32>
      tpu.vector_store %arg9[%swap3A], %swap3A_466 {strides = array<i32>} : memref<16384xi32, #tpu.memory_space<vmem>>, vector<16xi32>,
      %add3A_467 = arith.constant 262144 : i32
      %add3A_468 = vector.broadcast %add3A_467 : i32 to vector<16xi32>
      %add3A_469 = arith.addi %add3A_455, %add3A_468 : vector<16xi32>
      %add3A_470 = arith.constant 128 : i32
      %add3A_471 = arith.addi %add3A_463, %add3A_470 : i32
      %swap3A_472 = arith.index_cast %add3A_471 : i32 to index
      %swap3A_473 = tpu.vector_load %arg9[%swap3A_472] {strides = array<i32>} : memref<16384xi32, #tpu.memory_space<vmem>>, vector<16xi32>,
      %swap3A_474 = vector.shape_cast %swap3A_473 : vector<16xi32> to vector<16xi32>
      %swap3A_475 = vector.shape_cast %add3A_469 : vector<16xi32> to vector<16xi32>
      tpu.vector_store %arg9[%swap3A_472], %swap3A_475 {strides = array<i32>} : memref<16384xi32, #tpu.memory_space<vmem>>, vector<16xi32>,
    }
    %scan3A_226 = arith.constant 512 : i32
    %dma_start3A_227 = arith.constant 0 : i32
    %dma_start3A_228 = tpu.memref_slice %arg4[%dma_start3A_227] : memref<4194304xf32, #tpu.memory_space<hbm>> -> memref<4194304xf32, #tpu.memory_space<hbm>>
    tpu.enqueue_indirect_dma source(%dma_start3A_228 : memref<4194304xf32, #tpu.memory_space<hbm>>) target(%arg12 : memref<16384xf32, #tpu.memory_space<vmem>>) offsets(%arg9 : memref<16384xi32, #tpu.memory_space<vmem>>) semaphore(%arg15 : memref<!tpu.dma_semaphore, #tpu.memory_space<semaphore_mem>>)
    %dma_wait3A_229 = arith.constant 0 : i32
    %dma_wait3A_230 = tpu.memref_slice %arg4[%dma_wait3A_229] : memref<4194304xf32, #tpu.memory_space<hbm>> -> memref<4194304xf32, #tpu.memory_space<hbm>>
    tpu.wait_indirect_dma semaphore(%arg16 : memref<!tpu.dma_semaphore, #tpu.memory_space<semaphore_mem>>) src(%dma_wait3A_230 : memref<4194304xf32, #tpu.memory_space<hbm>>) dst(%arg13 : memref<16384xf32, #tpu.memory_space<vmem>>)
    "tpu.region"() ({
      %run_scoped3A = tpu.sem_alloc : memref<!tpu.dma_semaphore, #tpu.memory_space<semaphore_mem>>
      %dma_start3A_435 = tpu.memref_slice %arg5[%mul3A_170] : memref<8001536xf32, #tpu.memory_space<hbm>> -> memref<16384xf32, #tpu.memory_space<hbm>>
      %dma_start3A_436 = tpu.memref_slice %arg5[%mul3A_170] : memref<8001536xf32, #tpu.memory_space<hbm>> -> memref<16384xf32, #tpu.memory_space<hbm>>
      tpu.enqueue_dma source(%arg13 : memref<16384xf32, #tpu.memory_space<vmem>>) target(%dma_start3A_436 : memref<16384xf32, #tpu.memory_space<hbm>>) target_semaphore(%run_scoped3A : memref<!tpu.dma_semaphore, #tpu.memory_space<semaphore_mem>>)
      %dma_wait3A_437 = tpu.memref_slice %arg5[%mul3A_170] : memref<8001536xf32, #tpu.memory_space<hbm>> -> memref<16384xf32, #tpu.memory_space<hbm>>
      %dma_wait3A_438 = tpu.memref_slice %arg5[%mul3A_170] : memref<8001536xf32, #tpu.memory_space<hbm>> -> memref<16384xf32, #tpu.memory_space<hbm>>
      tpu.wait_dma2 semaphore(%run_scoped3A : memref<!tpu.dma_semaphore, #tpu.memory_space<semaphore_mem>>) src(%arg13 : memref<16384xf32, #tpu.memory_space<vmem>>) dst(%dma_wait3A_438 : memref<16384xf32, #tpu.memory_space<hbm>>)
      tpu.yield
    }) : () -> ()
    %add3A_231 = arith.constant 512 : i32
    %add3A_232 = arith.addi %mul3A_32, %add3A_231 : i32
    %sub3A_233 = arith.constant 64 : i32
    %sub3A_234 = arith.subi %min3A_35, %sub3A_233 : i32
    %min3A_235 = arith.minsi %add3A_232, %sub3A_234 : i32
    %mul3A_236 = arith.constant 500000 : i32
    %mul3A_237 = arith.muli %select_n3A, %mul3A_236 : i32
    %mul3A_238 = arith.constant 128 : i32
    %mul3A_239 = arith.muli %min3A_235, %mul3A_238 : i32
    %add3A_240 = arith.addi %mul3A_237, %mul3A_239 : i32
    %mul3A_241 = arith.constant 3907 : i32
    %mul3A_242 = arith.muli %select_n3A, %mul3A_241 : i32
    %add3A_243 = arith.addi %mul3A_242, %min3A_235 : i32
    %mul3A_244 = arith.constant 256 : i32
    %mul3A_245 = arith.muli %add3A_243, %mul3A_244 : i32
    "tpu.region"() ({
      %run_scoped3A = tpu.sem_alloc : memref<!tpu.dma_semaphore, #tpu.memory_space<semaphore_mem>>
      %dma_start3A_435 = tpu.memref_slice %arg2[%add3A_240] : memref<4000000xf32, #tpu.memory_space<hbm>> -> memref<8192xf32, #tpu.memory_space<hbm>>
      %dma_start3A_436 = tpu.memref_slice %arg2[%add3A_240] : memref<4000000xf32, #tpu.memory_space<hbm>> -> memref<8192xf32, #tpu.memory_space<hbm>>
      tpu.enqueue_dma source(%dma_start3A_436 : memref<8192xf32, #tpu.memory_space<hbm>>) target(%arg6 : memref<8192xf32, #tpu.memory_space<vmem>>) target_semaphore(%run_scoped3A : memref<!tpu.dma_semaphore, #tpu.memory_space<semaphore_mem>>)
      %dma_wait3A_437 = tpu.memref_slice %arg2[%add3A_240] : memref<4000000xf32, #tpu.memory_space<hbm>> -> memref<8192xf32, #tpu.memory_space<hbm>>
      %dma_wait3A_438 = tpu.memref_slice %arg2[%add3A_240] : memref<4000000xf32, #tpu.memory_space<hbm>> -> memref<8192xf32, #tpu.memory_space<hbm>>
      tpu.wait_dma2 semaphore(%run_scoped3A : memref<!tpu.dma_semaphore, #tpu.memory_space<semaphore_mem>>) src(%dma_wait3A_438 : memref<8192xf32, #tpu.memory_space<hbm>>) dst(%arg6 : memref<8192xf32, #tpu.memory_space<vmem>>)
      tpu.yield
    }) : () -> ()
    "tpu.region"() ({
      %run_scoped3A = tpu.sem_alloc : memref<!tpu.dma_semaphore, #tpu.memory_space<semaphore_mem>>
      %dma_start3A_435 = tpu.memref_slice %arg3[%add3A_240] : memref<4000000xf32, #tpu.memory_space<hbm>> -> memref<8192xf32, #tpu.memory_space<hbm>>
      %dma_start3A_436 = tpu.memref_slice %arg3[%add3A_240] : memref<4000000xf32, #tpu.memory_space<hbm>> -> memref<8192xf32, #tpu.memory_space<hbm>>
      tpu.enqueue_dma source(%dma_start3A_436 : memref<8192xf32, #tpu.memory_space<hbm>>) target(%arg7 : memref<8192xf32, #tpu.memory_space<vmem>>) target_semaphore(%run_scoped3A : memref<!tpu.dma_semaphore, #tpu.memory_space<semaphore_mem>>)
      %dma_wait3A_437 = tpu.memref_slice %arg3[%add3A_240] : memref<4000000xf32, #tpu.memory_space<hbm>> -> memref<8192xf32, #tpu.memory_space<hbm>>
      %dma_wait3A_438 = tpu.memref_slice %arg3[%add3A_240] : memref<4000000xf32, #tpu.memory_space<hbm>> -> memref<8192xf32, #tpu.memory_space<hbm>>
      tpu.wait_dma2 semaphore(%run_scoped3A : memref<!tpu.dma_semaphore, #tpu.memory_space<semaphore_mem>>) src(%dma_wait3A_438 : memref<8192xf32, #tpu.memory_space<hbm>>) dst(%arg7 : memref<8192xf32, #tpu.memory_space<vmem>>)
      tpu.yield
    }) : () -> ()
    %scan3A_246 = arith.constant 0 : i32
    %scan3A_247 = arith.constant 0 : i32
    %scan3A_248 = arith.constant 512 : i32
    %scan3A_249 = arith.addi %scan3A_247, %scan3A_248 : i32
    %scan3A_250 = arith.constant 1 : i32
    scf.for %scan3A_435 = %scan3A_247 to %scan3A_249 step %scan3A_250  : i32 {
      %mul3A_436 = arith.constant 16 : i32
      %mul3A_437 = arith.muli %scan3A_435, %mul3A_436 : i32
      %get3A = arith.index_cast %mul3A_437 : i32 to index
      %get3A_438 = tpu.vector_load %arg6[%get3A] {strides = array<i32>} : memref<8192xf32, #tpu.memory_space<vmem>>, vector<16xf32>,
      %get3A_439 = vector.shape_cast %get3A_438 : vector<16xf32> to vector<16xf32>
      %mul3A_440 = arith.constant 16 : i32
      %mul3A_441 = arith.muli %scan3A_435, %mul3A_440 : i32
      %get3A_442 = arith.index_cast %mul3A_441 : i32 to index
      %get3A_443 = tpu.vector_load %arg7[%get3A_442] {strides = array<i32>} : memref<8192xf32, #tpu.memory_space<vmem>>, vector<16xf32>,
      %get3A_444 = vector.shape_cast %get3A_443 : vector<16xf32> to vector<16xf32>
      %mul3A_445 = arith.constant 5.120000e+02 : f32
      %mul3A_446 = vector.broadcast %mul3A_445 : f32 to vector<16xf32>
      %mul3A_447 = arith.mulf %get3A_444, %mul3A_446 : vector<16xf32>
      %add3A_448 = arith.addf %get3A_439, %mul3A_447 : vector<16xf32>
      %convert_element_type3A = arith.fptosi %add3A_448 : vector<16xf32> to vector<16xi32>
      %jit3A_449 = arith.constant 0 : i32
      %jit3A_450 = arith.constant 262143 : i32
      %max3A = vector.broadcast %jit3A_449 : i32 to vector<16xi32>
      %max3A_451 = arith.maxsi %max3A, %convert_element_type3A : vector<16xi32>
      %min3A_452 = vector.broadcast %jit3A_450 : i32 to vector<16xi32>
      %min3A_453 = arith.minsi %min3A_452, %max3A_451 : vector<16xi32>
      %add3A_454 = vector.broadcast %mul3A_37 : i32 to vector<16xi32>
      %add3A_455 = arith.addi %min3A_453, %add3A_454 : vector<16xi32>
      %shift_right_arithmetic3A = arith.constant 3 : i32
      %shift_right_arithmetic3A_456 = arith.shrsi %scan3A_435, %shift_right_arithmetic3A : i32
      %mul3A_457 = arith.constant 256 : i32
      %mul3A_458 = arith.muli %shift_right_arithmetic3A_456, %mul3A_457 : i32
      %and3A_459 = arith.constant 7 : i32
      %and3A_460 = arith.andi %scan3A_435, %and3A_459 : i32
      %mul3A_461 = arith.constant 16 : i32
      %mul3A_462 = arith.muli %and3A_460, %mul3A_461 : i32
      %add3A_463 = arith.addi %mul3A_458, %mul3A_462 : i32
      %swap3A = arith.index_cast %add3A_463 : i32 to index
      %swap3A_464 = tpu.vector_load %arg10[%swap3A] {strides = array<i32>} : memref<16384xi32, #tpu.memory_space<vmem>>, vector<16xi32>,
      %swap3A_465 = vector.shape_cast %swap3A_464 : vector<16xi32> to vector<16xi32>
      %swap3A_466 = vector.shape_cast %add3A_455 : vector<16xi32> to vector<16xi32>
      tpu.vector_store %arg10[%swap3A], %swap3A_466 {strides = array<i32>} : memref<16384xi32, #tpu.memory_space<vmem>>, vector<16xi32>,
      %add3A_467 = arith.constant 262144 : i32
      %add3A_468 = vector.broadcast %add3A_467 : i32 to vector<16xi32>
      %add3A_469 = arith.addi %add3A_455, %add3A_468 : vector<16xi32>
      %add3A_470 = arith.constant 128 : i32
      %add3A_471 = arith.addi %add3A_463, %add3A_470 : i32
      %swap3A_472 = arith.index_cast %add3A_471 : i32 to index
      %swap3A_473 = tpu.vector_load %arg10[%swap3A_472] {strides = array<i32>} : memref<16384xi32, #tpu.memory_space<vmem>>, vector<16xi32>,
      %swap3A_474 = vector.shape_cast %swap3A_473 : vector<16xi32> to vector<16xi32>
      %swap3A_475 = vector.shape_cast %add3A_469 : vector<16xi32> to vector<16xi32>
      tpu.vector_store %arg10[%swap3A_472], %swap3A_475 {strides = array<i32>} : memref<16384xi32, #tpu.memory_space<vmem>>, vector<16xi32>,
    }
    %scan3A_251 = arith.constant 512 : i32
    %dma_start3A_252 = arith.constant 0 : i32
    %dma_start3A_253 = tpu.memref_slice %arg4[%dma_start3A_252] : memref<4194304xf32, #tpu.memory_space<hbm>> -> memref<4194304xf32, #tpu.memory_space<hbm>>
    tpu.enqueue_indirect_dma source(%dma_start3A_253 : memref<4194304xf32, #tpu.memory_space<hbm>>) target(%arg13 : memref<16384xf32, #tpu.memory_space<vmem>>) offsets(%arg10 : memref<16384xi32, #tpu.memory_space<vmem>>) semaphore(%arg16 : memref<!tpu.dma_semaphore, #tpu.memory_space<semaphore_mem>>)
    %dma_wait3A_254 = arith.constant 0 : i32
    %dma_wait3A_255 = tpu.memref_slice %arg4[%dma_wait3A_254] : memref<4194304xf32, #tpu.memory_space<hbm>> -> memref<4194304xf32, #tpu.memory_space<hbm>>
    tpu.wait_indirect_dma semaphore(%arg14 : memref<!tpu.dma_semaphore, #tpu.memory_space<semaphore_mem>>) src(%dma_wait3A_255 : memref<4194304xf32, #tpu.memory_space<hbm>>) dst(%arg11 : memref<16384xf32, #tpu.memory_space<vmem>>)
    "tpu.region"() ({
      %run_scoped3A = tpu.sem_alloc : memref<!tpu.dma_semaphore, #tpu.memory_space<semaphore_mem>>
      %dma_start3A_435 = tpu.memref_slice %arg5[%mul3A_195] : memref<8001536xf32, #tpu.memory_space<hbm>> -> memref<16384xf32, #tpu.memory_space<hbm>>
      %dma_start3A_436 = tpu.memref_slice %arg5[%mul3A_195] : memref<8001536xf32, #tpu.memory_space<hbm>> -> memref<16384xf32, #tpu.memory_space<hbm>>
      tpu.enqueue_dma source(%arg11 : memref<16384xf32, #tpu.memory_space<vmem>>) target(%dma_start3A_436 : memref<16384xf32, #tpu.memory_space<hbm>>) target_semaphore(%run_scoped3A : memref<!tpu.dma_semaphore, #tpu.memory_space<semaphore_mem>>)
      %dma_wait3A_437 = tpu.memref_slice %arg5[%mul3A_195] : memref<8001536xf32, #tpu.memory_space<hbm>> -> memref<16384xf32, #tpu.memory_space<hbm>>
      %dma_wait3A_438 = tpu.memref_slice %arg5[%mul3A_195] : memref<8001536xf32, #tpu.memory_space<hbm>> -> memref<16384xf32, #tpu.memory_space<hbm>>
      tpu.wait_dma2 semaphore(%run_scoped3A : memref<!tpu.dma_semaphore, #tpu.memory_space<semaphore_mem>>) src(%arg11 : memref<16384xf32, #tpu.memory_space<vmem>>) dst(%dma_wait3A_438 : memref<16384xf32, #tpu.memory_space<hbm>>)
      tpu.yield
    }) : () -> ()
    %add3A_256 = arith.constant 576 : i32
    %add3A_257 = arith.addi %mul3A_32, %add3A_256 : i32
    %sub3A_258 = arith.constant 64 : i32
    %sub3A_259 = arith.subi %min3A_35, %sub3A_258 : i32
    %min3A_260 = arith.minsi %add3A_257, %sub3A_259 : i32
    %mul3A_261 = arith.constant 500000 : i32
    %mul3A_262 = arith.muli %select_n3A, %mul3A_261 : i32
    %mul3A_263 = arith.constant 128 : i32
    %mul3A_264 = arith.muli %min3A_260, %mul3A_263 : i32
    %add3A_265 = arith.addi %mul3A_262, %mul3A_264 : i32
    %mul3A_266 = arith.constant 3907 : i32
    %mul3A_267 = arith.muli %select_n3A, %mul3A_266 : i32
    %add3A_268 = arith.addi %mul3A_267, %min3A_260 : i32
    %mul3A_269 = arith.constant 256 : i32
    %mul3A_270 = arith.muli %add3A_268, %mul3A_269 : i32
    "tpu.region"() ({
      %run_scoped3A = tpu.sem_alloc : memref<!tpu.dma_semaphore, #tpu.memory_space<semaphore_mem>>
      %dma_start3A_435 = tpu.memref_slice %arg2[%add3A_265] : memref<4000000xf32, #tpu.memory_space<hbm>> -> memref<8192xf32, #tpu.memory_space<hbm>>
      %dma_start3A_436 = tpu.memref_slice %arg2[%add3A_265] : memref<4000000xf32, #tpu.memory_space<hbm>> -> memref<8192xf32, #tpu.memory_space<hbm>>
      tpu.enqueue_dma source(%dma_start3A_436 : memref<8192xf32, #tpu.memory_space<hbm>>) target(%arg6 : memref<8192xf32, #tpu.memory_space<vmem>>) target_semaphore(%run_scoped3A : memref<!tpu.dma_semaphore, #tpu.memory_space<semaphore_mem>>)
      %dma_wait3A_437 = tpu.memref_slice %arg2[%add3A_265] : memref<4000000xf32, #tpu.memory_space<hbm>> -> memref<8192xf32, #tpu.memory_space<hbm>>
      %dma_wait3A_438 = tpu.memref_slice %arg2[%add3A_265] : memref<4000000xf32, #tpu.memory_space<hbm>> -> memref<8192xf32, #tpu.memory_space<hbm>>
      tpu.wait_dma2 semaphore(%run_scoped3A : memref<!tpu.dma_semaphore, #tpu.memory_space<semaphore_mem>>) src(%dma_wait3A_438 : memref<8192xf32, #tpu.memory_space<hbm>>) dst(%arg6 : memref<8192xf32, #tpu.memory_space<vmem>>)
      tpu.yield
    }) : () -> ()
    "tpu.region"() ({
      %run_scoped3A = tpu.sem_alloc : memref<!tpu.dma_semaphore, #tpu.memory_space<semaphore_mem>>
      %dma_start3A_435 = tpu.memref_slice %arg3[%add3A_265] : memref<4000000xf32, #tpu.memory_space<hbm>> -> memref<8192xf32, #tpu.memory_space<hbm>>
      %dma_start3A_436 = tpu.memref_slice %arg3[%add3A_265] : memref<4000000xf32, #tpu.memory_space<hbm>> -> memref<8192xf32, #tpu.memory_space<hbm>>
      tpu.enqueue_dma source(%dma_start3A_436 : memref<8192xf32, #tpu.memory_space<hbm>>) target(%arg7 : memref<8192xf32, #tpu.memory_space<vmem>>) target_semaphore(%run_scoped3A : memref<!tpu.dma_semaphore, #tpu.memory_space<semaphore_mem>>)
      %dma_wait3A_437 = tpu.memref_slice %arg3[%add3A_265] : memref<4000000xf32, #tpu.memory_space<hbm>> -> memref<8192xf32, #tpu.memory_space<hbm>>
      %dma_wait3A_438 = tpu.memref_slice %arg3[%add3A_265] : memref<4000000xf32, #tpu.memory_space<hbm>> -> memref<8192xf32, #tpu.memory_space<hbm>>
      tpu.wait_dma2 semaphore(%run_scoped3A : memref<!tpu.dma_semaphore, #tpu.memory_space<semaphore_mem>>) src(%dma_wait3A_438 : memref<8192xf32, #tpu.memory_space<hbm>>) dst(%arg7 : memref<8192xf32, #tpu.memory_space<vmem>>)
      tpu.yield
    }) : () -> ()
    %scan3A_271 = arith.constant 0 : i32
    %scan3A_272 = arith.constant 0 : i32
    %scan3A_273 = arith.constant 512 : i32
    %scan3A_274 = arith.addi %scan3A_272, %scan3A_273 : i32
    %scan3A_275 = arith.constant 1 : i32
    scf.for %scan3A_435 = %scan3A_272 to %scan3A_274 step %scan3A_275  : i32 {
      %mul3A_436 = arith.constant 16 : i32
      %mul3A_437 = arith.muli %scan3A_435, %mul3A_436 : i32
      %get3A = arith.index_cast %mul3A_437 : i32 to index
      %get3A_438 = tpu.vector_load %arg6[%get3A] {strides = array<i32>} : memref<8192xf32, #tpu.memory_space<vmem>>, vector<16xf32>,
      %get3A_439 = vector.shape_cast %get3A_438 : vector<16xf32> to vector<16xf32>
      %mul3A_440 = arith.constant 16 : i32
      %mul3A_441 = arith.muli %scan3A_435, %mul3A_440 : i32
      %get3A_442 = arith.index_cast %mul3A_441 : i32 to index
      %get3A_443 = tpu.vector_load %arg7[%get3A_442] {strides = array<i32>} : memref<8192xf32, #tpu.memory_space<vmem>>, vector<16xf32>,
      %get3A_444 = vector.shape_cast %get3A_443 : vector<16xf32> to vector<16xf32>
      %mul3A_445 = arith.constant 5.120000e+02 : f32
      %mul3A_446 = vector.broadcast %mul3A_445 : f32 to vector<16xf32>
      %mul3A_447 = arith.mulf %get3A_444, %mul3A_446 : vector<16xf32>
      %add3A_448 = arith.addf %get3A_439, %mul3A_447 : vector<16xf32>
      %convert_element_type3A = arith.fptosi %add3A_448 : vector<16xf32> to vector<16xi32>
      %jit3A_449 = arith.constant 0 : i32
      %jit3A_450 = arith.constant 262143 : i32
      %max3A = vector.broadcast %jit3A_449 : i32 to vector<16xi32>
      %max3A_451 = arith.maxsi %max3A, %convert_element_type3A : vector<16xi32>
      %min3A_452 = vector.broadcast %jit3A_450 : i32 to vector<16xi32>
      %min3A_453 = arith.minsi %min3A_452, %max3A_451 : vector<16xi32>
      %add3A_454 = vector.broadcast %mul3A_37 : i32 to vector<16xi32>
      %add3A_455 = arith.addi %min3A_453, %add3A_454 : vector<16xi32>
      %shift_right_arithmetic3A = arith.constant 3 : i32
      %shift_right_arithmetic3A_456 = arith.shrsi %scan3A_435, %shift_right_arithmetic3A : i32
      %mul3A_457 = arith.constant 256 : i32
      %mul3A_458 = arith.muli %shift_right_arithmetic3A_456, %mul3A_457 : i32
      %and3A_459 = arith.constant 7 : i32
      %and3A_460 = arith.andi %scan3A_435, %and3A_459 : i32
      %mul3A_461 = arith.constant 16 : i32
      %mul3A_462 = arith.muli %and3A_460, %mul3A_461 : i32
      %add3A_463 = arith.addi %mul3A_458, %mul3A_462 : i32
      %swap3A = arith.index_cast %add3A_463 : i32 to index
      %swap3A_464 = tpu.vector_load %arg8[%swap3A] {strides = array<i32>} : memref<16384xi32, #tpu.memory_space<vmem>>, vector<16xi32>,
      %swap3A_465 = vector.shape_cast %swap3A_464 : vector<16xi32> to vector<16xi32>
      %swap3A_466 = vector.shape_cast %add3A_455 : vector<16xi32> to vector<16xi32>
      tpu.vector_store %arg8[%swap3A], %swap3A_466 {strides = array<i32>} : memref<16384xi32, #tpu.memory_space<vmem>>, vector<16xi32>,
      %add3A_467 = arith.constant 262144 : i32
      %add3A_468 = vector.broadcast %add3A_467 : i32 to vector<16xi32>
      %add3A_469 = arith.addi %add3A_455, %add3A_468 : vector<16xi32>
      %add3A_470 = arith.constant 128 : i32
      %add3A_471 = arith.addi %add3A_463, %add3A_470 : i32
      %swap3A_472 = arith.index_cast %add3A_471 : i32 to index
      %swap3A_473 = tpu.vector_load %arg8[%swap3A_472] {strides = array<i32>} : memref<16384xi32, #tpu.memory_space<vmem>>, vector<16xi32>,
      %swap3A_474 = vector.shape_cast %swap3A_473 : vector<16xi32> to vector<16xi32>
      %swap3A_475 = vector.shape_cast %add3A_469 : vector<16xi32> to vector<16xi32>
      tpu.vector_store %arg8[%swap3A_472], %swap3A_475 {strides = array<i32>} : memref<16384xi32, #tpu.memory_space<vmem>>, vector<16xi32>,
    }
    %scan3A_276 = arith.constant 512 : i32
    %dma_start3A_277 = arith.constant 0 : i32
    %dma_start3A_278 = tpu.memref_slice %arg4[%dma_start3A_277] : memref<4194304xf32, #tpu.memory_space<hbm>> -> memref<4194304xf32, #tpu.memory_space<hbm>>
    tpu.enqueue_indirect_dma source(%dma_start3A_278 : memref<4194304xf32, #tpu.memory_space<hbm>>) target(%arg11 : memref<16384xf32, #tpu.memory_space<vmem>>) offsets(%arg8 : memref<16384xi32, #tpu.memory_space<vmem>>) semaphore(%arg14 : memref<!tpu.dma_semaphore, #tpu.memory_space<semaphore_mem>>)
    %dma_wait3A_279 = arith.constant 0 : i32
    %dma_wait3A_280 = tpu.memref_slice %arg4[%dma_wait3A_279] : memref<4194304xf32, #tpu.memory_space<hbm>> -> memref<4194304xf32, #tpu.memory_space<hbm>>
    tpu.wait_indirect_dma semaphore(%arg15 : memref<!tpu.dma_semaphore, #tpu.memory_space<semaphore_mem>>) src(%dma_wait3A_280 : memref<4194304xf32, #tpu.memory_space<hbm>>) dst(%arg12 : memref<16384xf32, #tpu.memory_space<vmem>>)
    "tpu.region"() ({
      %run_scoped3A = tpu.sem_alloc : memref<!tpu.dma_semaphore, #tpu.memory_space<semaphore_mem>>
      %dma_start3A_435 = tpu.memref_slice %arg5[%mul3A_220] : memref<8001536xf32, #tpu.memory_space<hbm>> -> memref<16384xf32, #tpu.memory_space<hbm>>
      %dma_start3A_436 = tpu.memref_slice %arg5[%mul3A_220] : memref<8001536xf32, #tpu.memory_space<hbm>> -> memref<16384xf32, #tpu.memory_space<hbm>>
      tpu.enqueue_dma source(%arg12 : memref<16384xf32, #tpu.memory_space<vmem>>) target(%dma_start3A_436 : memref<16384xf32, #tpu.memory_space<hbm>>) target_semaphore(%run_scoped3A : memref<!tpu.dma_semaphore, #tpu.memory_space<semaphore_mem>>)
      %dma_wait3A_437 = tpu.memref_slice %arg5[%mul3A_220] : memref<8001536xf32, #tpu.memory_space<hbm>> -> memref<16384xf32, #tpu.memory_space<hbm>>
      %dma_wait3A_438 = tpu.memref_slice %arg5[%mul3A_220] : memref<8001536xf32, #tpu.memory_space<hbm>> -> memref<16384xf32, #tpu.memory_space<hbm>>
      tpu.wait_dma2 semaphore(%run_scoped3A : memref<!tpu.dma_semaphore, #tpu.memory_space<semaphore_mem>>) src(%arg12 : memref<16384xf32, #tpu.memory_space<vmem>>) dst(%dma_wait3A_438 : memref<16384xf32, #tpu.memory_space<hbm>>)
      tpu.yield
    }) : () -> ()
    %add3A_281 = arith.constant 640 : i32
    %add3A_282 = arith.addi %mul3A_32, %add3A_281 : i32
    %sub3A_283 = arith.constant 64 : i32
    %sub3A_284 = arith.subi %min3A_35, %sub3A_283 : i32
    %min3A_285 = arith.minsi %add3A_282, %sub3A_284 : i32
    %mul3A_286 = arith.constant 500000 : i32
    %mul3A_287 = arith.muli %select_n3A, %mul3A_286 : i32
    %mul3A_288 = arith.constant 128 : i32
    %mul3A_289 = arith.muli %min3A_285, %mul3A_288 : i32
    %add3A_290 = arith.addi %mul3A_287, %mul3A_289 : i32
    %mul3A_291 = arith.constant 3907 : i32
    %mul3A_292 = arith.muli %select_n3A, %mul3A_291 : i32
    %add3A_293 = arith.addi %mul3A_292, %min3A_285 : i32
    %mul3A_294 = arith.constant 256 : i32
    %mul3A_295 = arith.muli %add3A_293, %mul3A_294 : i32
    "tpu.region"() ({
      %run_scoped3A = tpu.sem_alloc : memref<!tpu.dma_semaphore, #tpu.memory_space<semaphore_mem>>
      %dma_start3A_435 = tpu.memref_slice %arg2[%add3A_290] : memref<4000000xf32, #tpu.memory_space<hbm>> -> memref<8192xf32, #tpu.memory_space<hbm>>
      %dma_start3A_436 = tpu.memref_slice %arg2[%add3A_290] : memref<4000000xf32, #tpu.memory_space<hbm>> -> memref<8192xf32, #tpu.memory_space<hbm>>
      tpu.enqueue_dma source(%dma_start3A_436 : memref<8192xf32, #tpu.memory_space<hbm>>) target(%arg6 : memref<8192xf32, #tpu.memory_space<vmem>>) target_semaphore(%run_scoped3A : memref<!tpu.dma_semaphore, #tpu.memory_space<semaphore_mem>>)
      %dma_wait3A_437 = tpu.memref_slice %arg2[%add3A_290] : memref<4000000xf32, #tpu.memory_space<hbm>> -> memref<8192xf32, #tpu.memory_space<hbm>>
      %dma_wait3A_438 = tpu.memref_slice %arg2[%add3A_290] : memref<4000000xf32, #tpu.memory_space<hbm>> -> memref<8192xf32, #tpu.memory_space<hbm>>
      tpu.wait_dma2 semaphore(%run_scoped3A : memref<!tpu.dma_semaphore, #tpu.memory_space<semaphore_mem>>) src(%dma_wait3A_438 : memref<8192xf32, #tpu.memory_space<hbm>>) dst(%arg6 : memref<8192xf32, #tpu.memory_space<vmem>>)
      tpu.yield
    }) : () -> ()
    "tpu.region"() ({
      %run_scoped3A = tpu.sem_alloc : memref<!tpu.dma_semaphore, #tpu.memory_space<semaphore_mem>>
      %dma_start3A_435 = tpu.memref_slice %arg3[%add3A_290] : memref<4000000xf32, #tpu.memory_space<hbm>> -> memref<8192xf32, #tpu.memory_space<hbm>>
      %dma_start3A_436 = tpu.memref_slice %arg3[%add3A_290] : memref<4000000xf32, #tpu.memory_space<hbm>> -> memref<8192xf32, #tpu.memory_space<hbm>>
      tpu.enqueue_dma source(%dma_start3A_436 : memref<8192xf32, #tpu.memory_space<hbm>>) target(%arg7 : memref<8192xf32, #tpu.memory_space<vmem>>) target_semaphore(%run_scoped3A : memref<!tpu.dma_semaphore, #tpu.memory_space<semaphore_mem>>)
      %dma_wait3A_437 = tpu.memref_slice %arg3[%add3A_290] : memref<4000000xf32, #tpu.memory_space<hbm>> -> memref<8192xf32, #tpu.memory_space<hbm>>
      %dma_wait3A_438 = tpu.memref_slice %arg3[%add3A_290] : memref<4000000xf32, #tpu.memory_space<hbm>> -> memref<8192xf32, #tpu.memory_space<hbm>>
      tpu.wait_dma2 semaphore(%run_scoped3A : memref<!tpu.dma_semaphore, #tpu.memory_space<semaphore_mem>>) src(%dma_wait3A_438 : memref<8192xf32, #tpu.memory_space<hbm>>) dst(%arg7 : memref<8192xf32, #tpu.memory_space<vmem>>)
      tpu.yield
    }) : () -> ()
    %scan3A_296 = arith.constant 0 : i32
    %scan3A_297 = arith.constant 0 : i32
    %scan3A_298 = arith.constant 512 : i32
    %scan3A_299 = arith.addi %scan3A_297, %scan3A_298 : i32
    %scan3A_300 = arith.constant 1 : i32
    scf.for %scan3A_435 = %scan3A_297 to %scan3A_299 step %scan3A_300  : i32 {
      %mul3A_436 = arith.constant 16 : i32
      %mul3A_437 = arith.muli %scan3A_435, %mul3A_436 : i32
      %get3A = arith.index_cast %mul3A_437 : i32 to index
      %get3A_438 = tpu.vector_load %arg6[%get3A] {strides = array<i32>} : memref<8192xf32, #tpu.memory_space<vmem>>, vector<16xf32>,
      %get3A_439 = vector.shape_cast %get3A_438 : vector<16xf32> to vector<16xf32>
      %mul3A_440 = arith.constant 16 : i32
      %mul3A_441 = arith.muli %scan3A_435, %mul3A_440 : i32
      %get3A_442 = arith.index_cast %mul3A_441 : i32 to index
      %get3A_443 = tpu.vector_load %arg7[%get3A_442] {strides = array<i32>} : memref<8192xf32, #tpu.memory_space<vmem>>, vector<16xf32>,
      %get3A_444 = vector.shape_cast %get3A_443 : vector<16xf32> to vector<16xf32>
      %mul3A_445 = arith.constant 5.120000e+02 : f32
      %mul3A_446 = vector.broadcast %mul3A_445 : f32 to vector<16xf32>
      %mul3A_447 = arith.mulf %get3A_444, %mul3A_446 : vector<16xf32>
      %add3A_448 = arith.addf %get3A_439, %mul3A_447 : vector<16xf32>
      %convert_element_type3A = arith.fptosi %add3A_448 : vector<16xf32> to vector<16xi32>
      %jit3A_449 = arith.constant 0 : i32
      %jit3A_450 = arith.constant 262143 : i32
      %max3A = vector.broadcast %jit3A_449 : i32 to vector<16xi32>
      %max3A_451 = arith.maxsi %max3A, %convert_element_type3A : vector<16xi32>
      %min3A_452 = vector.broadcast %jit3A_450 : i32 to vector<16xi32>
      %min3A_453 = arith.minsi %min3A_452, %max3A_451 : vector<16xi32>
      %add3A_454 = vector.broadcast %mul3A_37 : i32 to vector<16xi32>
      %add3A_455 = arith.addi %min3A_453, %add3A_454 : vector<16xi32>
      %shift_right_arithmetic3A = arith.constant 3 : i32
      %shift_right_arithmetic3A_456 = arith.shrsi %scan3A_435, %shift_right_arithmetic3A : i32
      %mul3A_457 = arith.constant 256 : i32
      %mul3A_458 = arith.muli %shift_right_arithmetic3A_456, %mul3A_457 : i32
      %and3A_459 = arith.constant 7 : i32
      %and3A_460 = arith.andi %scan3A_435, %and3A_459 : i32
      %mul3A_461 = arith.constant 16 : i32
      %mul3A_462 = arith.muli %and3A_460, %mul3A_461 : i32
      %add3A_463 = arith.addi %mul3A_458, %mul3A_462 : i32
      %swap3A = arith.index_cast %add3A_463 : i32 to index
      %swap3A_464 = tpu.vector_load %arg9[%swap3A] {strides = array<i32>} : memref<16384xi32, #tpu.memory_space<vmem>>, vector<16xi32>,
      %swap3A_465 = vector.shape_cast %swap3A_464 : vector<16xi32> to vector<16xi32>
      %swap3A_466 = vector.shape_cast %add3A_455 : vector<16xi32> to vector<16xi32>
      tpu.vector_store %arg9[%swap3A], %swap3A_466 {strides = array<i32>} : memref<16384xi32, #tpu.memory_space<vmem>>, vector<16xi32>,
      %add3A_467 = arith.constant 262144 : i32
      %add3A_468 = vector.broadcast %add3A_467 : i32 to vector<16xi32>
      %add3A_469 = arith.addi %add3A_455, %add3A_468 : vector<16xi32>
      %add3A_470 = arith.constant 128 : i32
      %add3A_471 = arith.addi %add3A_463, %add3A_470 : i32
      %swap3A_472 = arith.index_cast %add3A_471 : i32 to index
      %swap3A_473 = tpu.vector_load %arg9[%swap3A_472] {strides = array<i32>} : memref<16384xi32, #tpu.memory_space<vmem>>, vector<16xi32>,
      %swap3A_474 = vector.shape_cast %swap3A_473 : vector<16xi32> to vector<16xi32>
      %swap3A_475 = vector.shape_cast %add3A_469 : vector<16xi32> to vector<16xi32>
      tpu.vector_store %arg9[%swap3A_472], %swap3A_475 {strides = array<i32>} : memref<16384xi32, #tpu.memory_space<vmem>>, vector<16xi32>,
    }
    %scan3A_301 = arith.constant 512 : i32
    %dma_start3A_302 = arith.constant 0 : i32
    %dma_start3A_303 = tpu.memref_slice %arg4[%dma_start3A_302] : memref<4194304xf32, #tpu.memory_space<hbm>> -> memref<4194304xf32, #tpu.memory_space<hbm>>
    tpu.enqueue_indirect_dma source(%dma_start3A_303 : memref<4194304xf32, #tpu.memory_space<hbm>>) target(%arg12 : memref<16384xf32, #tpu.memory_space<vmem>>) offsets(%arg9 : memref<16384xi32, #tpu.memory_space<vmem>>) semaphore(%arg15 : memref<!tpu.dma_semaphore, #tpu.memory_space<semaphore_mem>>)
    %dma_wait3A_304 = arith.constant 0 : i32
    %dma_wait3A_305 = tpu.memref_slice %arg4[%dma_wait3A_304] : memref<4194304xf32, #tpu.memory_space<hbm>> -> memref<4194304xf32, #tpu.memory_space<hbm>>
    tpu.wait_indirect_dma semaphore(%arg16 : memref<!tpu.dma_semaphore, #tpu.memory_space<semaphore_mem>>) src(%dma_wait3A_305 : memref<4194304xf32, #tpu.memory_space<hbm>>) dst(%arg13 : memref<16384xf32, #tpu.memory_space<vmem>>)
    "tpu.region"() ({
      %run_scoped3A = tpu.sem_alloc : memref<!tpu.dma_semaphore, #tpu.memory_space<semaphore_mem>>
      %dma_start3A_435 = tpu.memref_slice %arg5[%mul3A_245] : memref<8001536xf32, #tpu.memory_space<hbm>> -> memref<16384xf32, #tpu.memory_space<hbm>>
      %dma_start3A_436 = tpu.memref_slice %arg5[%mul3A_245] : memref<8001536xf32, #tpu.memory_space<hbm>> -> memref<16384xf32, #tpu.memory_space<hbm>>
      tpu.enqueue_dma source(%arg13 : memref<16384xf32, #tpu.memory_space<vmem>>) target(%dma_start3A_436 : memref<16384xf32, #tpu.memory_space<hbm>>) target_semaphore(%run_scoped3A : memref<!tpu.dma_semaphore, #tpu.memory_space<semaphore_mem>>)
      %dma_wait3A_437 = tpu.memref_slice %arg5[%mul3A_245] : memref<8001536xf32, #tpu.memory_space<hbm>> -> memref<16384xf32, #tpu.memory_space<hbm>>
      %dma_wait3A_438 = tpu.memref_slice %arg5[%mul3A_245] : memref<8001536xf32, #tpu.memory_space<hbm>> -> memref<16384xf32, #tpu.memory_space<hbm>>
      tpu.wait_dma2 semaphore(%run_scoped3A : memref<!tpu.dma_semaphore, #tpu.memory_space<semaphore_mem>>) src(%arg13 : memref<16384xf32, #tpu.memory_space<vmem>>) dst(%dma_wait3A_438 : memref<16384xf32, #tpu.memory_space<hbm>>)
      tpu.yield
    }) : () -> ()
    %add3A_306 = arith.constant 704 : i32
    %add3A_307 = arith.addi %mul3A_32, %add3A_306 : i32
    %sub3A_308 = arith.constant 64 : i32
    %sub3A_309 = arith.subi %min3A_35, %sub3A_308 : i32
    %min3A_310 = arith.minsi %add3A_307, %sub3A_309 : i32
    %mul3A_311 = arith.constant 500000 : i32
    %mul3A_312 = arith.muli %select_n3A, %mul3A_311 : i32
    %mul3A_313 = arith.constant 128 : i32
    %mul3A_314 = arith.muli %min3A_310, %mul3A_313 : i32
    %add3A_315 = arith.addi %mul3A_312, %mul3A_314 : i32
    %mul3A_316 = arith.constant 3907 : i32
    %mul3A_317 = arith.muli %select_n3A, %mul3A_316 : i32
    %add3A_318 = arith.addi %mul3A_317, %min3A_310 : i32
    %mul3A_319 = arith.constant 256 : i32
    %mul3A_320 = arith.muli %add3A_318, %mul3A_319 : i32
    "tpu.region"() ({
      %run_scoped3A = tpu.sem_alloc : memref<!tpu.dma_semaphore, #tpu.memory_space<semaphore_mem>>
      %dma_start3A_435 = tpu.memref_slice %arg2[%add3A_315] : memref<4000000xf32, #tpu.memory_space<hbm>> -> memref<8192xf32, #tpu.memory_space<hbm>>
      %dma_start3A_436 = tpu.memref_slice %arg2[%add3A_315] : memref<4000000xf32, #tpu.memory_space<hbm>> -> memref<8192xf32, #tpu.memory_space<hbm>>
      tpu.enqueue_dma source(%dma_start3A_436 : memref<8192xf32, #tpu.memory_space<hbm>>) target(%arg6 : memref<8192xf32, #tpu.memory_space<vmem>>) target_semaphore(%run_scoped3A : memref<!tpu.dma_semaphore, #tpu.memory_space<semaphore_mem>>)
      %dma_wait3A_437 = tpu.memref_slice %arg2[%add3A_315] : memref<4000000xf32, #tpu.memory_space<hbm>> -> memref<8192xf32, #tpu.memory_space<hbm>>
      %dma_wait3A_438 = tpu.memref_slice %arg2[%add3A_315] : memref<4000000xf32, #tpu.memory_space<hbm>> -> memref<8192xf32, #tpu.memory_space<hbm>>
      tpu.wait_dma2 semaphore(%run_scoped3A : memref<!tpu.dma_semaphore, #tpu.memory_space<semaphore_mem>>) src(%dma_wait3A_438 : memref<8192xf32, #tpu.memory_space<hbm>>) dst(%arg6 : memref<8192xf32, #tpu.memory_space<vmem>>)
      tpu.yield
    }) : () -> ()
    "tpu.region"() ({
      %run_scoped3A = tpu.sem_alloc : memref<!tpu.dma_semaphore, #tpu.memory_space<semaphore_mem>>
      %dma_start3A_435 = tpu.memref_slice %arg3[%add3A_315] : memref<4000000xf32, #tpu.memory_space<hbm>> -> memref<8192xf32, #tpu.memory_space<hbm>>
      %dma_start3A_436 = tpu.memref_slice %arg3[%add3A_315] : memref<4000000xf32, #tpu.memory_space<hbm>> -> memref<8192xf32, #tpu.memory_space<hbm>>
      tpu.enqueue_dma source(%dma_start3A_436 : memref<8192xf32, #tpu.memory_space<hbm>>) target(%arg7 : memref<8192xf32, #tpu.memory_space<vmem>>) target_semaphore(%run_scoped3A : memref<!tpu.dma_semaphore, #tpu.memory_space<semaphore_mem>>)
      %dma_wait3A_437 = tpu.memref_slice %arg3[%add3A_315] : memref<4000000xf32, #tpu.memory_space<hbm>> -> memref<8192xf32, #tpu.memory_space<hbm>>
      %dma_wait3A_438 = tpu.memref_slice %arg3[%add3A_315] : memref<4000000xf32, #tpu.memory_space<hbm>> -> memref<8192xf32, #tpu.memory_space<hbm>>
      tpu.wait_dma2 semaphore(%run_scoped3A : memref<!tpu.dma_semaphore, #tpu.memory_space<semaphore_mem>>) src(%dma_wait3A_438 : memref<8192xf32, #tpu.memory_space<hbm>>) dst(%arg7 : memref<8192xf32, #tpu.memory_space<vmem>>)
      tpu.yield
    }) : () -> ()
    %scan3A_321 = arith.constant 0 : i32
    %scan3A_322 = arith.constant 0 : i32
    %scan3A_323 = arith.constant 512 : i32
    %scan3A_324 = arith.addi %scan3A_322, %scan3A_323 : i32
    %scan3A_325 = arith.constant 1 : i32
    scf.for %scan3A_435 = %scan3A_322 to %scan3A_324 step %scan3A_325  : i32 {
      %mul3A_436 = arith.constant 16 : i32
      %mul3A_437 = arith.muli %scan3A_435, %mul3A_436 : i32
      %get3A = arith.index_cast %mul3A_437 : i32 to index
      %get3A_438 = tpu.vector_load %arg6[%get3A] {strides = array<i32>} : memref<8192xf32, #tpu.memory_space<vmem>>, vector<16xf32>,
      %get3A_439 = vector.shape_cast %get3A_438 : vector<16xf32> to vector<16xf32>
      %mul3A_440 = arith.constant 16 : i32
      %mul3A_441 = arith.muli %scan3A_435, %mul3A_440 : i32
      %get3A_442 = arith.index_cast %mul3A_441 : i32 to index
      %get3A_443 = tpu.vector_load %arg7[%get3A_442] {strides = array<i32>} : memref<8192xf32, #tpu.memory_space<vmem>>, vector<16xf32>,
      %get3A_444 = vector.shape_cast %get3A_443 : vector<16xf32> to vector<16xf32>
      %mul3A_445 = arith.constant 5.120000e+02 : f32
      %mul3A_446 = vector.broadcast %mul3A_445 : f32 to vector<16xf32>
      %mul3A_447 = arith.mulf %get3A_444, %mul3A_446 : vector<16xf32>
      %add3A_448 = arith.addf %get3A_439, %mul3A_447 : vector<16xf32>
      %convert_element_type3A = arith.fptosi %add3A_448 : vector<16xf32> to vector<16xi32>
      %jit3A_449 = arith.constant 0 : i32
      %jit3A_450 = arith.constant 262143 : i32
      %max3A = vector.broadcast %jit3A_449 : i32 to vector<16xi32>
      %max3A_451 = arith.maxsi %max3A, %convert_element_type3A : vector<16xi32>
      %min3A_452 = vector.broadcast %jit3A_450 : i32 to vector<16xi32>
      %min3A_453 = arith.minsi %min3A_452, %max3A_451 : vector<16xi32>
      %add3A_454 = vector.broadcast %mul3A_37 : i32 to vector<16xi32>
      %add3A_455 = arith.addi %min3A_453, %add3A_454 : vector<16xi32>
      %shift_right_arithmetic3A = arith.constant 3 : i32
      %shift_right_arithmetic3A_456 = arith.shrsi %scan3A_435, %shift_right_arithmetic3A : i32
      %mul3A_457 = arith.constant 256 : i32
      %mul3A_458 = arith.muli %shift_right_arithmetic3A_456, %mul3A_457 : i32
      %and3A_459 = arith.constant 7 : i32
      %and3A_460 = arith.andi %scan3A_435, %and3A_459 : i32
      %mul3A_461 = arith.constant 16 : i32
      %mul3A_462 = arith.muli %and3A_460, %mul3A_461 : i32
      %add3A_463 = arith.addi %mul3A_458, %mul3A_462 : i32
      %swap3A = arith.index_cast %add3A_463 : i32 to index
      %swap3A_464 = tpu.vector_load %arg10[%swap3A] {strides = array<i32>} : memref<16384xi32, #tpu.memory_space<vmem>>, vector<16xi32>,
      %swap3A_465 = vector.shape_cast %swap3A_464 : vector<16xi32> to vector<16xi32>
      %swap3A_466 = vector.shape_cast %add3A_455 : vector<16xi32> to vector<16xi32>
      tpu.vector_store %arg10[%swap3A], %swap3A_466 {strides = array<i32>} : memref<16384xi32, #tpu.memory_space<vmem>>, vector<16xi32>,
      %add3A_467 = arith.constant 262144 : i32
      %add3A_468 = vector.broadcast %add3A_467 : i32 to vector<16xi32>
      %add3A_469 = arith.addi %add3A_455, %add3A_468 : vector<16xi32>
      %add3A_470 = arith.constant 128 : i32
      %add3A_471 = arith.addi %add3A_463, %add3A_470 : i32
      %swap3A_472 = arith.index_cast %add3A_471 : i32 to index
      %swap3A_473 = tpu.vector_load %arg10[%swap3A_472] {strides = array<i32>} : memref<16384xi32, #tpu.memory_space<vmem>>, vector<16xi32>,
      %swap3A_474 = vector.shape_cast %swap3A_473 : vector<16xi32> to vector<16xi32>
      %swap3A_475 = vector.shape_cast %add3A_469 : vector<16xi32> to vector<16xi32>
      tpu.vector_store %arg10[%swap3A_472], %swap3A_475 {strides = array<i32>} : memref<16384xi32, #tpu.memory_space<vmem>>, vector<16xi32>,
    }
    %scan3A_326 = arith.constant 512 : i32
    %dma_start3A_327 = arith.constant 0 : i32
    %dma_start3A_328 = tpu.memref_slice %arg4[%dma_start3A_327] : memref<4194304xf32, #tpu.memory_space<hbm>> -> memref<4194304xf32, #tpu.memory_space<hbm>>
    tpu.enqueue_indirect_dma source(%dma_start3A_328 : memref<4194304xf32, #tpu.memory_space<hbm>>) target(%arg13 : memref<16384xf32, #tpu.memory_space<vmem>>) offsets(%arg10 : memref<16384xi32, #tpu.memory_space<vmem>>) semaphore(%arg16 : memref<!tpu.dma_semaphore, #tpu.memory_space<semaphore_mem>>)
    %dma_wait3A_329 = arith.constant 0 : i32
    %dma_wait3A_330 = tpu.memref_slice %arg4[%dma_wait3A_329] : memref<4194304xf32, #tpu.memory_space<hbm>> -> memref<4194304xf32, #tpu.memory_space<hbm>>
    tpu.wait_indirect_dma semaphore(%arg14 : memref<!tpu.dma_semaphore, #tpu.memory_space<semaphore_mem>>) src(%dma_wait3A_330 : memref<4194304xf32, #tpu.memory_space<hbm>>) dst(%arg11 : memref<16384xf32, #tpu.memory_space<vmem>>)
    "tpu.region"() ({
      %run_scoped3A = tpu.sem_alloc : memref<!tpu.dma_semaphore, #tpu.memory_space<semaphore_mem>>
      %dma_start3A_435 = tpu.memref_slice %arg5[%mul3A_270] : memref<8001536xf32, #tpu.memory_space<hbm>> -> memref<16384xf32, #tpu.memory_space<hbm>>
      %dma_start3A_436 = tpu.memref_slice %arg5[%mul3A_270] : memref<8001536xf32, #tpu.memory_space<hbm>> -> memref<16384xf32, #tpu.memory_space<hbm>>
      tpu.enqueue_dma source(%arg11 : memref<16384xf32, #tpu.memory_space<vmem>>) target(%dma_start3A_436 : memref<16384xf32, #tpu.memory_space<hbm>>) target_semaphore(%run_scoped3A : memref<!tpu.dma_semaphore, #tpu.memory_space<semaphore_mem>>)
      %dma_wait3A_437 = tpu.memref_slice %arg5[%mul3A_270] : memref<8001536xf32, #tpu.memory_space<hbm>> -> memref<16384xf32, #tpu.memory_space<hbm>>
      %dma_wait3A_438 = tpu.memref_slice %arg5[%mul3A_270] : memref<8001536xf32, #tpu.memory_space<hbm>> -> memref<16384xf32, #tpu.memory_space<hbm>>
      tpu.wait_dma2 semaphore(%run_scoped3A : memref<!tpu.dma_semaphore, #tpu.memory_space<semaphore_mem>>) src(%arg11 : memref<16384xf32, #tpu.memory_space<vmem>>) dst(%dma_wait3A_438 : memref<16384xf32, #tpu.memory_space<hbm>>)
      tpu.yield
    }) : () -> ()
    %add3A_331 = arith.constant 768 : i32
    %add3A_332 = arith.addi %mul3A_32, %add3A_331 : i32
    %sub3A_333 = arith.constant 64 : i32
    %sub3A_334 = arith.subi %min3A_35, %sub3A_333 : i32
    %min3A_335 = arith.minsi %add3A_332, %sub3A_334 : i32
    %mul3A_336 = arith.constant 500000 : i32
    %mul3A_337 = arith.muli %select_n3A, %mul3A_336 : i32
    %mul3A_338 = arith.constant 128 : i32
    %mul3A_339 = arith.muli %min3A_335, %mul3A_338 : i32
    %add3A_340 = arith.addi %mul3A_337, %mul3A_339 : i32
    %mul3A_341 = arith.constant 3907 : i32
    %mul3A_342 = arith.muli %select_n3A, %mul3A_341 : i32
    %add3A_343 = arith.addi %mul3A_342, %min3A_335 : i32
    %mul3A_344 = arith.constant 256 : i32
    %mul3A_345 = arith.muli %add3A_343, %mul3A_344 : i32
    "tpu.region"() ({
      %run_scoped3A = tpu.sem_alloc : memref<!tpu.dma_semaphore, #tpu.memory_space<semaphore_mem>>
      %dma_start3A_435 = tpu.memref_slice %arg2[%add3A_340] : memref<4000000xf32, #tpu.memory_space<hbm>> -> memref<8192xf32, #tpu.memory_space<hbm>>
      %dma_start3A_436 = tpu.memref_slice %arg2[%add3A_340] : memref<4000000xf32, #tpu.memory_space<hbm>> -> memref<8192xf32, #tpu.memory_space<hbm>>
      tpu.enqueue_dma source(%dma_start3A_436 : memref<8192xf32, #tpu.memory_space<hbm>>) target(%arg6 : memref<8192xf32, #tpu.memory_space<vmem>>) target_semaphore(%run_scoped3A : memref<!tpu.dma_semaphore, #tpu.memory_space<semaphore_mem>>)
      %dma_wait3A_437 = tpu.memref_slice %arg2[%add3A_340] : memref<4000000xf32, #tpu.memory_space<hbm>> -> memref<8192xf32, #tpu.memory_space<hbm>>
      %dma_wait3A_438 = tpu.memref_slice %arg2[%add3A_340] : memref<4000000xf32, #tpu.memory_space<hbm>> -> memref<8192xf32, #tpu.memory_space<hbm>>
      tpu.wait_dma2 semaphore(%run_scoped3A : memref<!tpu.dma_semaphore, #tpu.memory_space<semaphore_mem>>) src(%dma_wait3A_438 : memref<8192xf32, #tpu.memory_space<hbm>>) dst(%arg6 : memref<8192xf32, #tpu.memory_space<vmem>>)
      tpu.yield
    }) : () -> ()
    "tpu.region"() ({
      %run_scoped3A = tpu.sem_alloc : memref<!tpu.dma_semaphore, #tpu.memory_space<semaphore_mem>>
      %dma_start3A_435 = tpu.memref_slice %arg3[%add3A_340] : memref<4000000xf32, #tpu.memory_space<hbm>> -> memref<8192xf32, #tpu.memory_space<hbm>>
      %dma_start3A_436 = tpu.memref_slice %arg3[%add3A_340] : memref<4000000xf32, #tpu.memory_space<hbm>> -> memref<8192xf32, #tpu.memory_space<hbm>>
      tpu.enqueue_dma source(%dma_start3A_436 : memref<8192xf32, #tpu.memory_space<hbm>>) target(%arg7 : memref<8192xf32, #tpu.memory_space<vmem>>) target_semaphore(%run_scoped3A : memref<!tpu.dma_semaphore, #tpu.memory_space<semaphore_mem>>)
      %dma_wait3A_437 = tpu.memref_slice %arg3[%add3A_340] : memref<4000000xf32, #tpu.memory_space<hbm>> -> memref<8192xf32, #tpu.memory_space<hbm>>
      %dma_wait3A_438 = tpu.memref_slice %arg3[%add3A_340] : memref<4000000xf32, #tpu.memory_space<hbm>> -> memref<8192xf32, #tpu.memory_space<hbm>>
      tpu.wait_dma2 semaphore(%run_scoped3A : memref<!tpu.dma_semaphore, #tpu.memory_space<semaphore_mem>>) src(%dma_wait3A_438 : memref<8192xf32, #tpu.memory_space<hbm>>) dst(%arg7 : memref<8192xf32, #tpu.memory_space<vmem>>)
      tpu.yield
    }) : () -> ()
    %scan3A_346 = arith.constant 0 : i32
    %scan3A_347 = arith.constant 0 : i32
    %scan3A_348 = arith.constant 512 : i32
    %scan3A_349 = arith.addi %scan3A_347, %scan3A_348 : i32
    %scan3A_350 = arith.constant 1 : i32
    scf.for %scan3A_435 = %scan3A_347 to %scan3A_349 step %scan3A_350  : i32 {
      %mul3A_436 = arith.constant 16 : i32
      %mul3A_437 = arith.muli %scan3A_435, %mul3A_436 : i32
      %get3A = arith.index_cast %mul3A_437 : i32 to index
      %get3A_438 = tpu.vector_load %arg6[%get3A] {strides = array<i32>} : memref<8192xf32, #tpu.memory_space<vmem>>, vector<16xf32>,
      %get3A_439 = vector.shape_cast %get3A_438 : vector<16xf32> to vector<16xf32>
      %mul3A_440 = arith.constant 16 : i32
      %mul3A_441 = arith.muli %scan3A_435, %mul3A_440 : i32
      %get3A_442 = arith.index_cast %mul3A_441 : i32 to index
      %get3A_443 = tpu.vector_load %arg7[%get3A_442] {strides = array<i32>} : memref<8192xf32, #tpu.memory_space<vmem>>, vector<16xf32>,
      %get3A_444 = vector.shape_cast %get3A_443 : vector<16xf32> to vector<16xf32>
      %mul3A_445 = arith.constant 5.120000e+02 : f32
      %mul3A_446 = vector.broadcast %mul3A_445 : f32 to vector<16xf32>
      %mul3A_447 = arith.mulf %get3A_444, %mul3A_446 : vector<16xf32>
      %add3A_448 = arith.addf %get3A_439, %mul3A_447 : vector<16xf32>
      %convert_element_type3A = arith.fptosi %add3A_448 : vector<16xf32> to vector<16xi32>
      %jit3A_449 = arith.constant 0 : i32
      %jit3A_450 = arith.constant 262143 : i32
      %max3A = vector.broadcast %jit3A_449 : i32 to vector<16xi32>
      %max3A_451 = arith.maxsi %max3A, %convert_element_type3A : vector<16xi32>
      %min3A_452 = vector.broadcast %jit3A_450 : i32 to vector<16xi32>
      %min3A_453 = arith.minsi %min3A_452, %max3A_451 : vector<16xi32>
      %add3A_454 = vector.broadcast %mul3A_37 : i32 to vector<16xi32>
      %add3A_455 = arith.addi %min3A_453, %add3A_454 : vector<16xi32>
      %shift_right_arithmetic3A = arith.constant 3 : i32
      %shift_right_arithmetic3A_456 = arith.shrsi %scan3A_435, %shift_right_arithmetic3A : i32
      %mul3A_457 = arith.constant 256 : i32
      %mul3A_458 = arith.muli %shift_right_arithmetic3A_456, %mul3A_457 : i32
      %and3A_459 = arith.constant 7 : i32
      %and3A_460 = arith.andi %scan3A_435, %and3A_459 : i32
      %mul3A_461 = arith.constant 16 : i32
      %mul3A_462 = arith.muli %and3A_460, %mul3A_461 : i32
      %add3A_463 = arith.addi %mul3A_458, %mul3A_462 : i32
      %swap3A = arith.index_cast %add3A_463 : i32 to index
      %swap3A_464 = tpu.vector_load %arg8[%swap3A] {strides = array<i32>} : memref<16384xi32, #tpu.memory_space<vmem>>, vector<16xi32>,
      %swap3A_465 = vector.shape_cast %swap3A_464 : vector<16xi32> to vector<16xi32>
      %swap3A_466 = vector.shape_cast %add3A_455 : vector<16xi32> to vector<16xi32>
      tpu.vector_store %arg8[%swap3A], %swap3A_466 {strides = array<i32>} : memref<16384xi32, #tpu.memory_space<vmem>>, vector<16xi32>,
      %add3A_467 = arith.constant 262144 : i32
      %add3A_468 = vector.broadcast %add3A_467 : i32 to vector<16xi32>
      %add3A_469 = arith.addi %add3A_455, %add3A_468 : vector<16xi32>
      %add3A_470 = arith.constant 128 : i32
      %add3A_471 = arith.addi %add3A_463, %add3A_470 : i32
      %swap3A_472 = arith.index_cast %add3A_471 : i32 to index
      %swap3A_473 = tpu.vector_load %arg8[%swap3A_472] {strides = array<i32>} : memref<16384xi32, #tpu.memory_space<vmem>>, vector<16xi32>,
      %swap3A_474 = vector.shape_cast %swap3A_473 : vector<16xi32> to vector<16xi32>
      %swap3A_475 = vector.shape_cast %add3A_469 : vector<16xi32> to vector<16xi32>
      tpu.vector_store %arg8[%swap3A_472], %swap3A_475 {strides = array<i32>} : memref<16384xi32, #tpu.memory_space<vmem>>, vector<16xi32>,
    }
    %scan3A_351 = arith.constant 512 : i32
    %dma_start3A_352 = arith.constant 0 : i32
    %dma_start3A_353 = tpu.memref_slice %arg4[%dma_start3A_352] : memref<4194304xf32, #tpu.memory_space<hbm>> -> memref<4194304xf32, #tpu.memory_space<hbm>>
    tpu.enqueue_indirect_dma source(%dma_start3A_353 : memref<4194304xf32, #tpu.memory_space<hbm>>) target(%arg11 : memref<16384xf32, #tpu.memory_space<vmem>>) offsets(%arg8 : memref<16384xi32, #tpu.memory_space<vmem>>) semaphore(%arg14 : memref<!tpu.dma_semaphore, #tpu.memory_space<semaphore_mem>>)
    %dma_wait3A_354 = arith.constant 0 : i32
    %dma_wait3A_355 = tpu.memref_slice %arg4[%dma_wait3A_354] : memref<4194304xf32, #tpu.memory_space<hbm>> -> memref<4194304xf32, #tpu.memory_space<hbm>>
    tpu.wait_indirect_dma semaphore(%arg15 : memref<!tpu.dma_semaphore, #tpu.memory_space<semaphore_mem>>) src(%dma_wait3A_355 : memref<4194304xf32, #tpu.memory_space<hbm>>) dst(%arg12 : memref<16384xf32, #tpu.memory_space<vmem>>)
    "tpu.region"() ({
      %run_scoped3A = tpu.sem_alloc : memref<!tpu.dma_semaphore, #tpu.memory_space<semaphore_mem>>
      %dma_start3A_435 = tpu.memref_slice %arg5[%mul3A_295] : memref<8001536xf32, #tpu.memory_space<hbm>> -> memref<16384xf32, #tpu.memory_space<hbm>>
      %dma_start3A_436 = tpu.memref_slice %arg5[%mul3A_295] : memref<8001536xf32, #tpu.memory_space<hbm>> -> memref<16384xf32, #tpu.memory_space<hbm>>
      tpu.enqueue_dma source(%arg12 : memref<16384xf32, #tpu.memory_space<vmem>>) target(%dma_start3A_436 : memref<16384xf32, #tpu.memory_space<hbm>>) target_semaphore(%run_scoped3A : memref<!tpu.dma_semaphore, #tpu.memory_space<semaphore_mem>>)
      %dma_wait3A_437 = tpu.memref_slice %arg5[%mul3A_295] : memref<8001536xf32, #tpu.memory_space<hbm>> -> memref<16384xf32, #tpu.memory_space<hbm>>
      %dma_wait3A_438 = tpu.memref_slice %arg5[%mul3A_295] : memref<8001536xf32, #tpu.memory_space<hbm>> -> memref<16384xf32, #tpu.memory_space<hbm>>
      tpu.wait_dma2 semaphore(%run_scoped3A : memref<!tpu.dma_semaphore, #tpu.memory_space<semaphore_mem>>) src(%arg12 : memref<16384xf32, #tpu.memory_space<vmem>>) dst(%dma_wait3A_438 : memref<16384xf32, #tpu.memory_space<hbm>>)
      tpu.yield
    }) : () -> ()
    %add3A_356 = arith.constant 832 : i32
    %add3A_357 = arith.addi %mul3A_32, %add3A_356 : i32
    %sub3A_358 = arith.constant 64 : i32
    %sub3A_359 = arith.subi %min3A_35, %sub3A_358 : i32
    %min3A_360 = arith.minsi %add3A_357, %sub3A_359 : i32
    %mul3A_361 = arith.constant 500000 : i32
    %mul3A_362 = arith.muli %select_n3A, %mul3A_361 : i32
    %mul3A_363 = arith.constant 128 : i32
    %mul3A_364 = arith.muli %min3A_360, %mul3A_363 : i32
    %add3A_365 = arith.addi %mul3A_362, %mul3A_364 : i32
    %mul3A_366 = arith.constant 3907 : i32
    %mul3A_367 = arith.muli %select_n3A, %mul3A_366 : i32
    %add3A_368 = arith.addi %mul3A_367, %min3A_360 : i32
    %mul3A_369 = arith.constant 256 : i32
    %mul3A_370 = arith.muli %add3A_368, %mul3A_369 : i32
    "tpu.region"() ({
      %run_scoped3A = tpu.sem_alloc : memref<!tpu.dma_semaphore, #tpu.memory_space<semaphore_mem>>
      %dma_start3A_435 = tpu.memref_slice %arg2[%add3A_365] : memref<4000000xf32, #tpu.memory_space<hbm>> -> memref<8192xf32, #tpu.memory_space<hbm>>
      %dma_start3A_436 = tpu.memref_slice %arg2[%add3A_365] : memref<4000000xf32, #tpu.memory_space<hbm>> -> memref<8192xf32, #tpu.memory_space<hbm>>
      tpu.enqueue_dma source(%dma_start3A_436 : memref<8192xf32, #tpu.memory_space<hbm>>) target(%arg6 : memref<8192xf32, #tpu.memory_space<vmem>>) target_semaphore(%run_scoped3A : memref<!tpu.dma_semaphore, #tpu.memory_space<semaphore_mem>>)
      %dma_wait3A_437 = tpu.memref_slice %arg2[%add3A_365] : memref<4000000xf32, #tpu.memory_space<hbm>> -> memref<8192xf32, #tpu.memory_space<hbm>>
      %dma_wait3A_438 = tpu.memref_slice %arg2[%add3A_365] : memref<4000000xf32, #tpu.memory_space<hbm>> -> memref<8192xf32, #tpu.memory_space<hbm>>
      tpu.wait_dma2 semaphore(%run_scoped3A : memref<!tpu.dma_semaphore, #tpu.memory_space<semaphore_mem>>) src(%dma_wait3A_438 : memref<8192xf32, #tpu.memory_space<hbm>>) dst(%arg6 : memref<8192xf32, #tpu.memory_space<vmem>>)
      tpu.yield
    }) : () -> ()
    "tpu.region"() ({
      %run_scoped3A = tpu.sem_alloc : memref<!tpu.dma_semaphore, #tpu.memory_space<semaphore_mem>>
      %dma_start3A_435 = tpu.memref_slice %arg3[%add3A_365] : memref<4000000xf32, #tpu.memory_space<hbm>> -> memref<8192xf32, #tpu.memory_space<hbm>>
      %dma_start3A_436 = tpu.memref_slice %arg3[%add3A_365] : memref<4000000xf32, #tpu.memory_space<hbm>> -> memref<8192xf32, #tpu.memory_space<hbm>>
      tpu.enqueue_dma source(%dma_start3A_436 : memref<8192xf32, #tpu.memory_space<hbm>>) target(%arg7 : memref<8192xf32, #tpu.memory_space<vmem>>) target_semaphore(%run_scoped3A : memref<!tpu.dma_semaphore, #tpu.memory_space<semaphore_mem>>)
      %dma_wait3A_437 = tpu.memref_slice %arg3[%add3A_365] : memref<4000000xf32, #tpu.memory_space<hbm>> -> memref<8192xf32, #tpu.memory_space<hbm>>
      %dma_wait3A_438 = tpu.memref_slice %arg3[%add3A_365] : memref<4000000xf32, #tpu.memory_space<hbm>> -> memref<8192xf32, #tpu.memory_space<hbm>>
      tpu.wait_dma2 semaphore(%run_scoped3A : memref<!tpu.dma_semaphore, #tpu.memory_space<semaphore_mem>>) src(%dma_wait3A_438 : memref<8192xf32, #tpu.memory_space<hbm>>) dst(%arg7 : memref<8192xf32, #tpu.memory_space<vmem>>)
      tpu.yield
    }) : () -> ()
    %scan3A_371 = arith.constant 0 : i32
    %scan3A_372 = arith.constant 0 : i32
    %scan3A_373 = arith.constant 512 : i32
    %scan3A_374 = arith.addi %scan3A_372, %scan3A_373 : i32
    %scan3A_375 = arith.constant 1 : i32
    scf.for %scan3A_435 = %scan3A_372 to %scan3A_374 step %scan3A_375  : i32 {
      %mul3A_436 = arith.constant 16 : i32
      %mul3A_437 = arith.muli %scan3A_435, %mul3A_436 : i32
      %get3A = arith.index_cast %mul3A_437 : i32 to index
      %get3A_438 = tpu.vector_load %arg6[%get3A] {strides = array<i32>} : memref<8192xf32, #tpu.memory_space<vmem>>, vector<16xf32>,
      %get3A_439 = vector.shape_cast %get3A_438 : vector<16xf32> to vector<16xf32>
      %mul3A_440 = arith.constant 16 : i32
      %mul3A_441 = arith.muli %scan3A_435, %mul3A_440 : i32
      %get3A_442 = arith.index_cast %mul3A_441 : i32 to index
      %get3A_443 = tpu.vector_load %arg7[%get3A_442] {strides = array<i32>} : memref<8192xf32, #tpu.memory_space<vmem>>, vector<16xf32>,
      %get3A_444 = vector.shape_cast %get3A_443 : vector<16xf32> to vector<16xf32>
      %mul3A_445 = arith.constant 5.120000e+02 : f32
      %mul3A_446 = vector.broadcast %mul3A_445 : f32 to vector<16xf32>
      %mul3A_447 = arith.mulf %get3A_444, %mul3A_446 : vector<16xf32>
      %add3A_448 = arith.addf %get3A_439, %mul3A_447 : vector<16xf32>
      %convert_element_type3A = arith.fptosi %add3A_448 : vector<16xf32> to vector<16xi32>
      %jit3A_449 = arith.constant 0 : i32
      %jit3A_450 = arith.constant 262143 : i32
      %max3A = vector.broadcast %jit3A_449 : i32 to vector<16xi32>
      %max3A_451 = arith.maxsi %max3A, %convert_element_type3A : vector<16xi32>
      %min3A_452 = vector.broadcast %jit3A_450 : i32 to vector<16xi32>
      %min3A_453 = arith.minsi %min3A_452, %max3A_451 : vector<16xi32>
      %add3A_454 = vector.broadcast %mul3A_37 : i32 to vector<16xi32>
      %add3A_455 = arith.addi %min3A_453, %add3A_454 : vector<16xi32>
      %shift_right_arithmetic3A = arith.constant 3 : i32
      %shift_right_arithmetic3A_456 = arith.shrsi %scan3A_435, %shift_right_arithmetic3A : i32
      %mul3A_457 = arith.constant 256 : i32
      %mul3A_458 = arith.muli %shift_right_arithmetic3A_456, %mul3A_457 : i32
      %and3A_459 = arith.constant 7 : i32
      %and3A_460 = arith.andi %scan3A_435, %and3A_459 : i32
      %mul3A_461 = arith.constant 16 : i32
      %mul3A_462 = arith.muli %and3A_460, %mul3A_461 : i32
      %add3A_463 = arith.addi %mul3A_458, %mul3A_462 : i32
      %swap3A = arith.index_cast %add3A_463 : i32 to index
      %swap3A_464 = tpu.vector_load %arg9[%swap3A] {strides = array<i32>} : memref<16384xi32, #tpu.memory_space<vmem>>, vector<16xi32>,
      %swap3A_465 = vector.shape_cast %swap3A_464 : vector<16xi32> to vector<16xi32>
      %swap3A_466 = vector.shape_cast %add3A_455 : vector<16xi32> to vector<16xi32>
      tpu.vector_store %arg9[%swap3A], %swap3A_466 {strides = array<i32>} : memref<16384xi32, #tpu.memory_space<vmem>>, vector<16xi32>,
      %add3A_467 = arith.constant 262144 : i32
      %add3A_468 = vector.broadcast %add3A_467 : i32 to vector<16xi32>
      %add3A_469 = arith.addi %add3A_455, %add3A_468 : vector<16xi32>
      %add3A_470 = arith.constant 128 : i32
      %add3A_471 = arith.addi %add3A_463, %add3A_470 : i32
      %swap3A_472 = arith.index_cast %add3A_471 : i32 to index
      %swap3A_473 = tpu.vector_load %arg9[%swap3A_472] {strides = array<i32>} : memref<16384xi32, #tpu.memory_space<vmem>>, vector<16xi32>,
      %swap3A_474 = vector.shape_cast %swap3A_473 : vector<16xi32> to vector<16xi32>
      %swap3A_475 = vector.shape_cast %add3A_469 : vector<16xi32> to vector<16xi32>
      tpu.vector_store %arg9[%swap3A_472], %swap3A_475 {strides = array<i32>} : memref<16384xi32, #tpu.memory_space<vmem>>, vector<16xi32>,
    }
    %scan3A_376 = arith.constant 512 : i32
    %dma_start3A_377 = arith.constant 0 : i32
    %dma_start3A_378 = tpu.memref_slice %arg4[%dma_start3A_377] : memref<4194304xf32, #tpu.memory_space<hbm>> -> memref<4194304xf32, #tpu.memory_space<hbm>>
    tpu.enqueue_indirect_dma source(%dma_start3A_378 : memref<4194304xf32, #tpu.memory_space<hbm>>) target(%arg12 : memref<16384xf32, #tpu.memory_space<vmem>>) offsets(%arg9 : memref<16384xi32, #tpu.memory_space<vmem>>) semaphore(%arg15 : memref<!tpu.dma_semaphore, #tpu.memory_space<semaphore_mem>>)
    %dma_wait3A_379 = arith.constant 0 : i32
    %dma_wait3A_380 = tpu.memref_slice %arg4[%dma_wait3A_379] : memref<4194304xf32, #tpu.memory_space<hbm>> -> memref<4194304xf32, #tpu.memory_space<hbm>>
    tpu.wait_indirect_dma semaphore(%arg16 : memref<!tpu.dma_semaphore, #tpu.memory_space<semaphore_mem>>) src(%dma_wait3A_380 : memref<4194304xf32, #tpu.memory_space<hbm>>) dst(%arg13 : memref<16384xf32, #tpu.memory_space<vmem>>)
    "tpu.region"() ({
      %run_scoped3A = tpu.sem_alloc : memref<!tpu.dma_semaphore, #tpu.memory_space<semaphore_mem>>
      %dma_start3A_435 = tpu.memref_slice %arg5[%mul3A_320] : memref<8001536xf32, #tpu.memory_space<hbm>> -> memref<16384xf32, #tpu.memory_space<hbm>>
      %dma_start3A_436 = tpu.memref_slice %arg5[%mul3A_320] : memref<8001536xf32, #tpu.memory_space<hbm>> -> memref<16384xf32, #tpu.memory_space<hbm>>
      tpu.enqueue_dma source(%arg13 : memref<16384xf32, #tpu.memory_space<vmem>>) target(%dma_start3A_436 : memref<16384xf32, #tpu.memory_space<hbm>>) target_semaphore(%run_scoped3A : memref<!tpu.dma_semaphore, #tpu.memory_space<semaphore_mem>>)
      %dma_wait3A_437 = tpu.memref_slice %arg5[%mul3A_320] : memref<8001536xf32, #tpu.memory_space<hbm>> -> memref<16384xf32, #tpu.memory_space<hbm>>
      %dma_wait3A_438 = tpu.memref_slice %arg5[%mul3A_320] : memref<8001536xf32, #tpu.memory_space<hbm>> -> memref<16384xf32, #tpu.memory_space<hbm>>
      tpu.wait_dma2 semaphore(%run_scoped3A : memref<!tpu.dma_semaphore, #tpu.memory_space<semaphore_mem>>) src(%arg13 : memref<16384xf32, #tpu.memory_space<vmem>>) dst(%dma_wait3A_438 : memref<16384xf32, #tpu.memory_space<hbm>>)
      tpu.yield
    }) : () -> ()
    %add3A_381 = arith.constant 896 : i32
    %add3A_382 = arith.addi %mul3A_32, %add3A_381 : i32
    %sub3A_383 = arith.constant 64 : i32
    %sub3A_384 = arith.subi %min3A_35, %sub3A_383 : i32
    %min3A_385 = arith.minsi %add3A_382, %sub3A_384 : i32
    %mul3A_386 = arith.constant 500000 : i32
    %mul3A_387 = arith.muli %select_n3A, %mul3A_386 : i32
    %mul3A_388 = arith.constant 128 : i32
    %mul3A_389 = arith.muli %min3A_385, %mul3A_388 : i32
    %add3A_390 = arith.addi %mul3A_387, %mul3A_389 : i32
    %mul3A_391 = arith.constant 3907 : i32
    %mul3A_392 = arith.muli %select_n3A, %mul3A_391 : i32
    %add3A_393 = arith.addi %mul3A_392, %min3A_385 : i32
    %mul3A_394 = arith.constant 256 : i32
    %mul3A_395 = arith.muli %add3A_393, %mul3A_394 : i32
    "tpu.region"() ({
      %run_scoped3A = tpu.sem_alloc : memref<!tpu.dma_semaphore, #tpu.memory_space<semaphore_mem>>
      %dma_start3A_435 = tpu.memref_slice %arg2[%add3A_390] : memref<4000000xf32, #tpu.memory_space<hbm>> -> memref<8192xf32, #tpu.memory_space<hbm>>
      %dma_start3A_436 = tpu.memref_slice %arg2[%add3A_390] : memref<4000000xf32, #tpu.memory_space<hbm>> -> memref<8192xf32, #tpu.memory_space<hbm>>
      tpu.enqueue_dma source(%dma_start3A_436 : memref<8192xf32, #tpu.memory_space<hbm>>) target(%arg6 : memref<8192xf32, #tpu.memory_space<vmem>>) target_semaphore(%run_scoped3A : memref<!tpu.dma_semaphore, #tpu.memory_space<semaphore_mem>>)
      %dma_wait3A_437 = tpu.memref_slice %arg2[%add3A_390] : memref<4000000xf32, #tpu.memory_space<hbm>> -> memref<8192xf32, #tpu.memory_space<hbm>>
      %dma_wait3A_438 = tpu.memref_slice %arg2[%add3A_390] : memref<4000000xf32, #tpu.memory_space<hbm>> -> memref<8192xf32, #tpu.memory_space<hbm>>
      tpu.wait_dma2 semaphore(%run_scoped3A : memref<!tpu.dma_semaphore, #tpu.memory_space<semaphore_mem>>) src(%dma_wait3A_438 : memref<8192xf32, #tpu.memory_space<hbm>>) dst(%arg6 : memref<8192xf32, #tpu.memory_space<vmem>>)
      tpu.yield
    }) : () -> ()
    "tpu.region"() ({
      %run_scoped3A = tpu.sem_alloc : memref<!tpu.dma_semaphore, #tpu.memory_space<semaphore_mem>>
      %dma_start3A_435 = tpu.memref_slice %arg3[%add3A_390] : memref<4000000xf32, #tpu.memory_space<hbm>> -> memref<8192xf32, #tpu.memory_space<hbm>>
      %dma_start3A_436 = tpu.memref_slice %arg3[%add3A_390] : memref<4000000xf32, #tpu.memory_space<hbm>> -> memref<8192xf32, #tpu.memory_space<hbm>>
      tpu.enqueue_dma source(%dma_start3A_436 : memref<8192xf32, #tpu.memory_space<hbm>>) target(%arg7 : memref<8192xf32, #tpu.memory_space<vmem>>) target_semaphore(%run_scoped3A : memref<!tpu.dma_semaphore, #tpu.memory_space<semaphore_mem>>)
      %dma_wait3A_437 = tpu.memref_slice %arg3[%add3A_390] : memref<4000000xf32, #tpu.memory_space<hbm>> -> memref<8192xf32, #tpu.memory_space<hbm>>
      %dma_wait3A_438 = tpu.memref_slice %arg3[%add3A_390] : memref<4000000xf32, #tpu.memory_space<hbm>> -> memref<8192xf32, #tpu.memory_space<hbm>>
      tpu.wait_dma2 semaphore(%run_scoped3A : memref<!tpu.dma_semaphore, #tpu.memory_space<semaphore_mem>>) src(%dma_wait3A_438 : memref<8192xf32, #tpu.memory_space<hbm>>) dst(%arg7 : memref<8192xf32, #tpu.memory_space<vmem>>)
      tpu.yield
    }) : () -> ()
    %scan3A_396 = arith.constant 0 : i32
    %scan3A_397 = arith.constant 0 : i32
    %scan3A_398 = arith.constant 512 : i32
    %scan3A_399 = arith.addi %scan3A_397, %scan3A_398 : i32
    %scan3A_400 = arith.constant 1 : i32
    scf.for %scan3A_435 = %scan3A_397 to %scan3A_399 step %scan3A_400  : i32 {
      %mul3A_436 = arith.constant 16 : i32
      %mul3A_437 = arith.muli %scan3A_435, %mul3A_436 : i32
      %get3A = arith.index_cast %mul3A_437 : i32 to index
      %get3A_438 = tpu.vector_load %arg6[%get3A] {strides = array<i32>} : memref<8192xf32, #tpu.memory_space<vmem>>, vector<16xf32>,
      %get3A_439 = vector.shape_cast %get3A_438 : vector<16xf32> to vector<16xf32>
      %mul3A_440 = arith.constant 16 : i32
      %mul3A_441 = arith.muli %scan3A_435, %mul3A_440 : i32
      %get3A_442 = arith.index_cast %mul3A_441 : i32 to index
      %get3A_443 = tpu.vector_load %arg7[%get3A_442] {strides = array<i32>} : memref<8192xf32, #tpu.memory_space<vmem>>, vector<16xf32>,
      %get3A_444 = vector.shape_cast %get3A_443 : vector<16xf32> to vector<16xf32>
      %mul3A_445 = arith.constant 5.120000e+02 : f32
      %mul3A_446 = vector.broadcast %mul3A_445 : f32 to vector<16xf32>
      %mul3A_447 = arith.mulf %get3A_444, %mul3A_446 : vector<16xf32>
      %add3A_448 = arith.addf %get3A_439, %mul3A_447 : vector<16xf32>
      %convert_element_type3A = arith.fptosi %add3A_448 : vector<16xf32> to vector<16xi32>
      %jit3A_449 = arith.constant 0 : i32
      %jit3A_450 = arith.constant 262143 : i32
      %max3A = vector.broadcast %jit3A_449 : i32 to vector<16xi32>
      %max3A_451 = arith.maxsi %max3A, %convert_element_type3A : vector<16xi32>
      %min3A_452 = vector.broadcast %jit3A_450 : i32 to vector<16xi32>
      %min3A_453 = arith.minsi %min3A_452, %max3A_451 : vector<16xi32>
      %add3A_454 = vector.broadcast %mul3A_37 : i32 to vector<16xi32>
      %add3A_455 = arith.addi %min3A_453, %add3A_454 : vector<16xi32>
      %shift_right_arithmetic3A = arith.constant 3 : i32
      %shift_right_arithmetic3A_456 = arith.shrsi %scan3A_435, %shift_right_arithmetic3A : i32
      %mul3A_457 = arith.constant 256 : i32
      %mul3A_458 = arith.muli %shift_right_arithmetic3A_456, %mul3A_457 : i32
      %and3A_459 = arith.constant 7 : i32
      %and3A_460 = arith.andi %scan3A_435, %and3A_459 : i32
      %mul3A_461 = arith.constant 16 : i32
      %mul3A_462 = arith.muli %and3A_460, %mul3A_461 : i32
      %add3A_463 = arith.addi %mul3A_458, %mul3A_462 : i32
      %swap3A = arith.index_cast %add3A_463 : i32 to index
      %swap3A_464 = tpu.vector_load %arg10[%swap3A] {strides = array<i32>} : memref<16384xi32, #tpu.memory_space<vmem>>, vector<16xi32>,
      %swap3A_465 = vector.shape_cast %swap3A_464 : vector<16xi32> to vector<16xi32>
      %swap3A_466 = vector.shape_cast %add3A_455 : vector<16xi32> to vector<16xi32>
      tpu.vector_store %arg10[%swap3A], %swap3A_466 {strides = array<i32>} : memref<16384xi32, #tpu.memory_space<vmem>>, vector<16xi32>,
      %add3A_467 = arith.constant 262144 : i32
      %add3A_468 = vector.broadcast %add3A_467 : i32 to vector<16xi32>
      %add3A_469 = arith.addi %add3A_455, %add3A_468 : vector<16xi32>
      %add3A_470 = arith.constant 128 : i32
      %add3A_471 = arith.addi %add3A_463, %add3A_470 : i32
      %swap3A_472 = arith.index_cast %add3A_471 : i32 to index
      %swap3A_473 = tpu.vector_load %arg10[%swap3A_472] {strides = array<i32>} : memref<16384xi32, #tpu.memory_space<vmem>>, vector<16xi32>,
      %swap3A_474 = vector.shape_cast %swap3A_473 : vector<16xi32> to vector<16xi32>
      %swap3A_475 = vector.shape_cast %add3A_469 : vector<16xi32> to vector<16xi32>
      tpu.vector_store %arg10[%swap3A_472], %swap3A_475 {strides = array<i32>} : memref<16384xi32, #tpu.memory_space<vmem>>, vector<16xi32>,
    }
    %scan3A_401 = arith.constant 512 : i32
    %dma_start3A_402 = arith.constant 0 : i32
    %dma_start3A_403 = tpu.memref_slice %arg4[%dma_start3A_402] : memref<4194304xf32, #tpu.memory_space<hbm>> -> memref<4194304xf32, #tpu.memory_space<hbm>>
    tpu.enqueue_indirect_dma source(%dma_start3A_403 : memref<4194304xf32, #tpu.memory_space<hbm>>) target(%arg13 : memref<16384xf32, #tpu.memory_space<vmem>>) offsets(%arg10 : memref<16384xi32, #tpu.memory_space<vmem>>) semaphore(%arg16 : memref<!tpu.dma_semaphore, #tpu.memory_space<semaphore_mem>>)
    %dma_wait3A_404 = arith.constant 0 : i32
    %dma_wait3A_405 = tpu.memref_slice %arg4[%dma_wait3A_404] : memref<4194304xf32, #tpu.memory_space<hbm>> -> memref<4194304xf32, #tpu.memory_space<hbm>>
    tpu.wait_indirect_dma semaphore(%arg14 : memref<!tpu.dma_semaphore, #tpu.memory_space<semaphore_mem>>) src(%dma_wait3A_405 : memref<4194304xf32, #tpu.memory_space<hbm>>) dst(%arg11 : memref<16384xf32, #tpu.memory_space<vmem>>)
    "tpu.region"() ({
      %run_scoped3A = tpu.sem_alloc : memref<!tpu.dma_semaphore, #tpu.memory_space<semaphore_mem>>
      %dma_start3A_435 = tpu.memref_slice %arg5[%mul3A_345] : memref<8001536xf32, #tpu.memory_space<hbm>> -> memref<16384xf32, #tpu.memory_space<hbm>>
      %dma_start3A_436 = tpu.memref_slice %arg5[%mul3A_345] : memref<8001536xf32, #tpu.memory_space<hbm>> -> memref<16384xf32, #tpu.memory_space<hbm>>
      tpu.enqueue_dma source(%arg11 : memref<16384xf32, #tpu.memory_space<vmem>>) target(%dma_start3A_436 : memref<16384xf32, #tpu.memory_space<hbm>>) target_semaphore(%run_scoped3A : memref<!tpu.dma_semaphore, #tpu.memory_space<semaphore_mem>>)
      %dma_wait3A_437 = tpu.memref_slice %arg5[%mul3A_345] : memref<8001536xf32, #tpu.memory_space<hbm>> -> memref<16384xf32, #tpu.memory_space<hbm>>
      %dma_wait3A_438 = tpu.memref_slice %arg5[%mul3A_345] : memref<8001536xf32, #tpu.memory_space<hbm>> -> memref<16384xf32, #tpu.memory_space<hbm>>
      tpu.wait_dma2 semaphore(%run_scoped3A : memref<!tpu.dma_semaphore, #tpu.memory_space<semaphore_mem>>) src(%arg11 : memref<16384xf32, #tpu.memory_space<vmem>>) dst(%dma_wait3A_438 : memref<16384xf32, #tpu.memory_space<hbm>>)
      tpu.yield
    }) : () -> ()
    %add3A_406 = arith.constant 960 : i32
    %add3A_407 = arith.addi %mul3A_32, %add3A_406 : i32
    %sub3A_408 = arith.constant 64 : i32
    %sub3A_409 = arith.subi %min3A_35, %sub3A_408 : i32
    %min3A_410 = arith.minsi %add3A_407, %sub3A_409 : i32
    %mul3A_411 = arith.constant 500000 : i32
    %mul3A_412 = arith.muli %select_n3A, %mul3A_411 : i32
    %mul3A_413 = arith.constant 128 : i32
    %mul3A_414 = arith.muli %min3A_410, %mul3A_413 : i32
    %add3A_415 = arith.addi %mul3A_412, %mul3A_414 : i32
    %mul3A_416 = arith.constant 3907 : i32
    %mul3A_417 = arith.muli %select_n3A, %mul3A_416 : i32
    %add3A_418 = arith.addi %mul3A_417, %min3A_410 : i32
    %mul3A_419 = arith.constant 256 : i32
    %mul3A_420 = arith.muli %add3A_418, %mul3A_419 : i32
    "tpu.region"() ({
      %run_scoped3A = tpu.sem_alloc : memref<!tpu.dma_semaphore, #tpu.memory_space<semaphore_mem>>
      %dma_start3A_435 = tpu.memref_slice %arg2[%add3A_415] : memref<4000000xf32, #tpu.memory_space<hbm>> -> memref<8192xf32, #tpu.memory_space<hbm>>
      %dma_start3A_436 = tpu.memref_slice %arg2[%add3A_415] : memref<4000000xf32, #tpu.memory_space<hbm>> -> memref<8192xf32, #tpu.memory_space<hbm>>
      tpu.enqueue_dma source(%dma_start3A_436 : memref<8192xf32, #tpu.memory_space<hbm>>) target(%arg6 : memref<8192xf32, #tpu.memory_space<vmem>>) target_semaphore(%run_scoped3A : memref<!tpu.dma_semaphore, #tpu.memory_space<semaphore_mem>>)
      %dma_wait3A_437 = tpu.memref_slice %arg2[%add3A_415] : memref<4000000xf32, #tpu.memory_space<hbm>> -> memref<8192xf32, #tpu.memory_space<hbm>>
      %dma_wait3A_438 = tpu.memref_slice %arg2[%add3A_415] : memref<4000000xf32, #tpu.memory_space<hbm>> -> memref<8192xf32, #tpu.memory_space<hbm>>
      tpu.wait_dma2 semaphore(%run_scoped3A : memref<!tpu.dma_semaphore, #tpu.memory_space<semaphore_mem>>) src(%dma_wait3A_438 : memref<8192xf32, #tpu.memory_space<hbm>>) dst(%arg6 : memref<8192xf32, #tpu.memory_space<vmem>>)
      tpu.yield
    }) : () -> ()
    "tpu.region"() ({
      %run_scoped3A = tpu.sem_alloc : memref<!tpu.dma_semaphore, #tpu.memory_space<semaphore_mem>>
      %dma_start3A_435 = tpu.memref_slice %arg3[%add3A_415] : memref<4000000xf32, #tpu.memory_space<hbm>> -> memref<8192xf32, #tpu.memory_space<hbm>>
      %dma_start3A_436 = tpu.memref_slice %arg3[%add3A_415] : memref<4000000xf32, #tpu.memory_space<hbm>> -> memref<8192xf32, #tpu.memory_space<hbm>>
      tpu.enqueue_dma source(%dma_start3A_436 : memref<8192xf32, #tpu.memory_space<hbm>>) target(%arg7 : memref<8192xf32, #tpu.memory_space<vmem>>) target_semaphore(%run_scoped3A : memref<!tpu.dma_semaphore, #tpu.memory_space<semaphore_mem>>)
      %dma_wait3A_437 = tpu.memref_slice %arg3[%add3A_415] : memref<4000000xf32, #tpu.memory_space<hbm>> -> memref<8192xf32, #tpu.memory_space<hbm>>
      %dma_wait3A_438 = tpu.memref_slice %arg3[%add3A_415] : memref<4000000xf32, #tpu.memory_space<hbm>> -> memref<8192xf32, #tpu.memory_space<hbm>>
      tpu.wait_dma2 semaphore(%run_scoped3A : memref<!tpu.dma_semaphore, #tpu.memory_space<semaphore_mem>>) src(%dma_wait3A_438 : memref<8192xf32, #tpu.memory_space<hbm>>) dst(%arg7 : memref<8192xf32, #tpu.memory_space<vmem>>)
      tpu.yield
    }) : () -> ()
    %scan3A_421 = arith.constant 0 : i32
    %scan3A_422 = arith.constant 0 : i32
    %scan3A_423 = arith.constant 512 : i32
    %scan3A_424 = arith.addi %scan3A_422, %scan3A_423 : i32
    %scan3A_425 = arith.constant 1 : i32
    scf.for %scan3A_435 = %scan3A_422 to %scan3A_424 step %scan3A_425  : i32 {
      %mul3A_436 = arith.constant 16 : i32
      %mul3A_437 = arith.muli %scan3A_435, %mul3A_436 : i32
      %get3A = arith.index_cast %mul3A_437 : i32 to index
      %get3A_438 = tpu.vector_load %arg6[%get3A] {strides = array<i32>} : memref<8192xf32, #tpu.memory_space<vmem>>, vector<16xf32>,
      %get3A_439 = vector.shape_cast %get3A_438 : vector<16xf32> to vector<16xf32>
      %mul3A_440 = arith.constant 16 : i32
      %mul3A_441 = arith.muli %scan3A_435, %mul3A_440 : i32
      %get3A_442 = arith.index_cast %mul3A_441 : i32 to index
      %get3A_443 = tpu.vector_load %arg7[%get3A_442] {strides = array<i32>} : memref<8192xf32, #tpu.memory_space<vmem>>, vector<16xf32>,
      %get3A_444 = vector.shape_cast %get3A_443 : vector<16xf32> to vector<16xf32>
      %mul3A_445 = arith.constant 5.120000e+02 : f32
      %mul3A_446 = vector.broadcast %mul3A_445 : f32 to vector<16xf32>
      %mul3A_447 = arith.mulf %get3A_444, %mul3A_446 : vector<16xf32>
      %add3A_448 = arith.addf %get3A_439, %mul3A_447 : vector<16xf32>
      %convert_element_type3A = arith.fptosi %add3A_448 : vector<16xf32> to vector<16xi32>
      %jit3A_449 = arith.constant 0 : i32
      %jit3A_450 = arith.constant 262143 : i32
      %max3A = vector.broadcast %jit3A_449 : i32 to vector<16xi32>
      %max3A_451 = arith.maxsi %max3A, %convert_element_type3A : vector<16xi32>
      %min3A_452 = vector.broadcast %jit3A_450 : i32 to vector<16xi32>
      %min3A_453 = arith.minsi %min3A_452, %max3A_451 : vector<16xi32>
      %add3A_454 = vector.broadcast %mul3A_37 : i32 to vector<16xi32>
      %add3A_455 = arith.addi %min3A_453, %add3A_454 : vector<16xi32>
      %shift_right_arithmetic3A = arith.constant 3 : i32
      %shift_right_arithmetic3A_456 = arith.shrsi %scan3A_435, %shift_right_arithmetic3A : i32
      %mul3A_457 = arith.constant 256 : i32
      %mul3A_458 = arith.muli %shift_right_arithmetic3A_456, %mul3A_457 : i32
      %and3A_459 = arith.constant 7 : i32
      %and3A_460 = arith.andi %scan3A_435, %and3A_459 : i32
      %mul3A_461 = arith.constant 16 : i32
      %mul3A_462 = arith.muli %and3A_460, %mul3A_461 : i32
      %add3A_463 = arith.addi %mul3A_458, %mul3A_462 : i32
      %swap3A = arith.index_cast %add3A_463 : i32 to index
      %swap3A_464 = tpu.vector_load %arg8[%swap3A] {strides = array<i32>} : memref<16384xi32, #tpu.memory_space<vmem>>, vector<16xi32>,
      %swap3A_465 = vector.shape_cast %swap3A_464 : vector<16xi32> to vector<16xi32>
      %swap3A_466 = vector.shape_cast %add3A_455 : vector<16xi32> to vector<16xi32>
      tpu.vector_store %arg8[%swap3A], %swap3A_466 {strides = array<i32>} : memref<16384xi32, #tpu.memory_space<vmem>>, vector<16xi32>,
      %add3A_467 = arith.constant 262144 : i32
      %add3A_468 = vector.broadcast %add3A_467 : i32 to vector<16xi32>
      %add3A_469 = arith.addi %add3A_455, %add3A_468 : vector<16xi32>
      %add3A_470 = arith.constant 128 : i32
      %add3A_471 = arith.addi %add3A_463, %add3A_470 : i32
      %swap3A_472 = arith.index_cast %add3A_471 : i32 to index
      %swap3A_473 = tpu.vector_load %arg8[%swap3A_472] {strides = array<i32>} : memref<16384xi32, #tpu.memory_space<vmem>>, vector<16xi32>,
      %swap3A_474 = vector.shape_cast %swap3A_473 : vector<16xi32> to vector<16xi32>
      %swap3A_475 = vector.shape_cast %add3A_469 : vector<16xi32> to vector<16xi32>
      tpu.vector_store %arg8[%swap3A_472], %swap3A_475 {strides = array<i32>} : memref<16384xi32, #tpu.memory_space<vmem>>, vector<16xi32>,
    }
    %scan3A_426 = arith.constant 512 : i32
    %dma_start3A_427 = arith.constant 0 : i32
    %dma_start3A_428 = tpu.memref_slice %arg4[%dma_start3A_427] : memref<4194304xf32, #tpu.memory_space<hbm>> -> memref<4194304xf32, #tpu.memory_space<hbm>>
    tpu.enqueue_indirect_dma source(%dma_start3A_428 : memref<4194304xf32, #tpu.memory_space<hbm>>) target(%arg11 : memref<16384xf32, #tpu.memory_space<vmem>>) offsets(%arg8 : memref<16384xi32, #tpu.memory_space<vmem>>) semaphore(%arg14 : memref<!tpu.dma_semaphore, #tpu.memory_space<semaphore_mem>>)
    %dma_wait3A_429 = arith.constant 0 : i32
    %dma_wait3A_430 = tpu.memref_slice %arg4[%dma_wait3A_429] : memref<4194304xf32, #tpu.memory_space<hbm>> -> memref<4194304xf32, #tpu.memory_space<hbm>>
    tpu.wait_indirect_dma semaphore(%arg15 : memref<!tpu.dma_semaphore, #tpu.memory_space<semaphore_mem>>) src(%dma_wait3A_430 : memref<4194304xf32, #tpu.memory_space<hbm>>) dst(%arg12 : memref<16384xf32, #tpu.memory_space<vmem>>)
    "tpu.region"() ({
      %run_scoped3A = tpu.sem_alloc : memref<!tpu.dma_semaphore, #tpu.memory_space<semaphore_mem>>
      %dma_start3A_435 = tpu.memref_slice %arg5[%mul3A_370] : memref<8001536xf32, #tpu.memory_space<hbm>> -> memref<16384xf32, #tpu.memory_space<hbm>>
      %dma_start3A_436 = tpu.memref_slice %arg5[%mul3A_370] : memref<8001536xf32, #tpu.memory_space<hbm>> -> memref<16384xf32, #tpu.memory_space<hbm>>
      tpu.enqueue_dma source(%arg12 : memref<16384xf32, #tpu.memory_space<vmem>>) target(%dma_start3A_436 : memref<16384xf32, #tpu.memory_space<hbm>>) target_semaphore(%run_scoped3A : memref<!tpu.dma_semaphore, #tpu.memory_space<semaphore_mem>>)
      %dma_wait3A_437 = tpu.memref_slice %arg5[%mul3A_370] : memref<8001536xf32, #tpu.memory_space<hbm>> -> memref<16384xf32, #tpu.memory_space<hbm>>
      %dma_wait3A_438 = tpu.memref_slice %arg5[%mul3A_370] : memref<8001536xf32, #tpu.memory_space<hbm>> -> memref<16384xf32, #tpu.memory_space<hbm>>
      tpu.wait_dma2 semaphore(%run_scoped3A : memref<!tpu.dma_semaphore, #tpu.memory_space<semaphore_mem>>) src(%arg12 : memref<16384xf32, #tpu.memory_space<vmem>>) dst(%dma_wait3A_438 : memref<16384xf32, #tpu.memory_space<hbm>>)
      tpu.yield
    }) : () -> ()
    %dma_wait3A_431 = arith.constant 0 : i32
    %dma_wait3A_432 = tpu.memref_slice %arg4[%dma_wait3A_431] : memref<4194304xf32, #tpu.memory_space<hbm>> -> memref<4194304xf32, #tpu.memory_space<hbm>>
    tpu.wait_indirect_dma semaphore(%arg16 : memref<!tpu.dma_semaphore, #tpu.memory_space<semaphore_mem>>) src(%dma_wait3A_432 : memref<4194304xf32, #tpu.memory_space<hbm>>) dst(%arg13 : memref<16384xf32, #tpu.memory_space<vmem>>)
    "tpu.region"() ({
      %run_scoped3A = tpu.sem_alloc : memref<!tpu.dma_semaphore, #tpu.memory_space<semaphore_mem>>
      %dma_start3A_435 = tpu.memref_slice %arg5[%mul3A_395] : memref<8001536xf32, #tpu.memory_space<hbm>> -> memref<16384xf32, #tpu.memory_space<hbm>>
      %dma_start3A_436 = tpu.memref_slice %arg5[%mul3A_395] : memref<8001536xf32, #tpu.memory_space<hbm>> -> memref<16384xf32, #tpu.memory_space<hbm>>
      tpu.enqueue_dma source(%arg13 : memref<16384xf32, #tpu.memory_space<vmem>>) target(%dma_start3A_436 : memref<16384xf32, #tpu.memory_space<hbm>>) target_semaphore(%run_scoped3A : memref<!tpu.dma_semaphore, #tpu.memory_space<semaphore_mem>>)
      %dma_wait3A_437 = tpu.memref_slice %arg5[%mul3A_395] : memref<8001536xf32, #tpu.memory_space<hbm>> -> memref<16384xf32, #tpu.memory_space<hbm>>
      %dma_wait3A_438 = tpu.memref_slice %arg5[%mul3A_395] : memref<8001536xf32, #tpu.memory_space<hbm>> -> memref<16384xf32, #tpu.memory_space<hbm>>
      tpu.wait_dma2 semaphore(%run_scoped3A : memref<!tpu.dma_semaphore, #tpu.memory_space<semaphore_mem>>) src(%arg13 : memref<16384xf32, #tpu.memory_space<vmem>>) dst(%dma_wait3A_438 : memref<16384xf32, #tpu.memory_space<hbm>>)
      tpu.yield
    }) : () -> ()
    %dma_wait3A_433 = arith.constant 0 : i32
    %dma_wait3A_434 = tpu.memref_slice %arg4[%dma_wait3A_433] : memref<4194304xf32, #tpu.memory_space<hbm>> -> memref<4194304xf32, #tpu.memory_space<hbm>>
    tpu.wait_indirect_dma semaphore(%arg14 : memref<!tpu.dma_semaphore, #tpu.memory_space<semaphore_mem>>) src(%dma_wait3A_434 : memref<4194304xf32, #tpu.memory_space<hbm>>) dst(%arg11 : memref<16384xf32, #tpu.memory_space<vmem>>)
    "tpu.region"() ({
      %run_scoped3A = tpu.sem_alloc : memref<!tpu.dma_semaphore, #tpu.memory_space<semaphore_mem>>
      %dma_start3A_435 = tpu.memref_slice %arg5[%mul3A_420] : memref<8001536xf32, #tpu.memory_space<hbm>> -> memref<16384xf32, #tpu.memory_space<hbm>>
      %dma_start3A_436 = tpu.memref_slice %arg5[%mul3A_420] : memref<8001536xf32, #tpu.memory_space<hbm>> -> memref<16384xf32, #tpu.memory_space<hbm>>
      tpu.enqueue_dma source(%arg11 : memref<16384xf32, #tpu.memory_space<vmem>>) target(%dma_start3A_436 : memref<16384xf32, #tpu.memory_space<hbm>>) target_semaphore(%run_scoped3A : memref<!tpu.dma_semaphore, #tpu.memory_space<semaphore_mem>>)
      %dma_wait3A_437 = tpu.memref_slice %arg5[%mul3A_420] : memref<8001536xf32, #tpu.memory_space<hbm>> -> memref<16384xf32, #tpu.memory_space<hbm>>
      %dma_wait3A_438 = tpu.memref_slice %arg5[%mul3A_420] : memref<8001536xf32, #tpu.memory_space<hbm>> -> memref<16384xf32, #tpu.memory_space<hbm>>
      tpu.wait_dma2 semaphore(%run_scoped3A : memref<!tpu.dma_semaphore, #tpu.memory_space<semaphore_mem>>) src(%arg11 : memref<16384xf32, #tpu.memory_space<vmem>>) dst(%dma_wait3A_438 : memref<16384xf32, #tpu.memory_space<hbm>>)
      tpu.yield
    }) : () -> ()
    return
  }
}

</mosaic_0001>

<sc_bundles>
// kernel: kernel.3.cloned.1.call-start
scs
__scs_entry_jumppad:
0x0: {  	(pc) =	sbr.rel $0x88, $3  }
0x1: {  	(tag) =	ssettag $0x0;
	lr =	simm.s32 $0x1  }
0x2: {  	[smem:$0x3F9F] =	sst lr;
	_ =	strace $0xD0000000  }
0x3: {  	_ = 	snop  }
0x4: {  	_ = 	snop  }
0x5: {  	_ = 	snop  }
0x6: {  	_ = 	snop  }
0x7: {  	_ = 	snop  }
__scs_overlays_trampoline_lowered:
0x8: {  	[smem:$0x3FAE] =	sst s0  }
0x9: {  	[smem:$0x3FAF] =	sst s1  }
0xa: {  	[smem:$0x3FB0] =	sst s2  }
0xb: {  	[smem:$0x3FB1] =	sst s3  }
0xc: {  	[smem:$0x3FB2] =	sst s4  }
0xd: {  	[smem:$0x3FB3] =	sst s5  }
0xe: {  	[smem:$0x3FB4] =	sst s6  }
0xf: {  	[smem:$0x3FB5] =	sst s7  }
0x10: {  	[smem:$0x3FB6] =	sst s8  }
0x11: {  	[smem:$0x3FB7] =	sst s9;
	s0 =	simm.s32 @!p0 $0x0  }
0x12: {  	s1 =	sld [smem:$0x3F9D];
	s0 =	simm.s32 @p0 $0x1  }
0x13: {  	[smem:$0x3FB8] =	sst s0;
	s0 =	simm.s32 @!p1 $0x0  }
0x14: {  	s2 =	sld [smem:$0x3F9C];
	s0 =	simm.s32 @p1 $0x1  }
0x15: {  	[smem:$0x3FB9] =	sst s0;
	s0 =	simm.s32 @!p2 $0x0  }
0x16: {  	s3 =	sld [smem:$0x3FDB];
	s0 =	simm.s32 @p2 $0x1  }
0x17: {  	s4 =	simm.s32 $0x1BF5;
	[smem:$0x3FBB] =	sst s0  }
0x18: {  	s0 =	sld [smem:$0x3F9E];
	_ =	swait.ge [sflag:s4], $0x0  }
0x19: {  	s7 =	sld [smem:$0x3F9F]  }
0x1a: {  	s8 =	sadd.s32 $0xFFFFE003, lr  }
0x1b: {  	s9 =	sadd.s32 $0xFFFFFEF7, lr;
	s5 =	simm.s32 $0xFFFFFFFF;
	p2 =	slt.u32 s8, $0xFFFFF086  }
0x1c: {  	p1 =	slt.u32 s9, $0xF7A;
	s5 =	simm.s32 @!p2 $0x0  }
0x1d: {  	s5 =	simm.s32 @p1 $0x1;
	p0 =	seq.s32 s7, s2  }
0x1e: {  	s7 =	smul.u32 @!p0 $0xF7A, s2;
	p2 =	seq.s32 @!p0 s5, $0x0  }
0x1f: {  	s9 =	smul.u32 $0xF7A, s1;
	s8 =	simm.s32 @!p0 $0x1BF5;
	p2 =	por !p2, p0  }
0x20: {  	[sflag:s8] =	ssyncset.s32 @!p0 $0xFFFFF086;
	s6 =	sadd.s32 @!p0 s3, s7;
	s7 =	simm.s32 @!p0 $0x108  }
0x21: {  	s3 =	sadd.s32 s3, s9;
	s6 =	sadd.s32 @!p0 $0x88, s6;
	s7 =	simm.s32 @p2 $0x1082  }
0x22: {  	[simem:s7], [sflag:s8] =	dma.local @!p0 [hbm:s6], $0xF7A  }
0x23: {  	s9 =	sor.u32 $0xD0000000, s2;
	s6 =	simm.s32 $0x108;
	_ =	swait.ge @!p0 [sflag:s8], $0x0  }
0x24: {  	s3 =	sadd.s32 $0x88, s3;
	s6 =	simm.s32 @!p1 $0x1082;
	[sflag:s4] =	ssyncset.s32 $0xFFFFF086  }
0x25: {  	[simem:s6], [sflag:s4] =	dma.local [hbm:s3], $0xF7A  }
0x26: {  	[smem:$0x3F9F] =	sst s1;
	(tag) =	ssettag s2;
	_ =	strace s9  }
0x27: {  	s1 =	sld [smem:$0x3FAF]  }
0x28: {  	s2 =	sld [smem:$0x3FB0]  }
0x29: {  	s4 =	sld [smem:$0x3FB2]  }
0x2a: {  	p0 =	seq.s32 s5, $0x0;
	s5 =	sld [smem:$0x3FB3]  }
0x2b: {  	s6 =	sld [smem:$0x3FB4]  }
0x2c: {  	s7 =	sld [smem:$0x3FB5]  }
0x2d: {  	s3 =	simm.s32 $0x108;
	s8 =	sld [smem:$0x3FB6]  }
0x2e: {  	s3 =	simm.s32 @!p0 $0x1082;
	s9 =	sld [smem:$0x3FB7]  }
0x2f: {  	lr =	sadd.s32 s0, s3;
	s0 =	sld [smem:$0x3FAE]  }
0x30: {  	s3 =	sld [smem:$0x3FB1]  }
0x31: {  	[smem:$0x3FBA] =	sst s10  }
0x32: {  	s10 =	sld [smem:$0x3FB8];
	_ =	sdelay $0x3  }
0x33: {  	p0 =	seq.s32 s10, $0x1;
	s10 =	sld [smem:$0x3FBA];
	_ =	sdelay $0x3  }
0x34: {  	[smem:$0x3FBA] =	sst s10  }
0x35: {  	s10 =	sld [smem:$0x3FB9];
	_ =	sdelay $0x3  }
0x36: {  	p1 =	seq.s32 s10, $0x1;
	s10 =	sld [smem:$0x3FBA];
	_ =	sdelay $0x3  }
0x37: {  	[smem:$0x3FBA] =	sst s10  }
0x38: {  	s10 =	sld [smem:$0x3FBB]  }
0x39: {  	_ = 	snop;
	(pc) =	sbr.ind lr, $3  }
0x3a: {  	_ = 	snop  }
0x3b: {  	_ = 	snop  }
0x3c: {  	p2 =	seq.s32 s10, $0x1;
	s10 =	sld [smem:$0x3FBA]  }
0x3d: {  	_ =	shalt  }
0x3e: {  	_ =	shalt  }
0x3f: {  	_ =	shalt  }
0x40: {  	_ =	shalt  }
0x41: {  	_ =	shalt  }
0x42: {  	_ =	shalt  }
0x43: {  	_ =	shalt  }
0x44: {  	_ =	shalt  }
0x45: {  	_ =	shalt  }
0x46: {  	_ =	shalt  }
0x47: {  	_ =	shalt  }
0x48: {  	_ =	shalt  }
0x49: {  	_ =	shalt  }
0x4a: {  	_ =	shalt  }
0x4b: {  	_ =	shalt  }
0x4c: {  	_ =	shalt  }
0x4d: {  	_ =	shalt  }
0x4e: {  	_ =	shalt  }
0x4f: {  	_ =	shalt  }
0x50: {  	_ =	shalt  }
0x51: {  	_ =	shalt  }
0x52: {  	_ =	shalt  }
0x53: {  	_ =	shalt  }
0x54: {  	_ =	shalt  }
0x55: {  	_ =	shalt  }
0x56: {  	_ =	shalt  }
0x57: {  	_ =	shalt  }
0x58: {  	_ =	shalt  }
0x59: {  	_ =	shalt  }
0x5a: {  	_ =	shalt  }
0x5b: {  	_ =	shalt  }
0x5c: {  	_ =	shalt  }
0x5d: {  	_ =	shalt  }
0x5e: {  	_ =	shalt  }
0x5f: {  	_ =	shalt  }
0x60: {  	_ =	shalt  }
0x61: {  	_ =	shalt  }
0x62: {  	_ =	shalt  }
0x63: {  	_ =	shalt  }
0x64: {  	_ =	shalt  }
0x65: {  	_ =	shalt  }
0x66: {  	_ =	shalt  }
0x67: {  	_ =	shalt  }
0x68: {  	_ =	shalt  }
0x69: {  	_ =	shalt  }
0x6a: {  	_ =	shalt  }
0x6b: {  	_ =	shalt  }
0x6c: {  	_ =	shalt  }
0x6d: {  	_ =	shalt  }
0x6e: {  	_ =	shalt  }
0x6f: {  	_ =	shalt  }
0x70: {  	_ =	shalt  }
0x71: {  	_ =	shalt  }
0x72: {  	_ =	shalt  }
0x73: {  	_ =	shalt  }
0x74: {  	_ =	shalt  }
0x75: {  	_ =	shalt  }
0x76: {  	_ =	shalt  }
0x77: {  	_ =	shalt  }
0x78: {  	_ =	shalt  }
0x79: {  	_ =	shalt  }
0x7a: {  	_ =	shalt  }
0x7b: {  	_ =	shalt  }
0x7c: {  	_ =	shalt  }
0x7d: {  	_ =	shalt  }
0x7e: {  	_ =	shalt  }
0x7f: {  	_ =	shalt  }
0x80: {  	_ =	shalt  }
0x81: {  	_ =	shalt  }
0x82: {  	_ =	shalt  }
0x83: {  	_ =	shalt  }
0x84: {  	_ =	shalt  }
0x85: {  	_ =	shalt  }
0x86: {  	_ =	shalt  }
0x87: {  	_ =	shalt  }
.Lfunc_end0:
.L_simem_size_0:
called_computation_lowered:
.L_overlay_start_0:
0x88: {  	s2 =	sld [smem:$0x3FD9]  }
0x89: {  	s3 =	sld [smem:$0x3FFE];
	_ =	sdelay $0x1  }
0x8a: {  	s1 =	srdreg.scid  }
0x8b: {  	s0 =	sand.u32 $0x1, s1  }
0x8c: {  	s17 =	sshll.u32 s0, $0xA;
	s2 =	sadd.s32 s3, s2  }
0x8d: {  	s2 =	sadd.s32 s2, s17  }
0x8e: {  	[smem:$0x3FC6] =	sst s2  }
0x8f: {  	_ = 	snop  }
0x90: {  	s2 =	sld [smem:$0x3FD0];
	(tm) =	ssettm $0x1  }
0x91: {  	s18 =	sld [smem:$0x3FFB];
	_ =	sdelay $0x3  }
0x92: {  	_ =	strace s18  }
0x93: {  	s3 =	sld [smem:$0x3FFC];
	_ =	sdelay $0x3  }
0x94: {  	_ =	strace s3  }
0x95: {  	s3 =	sld [smem:$0x3FFD];
	_ =	sdelay $0x3  }
0x96: {  	_ =	strace s3  }
0x97: {  	_ =	strace $0x8FFFFFFF  }
0x98: {  	s19 =	sld [smem:$0x3FDB];
	_ =	sdelay $0x1  }
0x99: {  	s4 =	simm.s32 $_scs_section_size  }
0x9a: {  	s5 =	simm.s32 $_size__tile_overlayer_lowered;
	s6 =	simm.s32 $_tile_overlayer_lowered  }
0x9b: {  	s22 =	simm.s32 $0x1BFF;
	s21 =	sshll.u32 s6, $0x1;
	s3 =	sadd.s32 s4, s19  }
0x9c: {  	s7 =	simm.s32 $0x0;
	s20 =	sshll.u32 s5, $0x1;
	s5 =	sadd.s32 s21, s3  }
0x9d: {  	[timem:s7], [sflag:s22] =	dma.local [hbm:s5], s20  }
0x9e: {  	_ =	swait.ge [sflag:s22], s20  }
0x9f: {  	s4 =	ssub.s32 $0x0, s20;
	[sflag:s22] =	ssyncset.done $0x0  }
0xa0: {  	[sflag:s22] =	ssyncadd.s32 s4;
	_ =	sdelay $0x1  }
0xa1: {  	s23 =	simm.s32 $0x1B8B  }
0xa2: {  	_ =	swait.ge [sflag:s23], $0x1  }
0xa3: {  	[sflag:s23] =	ssyncset.done $0x0  }
0xa4: {  	s25 =	simm.s32 $0x1B8E;
	s24 =	sld [smem:$0x3FFE];
	[sflag:s23] =	ssyncadd.s32 $0xFFFFFFFF  }
0xa5: {  	s26 =	simm.s32 $execute0_lowered;
	[smem:$0x3FD2] =	sst s25  }
0xa6: {  	s5 =	sshll.u32 s26, $0x1;
	_ =	strace $0x80000046;
	[dreg:$0x1] =	wrdreg $0xFFFFFFFF  }
0xa7: {  	s28 =	simm.s32 $_size_execute0_lowered;
	s3 =	sadd.s32 s3, s5;
	[dreg:$0x0] =	wrdreg $0x0  }
0xa8: {  	s5 =	sshll.u32 s28, $0x1;
	[dreg:$0x2] =	wrdreg s3  }
0xa9: {  	[dreg:$0x3] =	wrdreg s5  }
0xaa: {  	[dreg:$0x4] =	wrdreg $0xC0  }
0xab: {  	_ =	task [dreg:s7], $0x5FFFF  }
0xac: {  	[dreg:$0x1] =	wrdreg $0xFFFFFFFF  }
0xad: {  	[dreg:$0x0] =	wrdreg $0x60  }
0xae: {  	[dreg:$0x2] =	wrdreg s24  }
0xaf: {  	[dreg:$0x3] =	wrdreg s2  }
0xb0: {  	[dreg:$0x4] =	wrdreg $0x9  }
0xb1: {  	_ =	task.clear_ibuf [dreg:s7], $0x5FFFF;
	_ =	strace $0x90000046  }
0xb2: {  	s29 =	simm.s32 $0x9;
	_ =	strace $0x80000048  }
0xb3: {  	_ =	swait.ge [sflag:s29], $0x1  }
0xb4: {  	[sflag:s29] =	ssyncadd.s32 $0xFFFFFFFF  }
0xb5: {  	_ =	strace $0x90000048  }
0xb6: {  	_ =	sfence  }
0xb7: {  	s30 =	sld [smem:$0x0];
	_ =	sdelay $0x2  }
0xb8: {  	s31 =	sshll.u32 s1, $0xD;
	s1 =	sshrl.u32 s1, $0x2  }
0xb9: {  	s3 =	sand.u32 $0x4000, s31;
	s1 =	sadd.s32 s1, s30  }
0xba: {  	s0 =	sor.u32 s3, s0;
	s1 =	sshll.u32 s1, $0x11  }
0xbb: {  	s0 =	sor.u32 s1, s0  }
0xbc: {  	s0 =	sadd.s32 $0x8F2B, s0  }
0xbd: {  	[sflag:s0] =	ssyncadd.remote.s32 $0x1  }
0xbe: {  	_ =	sfence.sel $0xFFFF  }
0xbf: {  	[dreg:$0x0] =	wrdreg $0xFFFFFFFF;
	(pc) =	sbr.abs _section_cstart, $3  }
0xc0: {  	[dreg:$0x1] =	wrdreg $0xFFFFFFFF  }
0xc1: {  	_ =	task.clear_ibuf [dreg:s7], $0x2FFFF;
	_ =	strace $0x9FFFFFFF  }
0xc2: {  	(tm) =	ssettm $0x7FFFFFFF  }
0xc3: {  	_ =	shalt  }
tec
execute0_lowered:
.L_overlay_start_1:
0x0: {  	(tag) =	ssettag $0x1  }
0x1: {  	s3 =	stileid.u32  }
0x2: {  	s0 =	srdreg.scid;
	s1 =	sshll.u32 s3, $0x1  }
0x3: {  	s2 =	sand.u32 $0x1, s0;
	s14 =	sand.u32 $0x2, s1  }
0x4: {  	s0 =	sor.u32 s2, s14;
	s2 =	ssub.s32 $0x2, s2  }
0x5: {  	s15 =	sshrl.u32 s3, $0x1;
	s7 =	smul.u32 $0x3D1, s0;
	s17 =	sshrl.u32 s2, $0x1  }
0x6: {  	[smem:$0x7FC] =	sst s15;
	s11 =	smul.u32 $0x7A120, s15;
	s18 =	ssub.s32 s2, s17  }
0x7: {  	s1 =	smul.u32 $0xF43, s15;
	s16 =	smin.u32 s7, $0xB72;
	[smem:$0x7FD] =	sst s18  }
0x8: {  	s5 =	sadd.s32 $0x40, s7;
	s23 =	sadd.s32 $0x80, s7;
	s6 =	sadd.s32 $0xC0, s7  }
0x9: {  	s9 =	sadd.s32 $0x100, s7;
	s10 =	sadd.s32 $0x140, s7;
	s12 =	sadd.s32 $0x180, s7  }
0xa: {  	s13 =	sadd.s32 $0x1C0, s7;
	s14 =	sadd.s32 $0x200, s7;
	s26 =	sadd.s32 $0x240, s7  }
0xb: {  	s0 =	sadd.s32 $0x280, s7;
	s2 =	sadd.s32 $0x2C0, s7;
	s8 =	sadd.s32 $0x391, s16  }
0xc: {  	s3 =	sadd.s32 $0x300, s7;
	s4 =	smin.u32 s7, s8;
	s22 =	smin.u32 s5, s8  }
0xd: {  	s5 =	smin.u32 s23, s8;
	s6 =	smin.u32 s6, s8;
	s9 =	smin.u32 s9, s8  }
0xe: {  	s10 =	smin.u32 s10, s8;
	s12 =	smin.u32 s12, s8;
	s15 =	smin.u32 s13, s8  }
0xf: {  	s16 =	smin.u32 s14, s8;
	s17 =	smin.u32 s26, s8;
	s18 =	smin.u32 s0, s8  }
0x10: {  	s19 =	sshll.u32 s4, $0x7;
	s20 =	sadd.s32 s1, s4;
	s4 =	sshll.u32 s22, $0x7  }
0x11: {  	s23 =	sadd.s32 s1, s6;
	s6 =	sshll.u32 s6, $0x7;
	s29 =	sadd.s32 s1, s9  }
0x12: {  	s9 =	sshll.u32 s9, $0x7;
	s30 =	sadd.s32 s1, s10;
	s13 =	sshll.u32 s10, $0x7  }
0x13: {  	s31 =	sadd.s32 s1, s12;
	s14 =	sshll.u32 s12, $0x7;
	s12 =	sadd.s32 s1, s15  }
0x14: {  	s15 =	sshll.u32 s15, $0x7;
	s21 =	sadd.s32 s11, s19;
	s24 =	sadd.s32 s11, s4  }
0x15: {  	s6 =	sadd.s32 s11, s6;
	s19 =	smin.u32 s2, s8;
	s4 =	sadd.s32 $0x340, s7  }
0x16: {  	s13 =	sadd.s32 s11, s13;
	[smem:$0x7F1] =	sst s21;
	s21 =	sadd.s32 s1, s22  }
0x17: {  	[smem:$0x7F2] =	sst s24;
	s22 =	sadd.s32 s1, s5;
	s5 =	sshll.u32 s5, $0x7  }
0x18: {  	s24 =	smin.u32 s3, s8;
	s25 =	sadd.s32 s11, s5;
	s5 =	sadd.s32 $0x380, s7  }
0x19: {  	s7 =	sadd.s32 $0x3C0, s7;
	[smem:$0x7F3] =	sst s25;
	s25 =	smin.u32 s4, s8  }
0x1a: {  	s26 =	smin.u32 s5, s8;
	s28 =	smin.u32 s7, s8;
	s7 =	sadd.s32 s11, s9  }
0x1b: {  	s8 =	sadd.s32 s11, s14;
	s14 =	sadd.s32 s11, s15;
	s5 =	sadd.s32 s1, s16  }
0x1c: {  	s16 =	sshll.u32 s16, $0x7;
	s4 =	sadd.s32 s1, s17;
	s17 =	sshll.u32 s17, $0x7  }
0x1d: {  	s9 =	sadd.s32 s11, s16;
	s15 =	sadd.s32 s11, s17;
	s17 =	sadd.s32 s1, s18  }
0x1e: {  	s18 =	sshll.u32 s18, $0x7;
	s0 =	sadd.s32 s1, s25;
	s25 =	sshll.u32 s25, $0x7  }
0x1f: {  	s3 =	sadd.s32 s1, s26;
	s26 =	sshll.u32 s26, $0x7;
	s2 =	sadd.s32 s1, s28  }
0x20: {  	s28 =	sshll.u32 s28, $0x7;
	s10 =	sadd.s32 s11, s18;
	s18 =	sadd.s32 s1, s19  }
0x21: {  	s19 =	sshll.u32 s19, $0x7;
	s25 =	sadd.s32 s11, s25;
	s26 =	sadd.s32 s11, s26  }
0x22: {  	s16 =	sadd.s32 s11, s19;
	s19 =	sadd.s32 s1, s24;
	s24 =	sshll.u32 s24, $0x7  }
0x23: {  	s28 =	sadd.s32 s11, s28;
	s1 =	simm.s32 $0x0;
	s24 =	sadd.s32 s11, s24  }
0x24: {  	s11 =	sshll.u32 s20, $0x5;
	s20 =	sshll.u32 s21, $0x5;
	s21 =	rddreg [dreg:$0x1]  }
0x25: {  	[smem:$0x7FF] =	sst s1;
	s11 =	sadd.s32 s21, s11  }
0x26: {  	s5 =	sshll.u32 s5, $0x5;
	s20 =	sadd.s32 s21, s20;
	[dreg:$0x3] =	wrdreg s11  }
0x27: {  	s4 =	sshll.u32 s4, $0x5;
	s5 =	sadd.s32 s21, s5;
	[dreg:$0x4] =	wrdreg s20  }
0x28: {  	s0 =	sshll.u32 s0, $0x5;
	s4 =	sadd.s32 s21, s4;
	[dreg:$0xb] =	wrdreg s5  }
0x29: {  	s3 =	sshll.u32 s3, $0x5;
	s0 =	sadd.s32 s21, s0;
	[dreg:$0xc] =	wrdreg s4  }
0x2a: {  	s2 =	sshll.u32 s2, $0x5;
	s3 =	sadd.s32 s21, s3;
	[dreg:$0x10] =	wrdreg s0  }
0x2b: {  	s22 =	sshll.u32 s22, $0x5;
	s2 =	sadd.s32 s21, s2;
	[dreg:$0x11] =	wrdreg s3  }
0x2c: {  	s18 =	sshll.u32 s18, $0x5;
	s11 =	sadd.s32 s21, s22;
	[dreg:$0x12] =	wrdreg s2  }
0x2d: {  	s20 =	sshll.u32 s23, $0x5;
	s4 =	sadd.s32 s21, s18;
	[dreg:$0x5] =	wrdreg s11  }
0x2e: {  	s22 =	sshll.u32 s29, $0x5;
	s11 =	sadd.s32 s21, s20;
	[dreg:$0xe] =	wrdreg s4  }
0x2f: {  	s19 =	sshll.u32 s19, $0x5;
	s23 =	sadd.s32 s21, s22;
	[dreg:$0x6] =	wrdreg s11  }
0x30: {  	s20 =	sshll.u32 s30, $0x5;
	s4 =	sadd.s32 s21, s19;
	[dreg:$0x7] =	wrdreg s23  }
0x31: {  	s12 =	sshll.u32 s12, $0x5;
	s11 =	sadd.s32 s21, s20;
	[dreg:$0xf] =	wrdreg s4  }
0x32: {  	s22 =	sshll.u32 s31, $0x5;
	s23 =	sadd.s32 s21, s12;
	[dreg:$0x8] =	wrdreg s11  }
0x33: {  	s12 =	sshll.u32 s17, $0x5;
	s11 =	sadd.s32 s21, s22;
	[dreg:$0xa] =	wrdreg s23  }
0x34: {  	s17 =	sadd.s32 s21, s12;
	[dreg:$0x9] =	wrdreg s11  }
0x35: {  	[dreg:$0xd] =	wrdreg s17  }
0x36: {  	s0 =	rddreg [dreg:$0x0];
	_ =	strace $0x80000047  }
0x37: {  	s20 =	sld [smem:$0x7F1]  }
0x38: {  	s4 =	sadd.s32 $0x7A200, s0;
	s11 =	sshrl.u32 s6, $0x3;
	s21 =	sld [smem:$0x7F2]  }
0x39: {  	s17 =	sadd.s32 s4, s11;
	s5 =	sld [smem:$0x7F3]  }
0x3a: {  	s6 =	sshrl.u32 s14, $0x3;
	s18 =	sadd.s32 s0, s11;
	[dreg:$0x19] =	wrdreg s17  }
0x3b: {  	s11 =	sadd.s32 s0, s6;
	[dreg:$0x1a] =	wrdreg s18  }
0x3c: {  	s19 =	sshrl.u32 s7, $0x3;
	[smem:$0x7F6] =	sst s11  }
0x3d: {  	s2 =	sshrl.u32 s20, $0x3;
	s3 =	sshrl.u32 s21, $0x3;
	s21 =	sadd.s32 s4, s19  }
0x3e: {  	s22 =	sadd.s32 s4, s2;
	[dreg:$0x1b] =	wrdreg s21  }
0x3f: {  	s2 =	sadd.s32 s0, s2;
	[dreg:$0x13] =	wrdreg s22  }
0x40: {  	s20 =	sshrl.u32 s13, $0x3;
	s23 =	sadd.s32 s4, s3;
	[dreg:$0x14] =	wrdreg s2  }
0x41: {  	s13 =	sshrl.u32 s15, $0x3;
	s3 =	sadd.s32 s0, s3;
	[dreg:$0x15] =	wrdreg s23  }
0x42: {  	s29 =	simm.s32 $0xC000;
	s15 =	sadd.s32 s4, s13;
	[dreg:$0x16] =	wrdreg s3  }
0x43: {  	s30 =	simm.s32 $0x18000;
	s17 =	sadd.s32 s0, s13;
	[smem:$0x7F9] =	sst s15  }
0x44: {  	s31 =	simm.s32 $0x1;
	s22 =	sadd.s32 s4, s20;
	[smem:$0x7FA] =	sst s17  }
0x45: {  	s18 =	sshrl.u32 s10, $0x3;
	s23 =	sadd.s32 s0, s20;
	[dreg:$0x1d] =	wrdreg s22  }
0x46: {  	s3 =	sshrl.u32 s8, $0x3;
	s8 =	sadd.s32 s4, s6;
	[dreg:$0x1e] =	wrdreg s23  }
0x47: {  	s21 =	sshrl.u32 s24, $0x3;
	s20 =	sadd.s32 s4, s18;
	[smem:$0x7F5] =	sst s8  }
0x48: {  	s24 =	sshrl.u32 s28, $0x3;
	s28 =	simm.s32 $0x14000;
	[smem:$0x7FB] =	sst s20  }
0x49: {  	s2 =	sshrl.u32 s5, $0x3;
	s22 =	sshrl.u32 s25, $0x3;
	s25 =	sld [smem:$0x7FC]  }
0x4a: {  	s12 =	sadd.s32 s4, s2;
	s23 =	sshrl.u32 s26, $0x3;
	s26 =	sld [smem:$0x7FD]  }
0x4b: {  	s13 =	sadd.s32 s0, s21;
	s2 =	sadd.s32 s0, s2;
	[dreg:$0x17] =	wrdreg s12  }
0x4c: {  	s7 =	sadd.s32 s4, s3;
	s20 =	sadd.s32 s0, s24;
	[dreg:$0x18] =	wrdreg s2  }
0x4d: {  	s2 =	sadd.s32 s0, s19;
	[dreg:$0x1f] =	wrdreg s7;
	s12 =	sshrl.u32 s9, $0x3  }
0x4e: {  	s19 =	sshrl.u32 s16, $0x3;
	s9 =	sadd.s32 s0, s18;
	s15 =	sadd.s32 s4, s22  }
0x4f: {  	s16 =	sadd.s32 s0, s22;
	s17 =	sadd.s32 s4, s23;
	s18 =	sadd.s32 s0, s23  }
0x50: {  	s23 =	simm.s32 $0x4;
	[dreg:$0x1c] =	wrdreg s2;
	s2 =	sadd.s32 s0, s3  }
0x51: {  	s14 =	sadd.s32 s4, s12;
	s10 =	sadd.s32 s4, s19;
	s11 =	sadd.s32 s0, s19  }
0x52: {  	s19 =	sadd.s32 s4, s24;
	s24 =	simm.s32 $0x4000;
	[smem:$0x7F4] =	sst s2  }
0x53: {  	[smem:$0x7F7] =	sst s14;
	s2 =	sadd.s32 s0, s12;
	s12 =	sadd.s32 s4, s21  }
0x54: {  	s21 =	sadd.s32 $0xF4400, s0;
	s0 =	sshll.u32 s25, $0x13;
	s22 =	smax.u32 s26, $0x1  }
0x55: {  	s25 =	simm.s32 $0x10000;
	s26 =	simm.s32 $0x8000;
	s14 =	simm.s32 $0x2;
	v0 =	vmov s0  }
0x56: {  	[smem:$0x7F8] =	sst s2;
	s0 =	simm.s32 $0x3;
	s2 =	simm.s32 $0x0;
	v1 =	vor.u32 $0x40000, v0  }
.LBB2_1:
0x57: {  	s3 =	rddreg [dreg:$0x13]  }
0x58: {  	[tilespmem:s1], [sflag:$0x4] =	stream.linear.gather [hbm4b:s3+s1], $0x2000, $0x38;
	[tilespmem:$0x1C000] =	vst v63  }
0x59: {  	_ =	swait.ge [sflag:s23], $0x2000  }
0x5a: {  	[sflag:s23] =	ssyncset.done $0x0  }
0x5b: {  	s6 =	simm.s32 $0x2000;
	s4 =	rddreg [dreg:$0x14];
	[sflag:s23] =	ssyncadd.s32 $0xFFFFE000  }
0x5c: {  	[tilespmem:s6], [sflag:$0x4] =	stream.linear.gather [hbm4b:s4+s1], $0x2000, $0x38;
	[tilespmem:$0x1C000] =	vst v63  }
0x5d: {  	_ =	swait.ge [sflag:s23], $0x2000  }
0x5e: {  	[sflag:s23] =	ssyncset.done $0x0  }
0x5f: {  	[sflag:s23] =	ssyncadd.s32 $0xFFFFE000  }
0x60: {  	v2 =	vld [tilespmem:s6+$0x0];
	_ =	sdelay $0x1  }
0x61: {  	v3 =	vld [tilespmem:s1+$0x0];
	_ =	sdelay $0x2  }
0x62: {  	v2 =	vmul.f32 $5.120000000e+02, v2;
	_ =	sdelay $0x1  }
0x63: {  	v2 =	vadd.f32 v2, v3;
	_ =	sdelay $0x1  }
0x64: {  	v2 =	vtrunc.f32 v2  }
0x65: {  	v2 =	vcvt.f32.s32 v2;
	_ =	sdelay $0x1  }
0x66: {  	vm0 =	vgt.s32 v2, $0x0  }
0x67: {  	v2 =	vnsel vm0, $0x0, v2  }
0x68: {  	s7 =	sand.u32 $0x3F00, s1;
	s8 =	sand.u32 $0x70, s1;
	v2 =	vmin.u32 v2, $0x3FFFF  }
0x69: {  	s3 =	sor.u32 s8, s7;
	v3 =	vor.u32 v0, v2  }
0x6a: {  	v2 =	vor.u32 v1, v2;
	[tilespmem:s3+$0x4000] =	vst v3  }
0x6b: {  	s5 =	simm.s32 $0x10;
	s6 =	simm.s32 $0x2010;
	[tilespmem:s3+$0x4080] =	vst v2  }
0x6c: {  	s7 =	simm.s32 $0x20;
	s4 =	simm.s32 $0x10;
	s3 =	simm.s32 $0x0;
	v2 =	vld [tilespmem:s6+$0x0]  }
.LBB2_2:
0x6d: {  	p0 =	sne.s32 s7, $0x1FF0;
	v3 =	vld [tilespmem:s4+$0x0];
	_ =	sdelay $0x3  }
0x6e: {  	v2 =	vmul.f32 $5.120000000e+02, v2;
	_ =	sdelay $0x1  }
0x6f: {  	v2 =	vadd.f32 v2, v3;
	_ =	sdelay $0x1  }
0x70: {  	v2 =	vtrunc.f32 v2  }
0x71: {  	v2 =	vcvt.f32.s32 v2;
	_ =	sdelay $0x1  }
0x72: {  	vm0 =	vgt.s32 v2, $0x0  }
0x73: {  	s3 =	sadd.s32 $0x20, s3;
	v2 =	vnsel vm0, $0x0, v2  }
.Ltmp0:
0x74: {  	s5 =	sand.u32 $0x70, s5;
	s8 =	sand.u32 $0x3F00, s3;
	v2 =	vmin.u32 v2, $0x3FFFF;
	(pc) =	sbr.rel @p0 .LBB2_2-.Ltmp0, $4  }
0x75: {  	s8 =	sor.u32 s5, s8;
	s5 =	smov.u32 s7;
	v3 =	vor.u32 v0, v2;
	v2 =	vor.u32 v1, v2  }
0x76: {  	[tilespmem:s8+$0x4000] =	vst v3  }
0x77: {  	s6 =	sadd.s32 $0x10, s6;
	[tilespmem:s8+$0x4080] =	vst v2  }
0x78: {  	s4 =	sadd.s32 $0x10, s4;
	s7 =	sadd.s32 $0x10, s7;
	v2 =	vld [tilespmem:s6+$0x0]  }
0x79: {  	_ = 	snop  }
0x7a: {  	v3 =	vld [tilespmem:s4+$0x0];
	_ =	sdelay $0x2  }
0x7b: {  	v2 =	vmul.f32 $5.120000000e+02, v2;
	_ =	sdelay $0x1  }
0x7c: {  	v2 =	vadd.f32 v2, v3;
	_ =	sdelay $0x1  }
0x7d: {  	v2 =	vtrunc.f32 v2  }
0x7e: {  	v2 =	vcvt.f32.s32 v2;
	_ =	sdelay $0x1  }
0x7f: {  	vm0 =	vgt.s32 v2, $0x0  }
0x80: {  	s3 =	sadd.s32 $0x20, s3;
	v2 =	vnsel vm0, $0x0, v2  }
0x81: {  	s6 =	sand.u32 $0x70, s5;
	s3 =	sand.u32 $0x3F00, s3;
	v2 =	vmin.u32 v2, $0x3FFFF  }
0x82: {  	s3 =	sor.u32 s6, s3;
	v3 =	vor.u32 v0, v2  }
0x83: {  	v2 =	vor.u32 v1, v2;
	[tilespmem:s3+$0x4000] =	vst v3  }
0x84: {  	[tilespmem:s3+$0x4080] =	vst v2  }
0x85: {  	[tilespmem:s25], [sflag:$0x1] =	stream.indirect.gather [hbm4b:s21+s24], $0x1, s24, s24, $0xb8;
	[tilespmem:$0x1C000] =	vst v63  }
0x86: {  	s7 =	rddreg [dreg:$0x15];
	s3 =	simm.s32 $0x0  }
0x87: {  	[tilespmem:s3], [sflag:$0x4] =	stream.linear.gather [hbm4b:s7+s3], $0x2000, $0x38;
	[tilespmem:$0x1C000] =	vst v63  }
0x88: {  	_ =	swait.ge [sflag:s23], $0x2000  }
0x89: {  	[sflag:s23] =	ssyncset.done $0x0  }
0x8a: {  	s8 =	simm.s32 $0x2000;
	s6 =	rddreg [dreg:$0x16];
	[sflag:s23] =	ssyncadd.s32 $0xFFFFE000  }
0x8b: {  	[tilespmem:s8], [sflag:$0x4] =	stream.linear.gather [hbm4b:s6+s3], $0x2000, $0x38;
	[tilespmem:$0x1C000] =	vst v63  }
0x8c: {  	_ =	swait.ge [sflag:s23], $0x2000  }
0x8d: {  	[sflag:s23] =	ssyncset.done $0x0  }
0x8e: {  	[sflag:s23] =	ssyncadd.s32 $0xFFFFE000  }
0x8f: {  	v2 =	vld [tilespmem:s8+$0x0];
	_ =	sdelay $0x1  }
0x90: {  	v3 =	vld [tilespmem:s3+$0x0];
	_ =	sdelay $0x2  }
0x91: {  	v2 =	vmul.f32 $5.120000000e+02, v2;
	_ =	sdelay $0x1  }
0x92: {  	v2 =	vadd.f32 v2, v3;
	_ =	sdelay $0x1  }
0x93: {  	v2 =	vtrunc.f32 v2  }
0x94: {  	v2 =	vcvt.f32.s32 v2;
	_ =	sdelay $0x1  }
0x95: {  	vm15 =	vgt.s32 v2, $0x0  }
0x96: {  	v2 =	vnsel vm15, $0x0, v2  }
0x97: {  	s7 =	sand.u32 $0x3F00, s3;
	s8 =	sand.u32 $0x70, s3;
	v2 =	vmin.u32 v2, $0x3FFFF  }
0x98: {  	s4 =	sor.u32 s8, s7;
	v3 =	vor.u32 v0, v2  }
0x99: {  	v2 =	vor.u32 v1, v2;
	[tilespmem:s4+$0x8000] =	vst v3  }
0x9a: {  	s6 =	simm.s32 $0x2010;
	[tilespmem:s4+$0x8080] =	vst v2  }
0x9b: {  	s5 =	simm.s32 $0x10;
	s7 =	simm.s32 $0x20;
	s4 =	simm.s32 $0x10;
	v2 =	vld [tilespmem:s6+$0x0]  }
.LBB2_4:
0x9c: {  	p0 =	sne.s32 s7, $0x1FF0;
	v3 =	vld [tilespmem:s5+$0x0];
	_ =	sdelay $0x3  }
0x9d: {  	v2 =	vmul.f32 $5.120000000e+02, v2;
	_ =	sdelay $0x1  }
0x9e: {  	v2 =	vadd.f32 v2, v3;
	_ =	sdelay $0x1  }
0x9f: {  	v2 =	vtrunc.f32 v2  }
0xa0: {  	v2 =	vcvt.f32.s32 v2;
	_ =	sdelay $0x1  }
0xa1: {  	vm0 =	vgt.s32 v2, $0x0  }
0xa2: {  	s3 =	sadd.s32 $0x20, s3;
	v2 =	vnsel vm0, $0x0, v2  }
.Ltmp1:
0xa3: {  	s4 =	sand.u32 $0x70, s4;
	s8 =	sand.u32 $0x3F00, s3;
	v2 =	vmin.u32 v2, $0x3FFFF;
	(pc) =	sbr.rel @p0 .LBB2_4-.Ltmp1, $4  }
0xa4: {  	s8 =	sor.u32 s4, s8;
	s4 =	smov.u32 s7;
	v3 =	vor.u32 v0, v2;
	v2 =	vor.u32 v1, v2  }
0xa5: {  	[tilespmem:s8+$0x8000] =	vst v3  }
0xa6: {  	s6 =	sadd.s32 $0x10, s6;
	[tilespmem:s8+$0x8080] =	vst v2  }
0xa7: {  	s5 =	sadd.s32 $0x10, s5;
	s7 =	sadd.s32 $0x10, s7;
	v2 =	vld [tilespmem:s6+$0x0]  }
0xa8: {  	_ = 	snop  }
0xa9: {  	v3 =	vld [tilespmem:s5+$0x0];
	_ =	sdelay $0x2  }
0xaa: {  	v2 =	vmul.f32 $5.120000000e+02, v2;
	_ =	sdelay $0x1  }
0xab: {  	v2 =	vadd.f32 v2, v3;
	_ =	sdelay $0x1  }
0xac: {  	v2 =	vtrunc.f32 v2  }
0xad: {  	v2 =	vcvt.f32.s32 v2;
	_ =	sdelay $0x1  }
0xae: {  	vm0 =	vgt.s32 v2, $0x0  }
0xaf: {  	s3 =	sadd.s32 $0x20, s3;
	v2 =	vnsel vm0, $0x0, v2  }
0xb0: {  	s4 =	sand.u32 $0x70, s4;
	s3 =	sand.u32 $0x3F00, s3;
	v2 =	vmin.u32 v2, $0x3FFFF  }
0xb1: {  	s3 =	sor.u32 s4, s3;
	v3 =	vor.u32 v0, v2  }
0xb2: {  	v2 =	vor.u32 v1, v2;
	[tilespmem:s3+$0x8000] =	vst v3  }
0xb3: {  	[tilespmem:s3+$0x8080] =	vst v2  }
0xb4: {  	[tilespmem:s28], [sflag:$0x2] =	stream.indirect.gather [hbm4b:s21+s24], $0x1, s26, s24, $0xb8;
	[tilespmem:$0x1C000] =	vst v63  }
0xb5: {  	s7 =	rddreg [dreg:$0x17];
	s3 =	simm.s32 $0x0  }
0xb6: {  	[tilespmem:s3], [sflag:$0x4] =	stream.linear.gather [hbm4b:s7+s3], $0x2000, $0x38;
	[tilespmem:$0x1C000] =	vst v63  }
0xb7: {  	_ =	swait.ge [sflag:s23], $0x2000  }
0xb8: {  	[sflag:s23] =	ssyncset.done $0x0  }
0xb9: {  	s8 =	simm.s32 $0x2000;
	s6 =	rddreg [dreg:$0x18];
	[sflag:s23] =	ssyncadd.s32 $0xFFFFE000  }
0xba: {  	[tilespmem:s8], [sflag:$0x4] =	stream.linear.gather [hbm4b:s6+s3], $0x2000, $0x38;
	[tilespmem:$0x1C000] =	vst v63  }
0xbb: {  	_ =	swait.ge [sflag:s23], $0x2000  }
0xbc: {  	[sflag:s23] =	ssyncset.done $0x0  }
0xbd: {  	[sflag:s23] =	ssyncadd.s32 $0xFFFFE000  }
0xbe: {  	v2 =	vld [tilespmem:s8+$0x0];
	_ =	sdelay $0x1  }
0xbf: {  	v3 =	vld [tilespmem:s3+$0x0];
	_ =	sdelay $0x2  }
0xc0: {  	v2 =	vmul.f32 $5.120000000e+02, v2;
	_ =	sdelay $0x1  }
0xc1: {  	v2 =	vadd.f32 v2, v3;
	_ =	sdelay $0x1  }
0xc2: {  	v2 =	vtrunc.f32 v2  }
0xc3: {  	v2 =	vcvt.f32.s32 v2;
	_ =	sdelay $0x1  }
0xc4: {  	vm15 =	vgt.s32 v2, $0x0  }
0xc5: {  	v2 =	vnsel vm15, $0x0, v2  }
0xc6: {  	s7 =	sand.u32 $0x3F00, s3;
	s8 =	sand.u32 $0x70, s3;
	v2 =	vmin.u32 v2, $0x3FFFF  }
0xc7: {  	s4 =	sor.u32 s8, s7;
	v3 =	vor.u32 v0, v2  }
0xc8: {  	v2 =	vor.u32 v1, v2;
	[tilespmem:s4+$0xC000] =	vst v3  }
0xc9: {  	s6 =	simm.s32 $0x2010;
	[tilespmem:s4+$0xC080] =	vst v2  }
0xca: {  	s5 =	simm.s32 $0x10;
	s7 =	simm.s32 $0x20;
	s4 =	simm.s32 $0x10;
	v2 =	vld [tilespmem:s6+$0x0]  }
.LBB2_6:
0xcb: {  	p0 =	sne.s32 s7, $0x1FF0;
	v3 =	vld [tilespmem:s5+$0x0];
	_ =	sdelay $0x3  }
0xcc: {  	v2 =	vmul.f32 $5.120000000e+02, v2;
	_ =	sdelay $0x1  }
0xcd: {  	v2 =	vadd.f32 v2, v3;
	_ =	sdelay $0x1  }
0xce: {  	v2 =	vtrunc.f32 v2  }
0xcf: {  	v2 =	vcvt.f32.s32 v2;
	_ =	sdelay $0x1  }
0xd0: {  	vm0 =	vgt.s32 v2, $0x0  }
0xd1: {  	s3 =	sadd.s32 $0x20, s3;
	v2 =	vnsel vm0, $0x0, v2  }
.Ltmp2:
0xd2: {  	s4 =	sand.u32 $0x70, s4;
	s8 =	sand.u32 $0x3F00, s3;
	v2 =	vmin.u32 v2, $0x3FFFF;
	(pc) =	sbr.rel @p0 .LBB2_6-.Ltmp2, $4  }
0xd3: {  	s8 =	sor.u32 s4, s8;
	s4 =	smov.u32 s7;
	v3 =	vor.u32 v0, v2;
	v2 =	vor.u32 v1, v2  }
0xd4: {  	[tilespmem:s8+$0xC000] =	vst v3  }
0xd5: {  	s6 =	sadd.s32 $0x10, s6;
	[tilespmem:s8+$0xC080] =	vst v2  }
0xd6: {  	s5 =	sadd.s32 $0x10, s5;
	s7 =	sadd.s32 $0x10, s7;
	v2 =	vld [tilespmem:s6+$0x0]  }
0xd7: {  	_ = 	snop  }
0xd8: {  	v3 =	vld [tilespmem:s5+$0x0];
	_ =	sdelay $0x2  }
0xd9: {  	v2 =	vmul.f32 $5.120000000e+02, v2;
	_ =	sdelay $0x1  }
0xda: {  	v2 =	vadd.f32 v2, v3;
	_ =	sdelay $0x1  }
0xdb: {  	v2 =	vtrunc.f32 v2  }
0xdc: {  	v2 =	vcvt.f32.s32 v2;
	_ =	sdelay $0x1  }
0xdd: {  	vm0 =	vgt.s32 v2, $0x0  }
0xde: {  	s3 =	sadd.s32 $0x20, s3;
	v2 =	vnsel vm0, $0x0, v2  }
0xdf: {  	s4 =	sand.u32 $0x70, s4;
	s3 =	sand.u32 $0x3F00, s3;
	v2 =	vmin.u32 v2, $0x3FFFF  }
0xe0: {  	s3 =	sor.u32 s4, s3;
	v3 =	vor.u32 v0, v2  }
0xe1: {  	v2 =	vor.u32 v1, v2;
	[tilespmem:s3+$0xC000] =	vst v3  }
0xe2: {  	[tilespmem:s3+$0xC080] =	vst v2  }
0xe3: {  	[tilespmem:s30], [sflag:$0x3] =	stream.indirect.gather [hbm4b:s21+s24], $0x1, s29, s24, $0xb8;
	[tilespmem:$0x1C000] =	vst v63  }
0xe4: {  	_ =	swait.ge [sflag:s31], $0x4000  }
0xe5: {  	[sflag:s31] =	ssyncset.done $0x0  }
0xe6: {  	s3 =	simm.s32 $0x0;
	s6 =	rddreg [dreg:$0x3];
	[sflag:s31] =	ssyncadd.s32 $0xFFFFC000  }
0xe7: {  	[hbm4b:s6+s3] =	stream.linear.scatter [tilespmem:s25], [sflag:$0x4], $0x4000, $0x38;
	[tilespmem:$0x1C000] =	vst v63  }
0xe8: {  	_ =	swait.ge [sflag:s23], $0x4000  }
0xe9: {  	[sflag:s23] =	ssyncset.done $0x0  }
0xea: {  	s7 =	rddreg [dreg:$0x19];
	[sflag:s23] =	ssyncadd.s32 $0xFFFFC000  }
0xeb: {  	[tilespmem:s3], [sflag:$0x4] =	stream.linear.gather [hbm4b:s7+s3], $0x2000, $0x38;
	[tilespmem:$0x1C000] =	vst v63  }
0xec: {  	_ =	swait.ge [sflag:s23], $0x2000  }
0xed: {  	[sflag:s23] =	ssyncset.done $0x0  }
0xee: {  	s8 =	simm.s32 $0x2000;
	s6 =	rddreg [dreg:$0x1a];
	[sflag:s23] =	ssyncadd.s32 $0xFFFFE000  }
0xef: {  	[tilespmem:s8], [sflag:$0x4] =	stream.linear.gather [hbm4b:s6+s3], $0x2000, $0x38;
	[tilespmem:$0x1C000] =	vst v63  }
0xf0: {  	_ =	swait.ge [sflag:s23], $0x2000  }
0xf1: {  	[sflag:s23] =	ssyncset.done $0x0  }
0xf2: {  	[sflag:s23] =	ssyncadd.s32 $0xFFFFE000  }
0xf3: {  	v2 =	vld [tilespmem:s8+$0x0];
	_ =	sdelay $0x1  }
0xf4: {  	v3 =	vld [tilespmem:s3+$0x0];
	_ =	sdelay $0x2  }
0xf5: {  	v2 =	vmul.f32 $5.120000000e+02, v2;
	_ =	sdelay $0x1  }
0xf6: {  	v2 =	vadd.f32 v2, v3;
	_ =	sdelay $0x1  }
0xf7: {  	v2 =	vtrunc.f32 v2  }
0xf8: {  	v2 =	vcvt.f32.s32 v2;
	_ =	sdelay $0x1  }
0xf9: {  	vm15 =	vgt.s32 v2, $0x0  }
0xfa: {  	v2 =	vnsel vm15, $0x0, v2  }
0xfb: {  	s7 =	sand.u32 $0x3F00, s3;
	s8 =	sand.u32 $0x70, s3;
	v2 =	vmin.u32 v2, $0x3FFFF  }
0xfc: {  	s4 =	sor.u32 s8, s7;
	v3 =	vor.u32 v0, v2  }
0xfd: {  	v2 =	vor.u32 v1, v2;
	[tilespmem:s4+$0x4000] =	vst v3  }
0xfe: {  	s6 =	simm.s32 $0x2010;
	[tilespmem:s4+$0x4080] =	vst v2  }
0xff: {  	s5 =	simm.s32 $0x10;
	s7 =	simm.s32 $0x20;
	s4 =	simm.s32 $0x10;
	v2 =	vld [tilespmem:s6+$0x0]  }
.LBB2_8:
0x100: {  	p0 =	sne.s32 s7, $0x1FF0;
	v3 =	vld [tilespmem:s5+$0x0];
	_ =	sdelay $0x3  }
0x101: {  	v2 =	vmul.f32 $5.120000000e+02, v2;
	_ =	sdelay $0x1  }
0x102: {  	v2 =	vadd.f32 v2, v3;
	_ =	sdelay $0x1  }
0x103: {  	v2 =	vtrunc.f32 v2  }
0x104: {  	v2 =	vcvt.f32.s32 v2;
	_ =	sdelay $0x1  }
0x105: {  	vm0 =	vgt.s32 v2, $0x0  }
0x106: {  	s3 =	sadd.s32 $0x20, s3;
	v2 =	vnsel vm0, $0x0, v2  }
.Ltmp3:
0x107: {  	s4 =	sand.u32 $0x70, s4;
	s8 =	sand.u32 $0x3F00, s3;
	v2 =	vmin.u32 v2, $0x3FFFF;
	(pc) =	sbr.rel @p0 .LBB2_8-.Ltmp3, $4  }
0x108: {  	s8 =	sor.u32 s4, s8;
	s4 =	smov.u32 s7;
	v3 =	vor.u32 v0, v2;
	v2 =	vor.u32 v1, v2  }
0x109: {  	[tilespmem:s8+$0x4000] =	vst v3  }
0x10a: {  	s6 =	sadd.s32 $0x10, s6;
	[tilespmem:s8+$0x4080] =	vst v2  }
0x10b: {  	s5 =	sadd.s32 $0x10, s5;
	s7 =	sadd.s32 $0x10, s7;
	v2 =	vld [tilespmem:s6+$0x0]  }
0x10c: {  	_ = 	snop  }
0x10d: {  	v3 =	vld [tilespmem:s5+$0x0];
	_ =	sdelay $0x2  }
0x10e: {  	v2 =	vmul.f32 $5.120000000e+02, v2;
	_ =	sdelay $0x1  }
0x10f: {  	v2 =	vadd.f32 v2, v3;
	_ =	sdelay $0x1  }
0x110: {  	v2 =	vtrunc.f32 v2  }
0x111: {  	v2 =	vcvt.f32.s32 v2;
	_ =	sdelay $0x1  }
0x112: {  	vm0 =	vgt.s32 v2, $0x0  }
0x113: {  	s3 =	sadd.s32 $0x20, s3;
	v2 =	vnsel vm0, $0x0, v2  }
0x114: {  	s4 =	sand.u32 $0x70, s4;
	s3 =	sand.u32 $0x3F00, s3;
	v2 =	vmin.u32 v2, $0x3FFFF  }
0x115: {  	s3 =	sor.u32 s4, s3;
	v3 =	vor.u32 v0, v2  }
0x116: {  	v2 =	vor.u32 v1, v2;
	[tilespmem:s3+$0x4000] =	vst v3  }
0x117: {  	[tilespmem:s3+$0x4080] =	vst v2  }
0x118: {  	[tilespmem:s25], [sflag:$0x1] =	stream.indirect.gather [hbm4b:s21+s24], $0x1, s24, s24, $0xb8;
	[tilespmem:$0x1C000] =	vst v63  }
0x119: {  	_ =	swait.ge [sflag:s14], $0x4000  }
0x11a: {  	[sflag:s14] =	ssyncset.done $0x0  }
0x11b: {  	s3 =	simm.s32 $0x0;
	s6 =	rddreg [dreg:$0x4];
	[sflag:s14] =	ssyncadd.s32 $0xFFFFC000  }
0x11c: {  	[hbm4b:s6+s3] =	stream.linear.scatter [tilespmem:s28], [sflag:$0x4], $0x4000, $0x38;
	[tilespmem:$0x1C000] =	vst v63  }
0x11d: {  	_ =	swait.ge [sflag:s23], $0x4000  }
0x11e: {  	[sflag:s23] =	ssyncset.done $0x0  }
0x11f: {  	s7 =	rddreg [dreg:$0x1b];
	[sflag:s23] =	ssyncadd.s32 $0xFFFFC000  }
0x120: {  	[tilespmem:s3], [sflag:$0x4] =	stream.linear.gather [hbm4b:s7+s3], $0x2000, $0x38;
	[tilespmem:$0x1C000] =	vst v63  }
0x121: {  	_ =	swait.ge [sflag:s23], $0x2000  }
0x122: {  	[sflag:s23] =	ssyncset.done $0x0  }
0x123: {  	s8 =	simm.s32 $0x2000;
	s6 =	rddreg [dreg:$0x1c];
	[sflag:s23] =	ssyncadd.s32 $0xFFFFE000  }
0x124: {  	[tilespmem:s8], [sflag:$0x4] =	stream.linear.gather [hbm4b:s6+s3], $0x2000, $0x38;
	[tilespmem:$0x1C000] =	vst v63  }
0x125: {  	_ =	swait.ge [sflag:s23], $0x2000  }
0x126: {  	[sflag:s23] =	ssyncset.done $0x0  }
0x127: {  	[sflag:s23] =	ssyncadd.s32 $0xFFFFE000  }
0x128: {  	v2 =	vld [tilespmem:s8+$0x0];
	_ =	sdelay $0x1  }
0x129: {  	v3 =	vld [tilespmem:s3+$0x0];
	_ =	sdelay $0x2  }
0x12a: {  	v2 =	vmul.f32 $5.120000000e+02, v2;
	_ =	sdelay $0x1  }
0x12b: {  	v2 =	vadd.f32 v2, v3;
	_ =	sdelay $0x1  }
0x12c: {  	v2 =	vtrunc.f32 v2  }
0x12d: {  	v2 =	vcvt.f32.s32 v2;
	_ =	sdelay $0x1  }
0x12e: {  	vm15 =	vgt.s32 v2, $0x0  }
0x12f: {  	v2 =	vnsel vm15, $0x0, v2  }
0x130: {  	s7 =	sand.u32 $0x3F00, s3;
	s8 =	sand.u32 $0x70, s3;
	v2 =	vmin.u32 v2, $0x3FFFF  }
0x131: {  	s4 =	sor.u32 s8, s7;
	v3 =	vor.u32 v0, v2  }
0x132: {  	v2 =	vor.u32 v1, v2;
	[tilespmem:s4+$0x8000] =	vst v3  }
0x133: {  	s6 =	simm.s32 $0x2010;
	[tilespmem:s4+$0x8080] =	vst v2  }
0x134: {  	s5 =	simm.s32 $0x10;
	s7 =	simm.s32 $0x20;
	s4 =	simm.s32 $0x10;
	v2 =	vld [tilespmem:s6+$0x0]  }
.LBB2_10:
0x135: {  	p0 =	sne.s32 s7, $0x1FF0;
	v3 =	vld [tilespmem:s5+$0x0];
	_ =	sdelay $0x3  }
0x136: {  	v2 =	vmul.f32 $5.120000000e+02, v2;
	_ =	sdelay $0x1  }
0x137: {  	v2 =	vadd.f32 v2, v3;
	_ =	sdelay $0x1  }
0x138: {  	v2 =	vtrunc.f32 v2  }
0x139: {  	v2 =	vcvt.f32.s32 v2;
	_ =	sdelay $0x1  }
0x13a: {  	vm0 =	vgt.s32 v2, $0x0  }
0x13b: {  	s3 =	sadd.s32 $0x20, s3;
	v2 =	vnsel vm0, $0x0, v2  }
.Ltmp4:
0x13c: {  	s4 =	sand.u32 $0x70, s4;
	s8 =	sand.u32 $0x3F00, s3;
	v2 =	vmin.u32 v2, $0x3FFFF;
	(pc) =	sbr.rel @p0 .LBB2_10-.Ltmp4, $4  }
0x13d: {  	s8 =	sor.u32 s4, s8;
	s4 =	smov.u32 s7;
	v3 =	vor.u32 v0, v2;
	v2 =	vor.u32 v1, v2  }
0x13e: {  	[tilespmem:s8+$0x8000] =	vst v3  }
0x13f: {  	s6 =	sadd.s32 $0x10, s6;
	[tilespmem:s8+$0x8080] =	vst v2  }
0x140: {  	s5 =	sadd.s32 $0x10, s5;
	s7 =	sadd.s32 $0x10, s7;
	v2 =	vld [tilespmem:s6+$0x0]  }
0x141: {  	_ = 	snop  }
0x142: {  	v3 =	vld [tilespmem:s5+$0x0];
	_ =	sdelay $0x2  }
0x143: {  	v2 =	vmul.f32 $5.120000000e+02, v2;
	_ =	sdelay $0x1  }
0x144: {  	v2 =	vadd.f32 v2, v3;
	_ =	sdelay $0x1  }
0x145: {  	v2 =	vtrunc.f32 v2  }
0x146: {  	v2 =	vcvt.f32.s32 v2;
	_ =	sdelay $0x1  }
0x147: {  	vm0 =	vgt.s32 v2, $0x0  }
0x148: {  	s3 =	sadd.s32 $0x20, s3;
	v2 =	vnsel vm0, $0x0, v2  }
0x149: {  	s4 =	sand.u32 $0x70, s4;
	s3 =	sand.u32 $0x3F00, s3;
	v2 =	vmin.u32 v2, $0x3FFFF  }
0x14a: {  	s3 =	sor.u32 s4, s3;
	v3 =	vor.u32 v0, v2  }
0x14b: {  	v2 =	vor.u32 v1, v2;
	[tilespmem:s3+$0x8000] =	vst v3  }
0x14c: {  	[tilespmem:s3+$0x8080] =	vst v2  }
0x14d: {  	[tilespmem:s28], [sflag:$0x2] =	stream.indirect.gather [hbm4b:s21+s24], $0x1, s26, s24, $0xb8;
	[tilespmem:$0x1C000] =	vst v63  }
0x14e: {  	_ =	swait.ge [sflag:s0], $0x4000  }
0x14f: {  	[sflag:s0] =	ssyncset.done $0x0  }
0x150: {  	s3 =	simm.s32 $0x0;
	s6 =	rddreg [dreg:$0x5];
	[sflag:s0] =	ssyncadd.s32 $0xFFFFC000  }
0x151: {  	[hbm4b:s6+s3] =	stream.linear.scatter [tilespmem:s30], [sflag:$0x4], $0x4000, $0x38;
	[tilespmem:$0x1C000] =	vst v63  }
0x152: {  	_ =	swait.ge [sflag:s23], $0x4000  }
0x153: {  	[sflag:s23] =	ssyncset.done $0x0  }
0x154: {  	s7 =	rddreg [dreg:$0x1d];
	[sflag:s23] =	ssyncadd.s32 $0xFFFFC000  }
0x155: {  	[tilespmem:s3], [sflag:$0x4] =	stream.linear.gather [hbm4b:s7+s3], $0x2000, $0x38;
	[tilespmem:$0x1C000] =	vst v63  }
0x156: {  	_ =	swait.ge [sflag:s23], $0x2000  }
0x157: {  	[sflag:s23] =	ssyncset.done $0x0  }
0x158: {  	s8 =	simm.s32 $0x2000;
	s6 =	rddreg [dreg:$0x1e];
	[sflag:s23] =	ssyncadd.s32 $0xFFFFE000  }
0x159: {  	[tilespmem:s8], [sflag:$0x4] =	stream.linear.gather [hbm4b:s6+s3], $0x2000, $0x38;
	[tilespmem:$0x1C000] =	vst v63  }
0x15a: {  	_ =	swait.ge [sflag:s23], $0x2000  }
0x15b: {  	[sflag:s23] =	ssyncset.done $0x0  }
0x15c: {  	[sflag:s23] =	ssyncadd.s32 $0xFFFFE000  }
0x15d: {  	v2 =	vld [tilespmem:s8+$0x0];
	_ =	sdelay $0x1  }
0x15e: {  	v3 =	vld [tilespmem:s3+$0x0];
	_ =	sdelay $0x2  }
0x15f: {  	v2 =	vmul.f32 $5.120000000e+02, v2;
	_ =	sdelay $0x1  }
0x160: {  	v2 =	vadd.f32 v2, v3;
	_ =	sdelay $0x1  }
0x161: {  	v2 =	vtrunc.f32 v2  }
0x162: {  	v2 =	vcvt.f32.s32 v2;
	_ =	sdelay $0x1  }
0x163: {  	vm15 =	vgt.s32 v2, $0x0  }
0x164: {  	v2 =	vnsel vm15, $0x0, v2  }
0x165: {  	s7 =	sand.u32 $0x3F00, s3;
	s8 =	sand.u32 $0x70, s3;
	v2 =	vmin.u32 v2, $0x3FFFF  }
0x166: {  	s4 =	sor.u32 s8, s7;
	v3 =	vor.u32 v0, v2  }
0x167: {  	v2 =	vor.u32 v1, v2;
	[tilespmem:s4+$0xC000] =	vst v3  }
0x168: {  	s6 =	simm.s32 $0x2010;
	[tilespmem:s4+$0xC080] =	vst v2  }
0x169: {  	s5 =	simm.s32 $0x10;
	s7 =	simm.s32 $0x20;
	s4 =	simm.s32 $0x10;
	v2 =	vld [tilespmem:s6+$0x0]  }
.LBB2_12:
0x16a: {  	p0 =	sne.s32 s7, $0x1FF0;
	v3 =	vld [tilespmem:s5+$0x0];
	_ =	sdelay $0x3  }
0x16b: {  	v2 =	vmul.f32 $5.120000000e+02, v2;
	_ =	sdelay $0x1  }
0x16c: {  	v2 =	vadd.f32 v2, v3;
	_ =	sdelay $0x1  }
0x16d: {  	v2 =	vtrunc.f32 v2  }
0x16e: {  	v2 =	vcvt.f32.s32 v2;
	_ =	sdelay $0x1  }
0x16f: {  	vm0 =	vgt.s32 v2, $0x0  }
0x170: {  	s3 =	sadd.s32 $0x20, s3;
	v2 =	vnsel vm0, $0x0, v2  }
.Ltmp5:
0x171: {  	s4 =	sand.u32 $0x70, s4;
	s8 =	sand.u32 $0x3F00, s3;
	v2 =	vmin.u32 v2, $0x3FFFF;
	(pc) =	sbr.rel @p0 .LBB2_12-.Ltmp5, $4  }
0x172: {  	s8 =	sor.u32 s4, s8;
	s4 =	smov.u32 s7;
	v3 =	vor.u32 v0, v2;
	v2 =	vor.u32 v1, v2  }
0x173: {  	[tilespmem:s8+$0xC000] =	vst v3  }
0x174: {  	s6 =	sadd.s32 $0x10, s6;
	[tilespmem:s8+$0xC080] =	vst v2  }
0x175: {  	s5 =	sadd.s32 $0x10, s5;
	s7 =	sadd.s32 $0x10, s7;
	v2 =	vld [tilespmem:s6+$0x0]  }
0x176: {  	_ = 	snop  }
0x177: {  	v3 =	vld [tilespmem:s5+$0x0];
	_ =	sdelay $0x2  }
0x178: {  	v2 =	vmul.f32 $5.120000000e+02, v2;
	_ =	sdelay $0x1  }
0x179: {  	v2 =	vadd.f32 v2, v3;
	_ =	sdelay $0x1  }
0x17a: {  	v2 =	vtrunc.f32 v2  }
0x17b: {  	v2 =	vcvt.f32.s32 v2;
	_ =	sdelay $0x1  }
0x17c: {  	vm0 =	vgt.s32 v2, $0x0  }
0x17d: {  	s3 =	sadd.s32 $0x20, s3;
	v2 =	vnsel vm0, $0x0, v2  }
0x17e: {  	s4 =	sand.u32 $0x70, s4;
	s3 =	sand.u32 $0x3F00, s3;
	v2 =	vmin.u32 v2, $0x3FFFF  }
0x17f: {  	s3 =	sor.u32 s4, s3;
	v3 =	vor.u32 v0, v2  }
0x180: {  	v2 =	vor.u32 v1, v2;
	[tilespmem:s3+$0xC000] =	vst v3  }
0x181: {  	[tilespmem:s3+$0xC080] =	vst v2  }
0x182: {  	[tilespmem:s30], [sflag:$0x3] =	stream.indirect.gather [hbm4b:s21+s24], $0x1, s29, s24, $0xb8;
	[tilespmem:$0x1C000] =	vst v63  }
0x183: {  	_ =	swait.ge [sflag:s31], $0x4000  }
0x184: {  	[sflag:s31] =	ssyncset.done $0x0  }
0x185: {  	s3 =	simm.s32 $0x0;
	s6 =	rddreg [dreg:$0x6];
	[sflag:s31] =	ssyncadd.s32 $0xFFFFC000  }
0x186: {  	[hbm4b:s6+s3] =	stream.linear.scatter [tilespmem:s25], [sflag:$0x4], $0x4000, $0x38;
	[tilespmem:$0x1C000] =	vst v63  }
0x187: {  	_ =	swait.ge [sflag:s23], $0x4000  }
0x188: {  	[sflag:s23] =	ssyncset.done $0x0  }
0x189: {  	s7 =	rddreg [dreg:$0x1f];
	[sflag:s23] =	ssyncadd.s32 $0xFFFFC000  }
0x18a: {  	[tilespmem:s3], [sflag:$0x4] =	stream.linear.gather [hbm4b:s7+s3], $0x2000, $0x38;
	[tilespmem:$0x1C000] =	vst v63  }
0x18b: {  	_ =	swait.ge [sflag:s23], $0x2000  }
0x18c: {  	s6 =	sld [smem:$0x7F4]  }
0x18d: {  	[sflag:s23] =	ssyncset.done $0x0  }
0x18e: {  	s8 =	simm.s32 $0x2000;
	[sflag:s23] =	ssyncadd.s32 $0xFFFFE000  }
0x18f: {  	[tilespmem:s8], [sflag:$0x4] =	stream.linear.gather [hbm4b:s6+s3], $0x2000, $0x38;
	[tilespmem:$0x1C000] =	vst v63  }
0x190: {  	_ =	swait.ge [sflag:s23], $0x2000  }
0x191: {  	[sflag:s23] =	ssyncset.done $0x0  }
0x192: {  	[sflag:s23] =	ssyncadd.s32 $0xFFFFE000  }
0x193: {  	v2 =	vld [tilespmem:s8+$0x0];
	_ =	sdelay $0x1  }
0x194: {  	v3 =	vld [tilespmem:s3+$0x0];
	_ =	sdelay $0x2  }
0x195: {  	v2 =	vmul.f32 $5.120000000e+02, v2;
	_ =	sdelay $0x1  }
0x196: {  	v2 =	vadd.f32 v2, v3;
	_ =	sdelay $0x1  }
0x197: {  	v2 =	vtrunc.f32 v2  }
0x198: {  	v2 =	vcvt.f32.s32 v2;
	_ =	sdelay $0x1  }
0x199: {  	vm15 =	vgt.s32 v2, $0x0  }
0x19a: {  	v2 =	vnsel vm15, $0x0, v2  }
0x19b: {  	s7 =	sand.u32 $0x3F00, s3;
	s8 =	sand.u32 $0x70, s3;
	v2 =	vmin.u32 v2, $0x3FFFF  }
0x19c: {  	s4 =	sor.u32 s8, s7;
	v3 =	vor.u32 v0, v2  }
0x19d: {  	v2 =	vor.u32 v1, v2;
	[tilespmem:s4+$0x4000] =	vst v3  }
0x19e: {  	s6 =	simm.s32 $0x2010;
	[tilespmem:s4+$0x4080] =	vst v2  }
0x19f: {  	s5 =	simm.s32 $0x10;
	s7 =	simm.s32 $0x20;
	s4 =	simm.s32 $0x10;
	v2 =	vld [tilespmem:s6+$0x0]  }
.LBB2_14:
0x1a0: {  	p0 =	sne.s32 s7, $0x1FF0;
	v3 =	vld [tilespmem:s5+$0x0];
	_ =	sdelay $0x3  }
0x1a1: {  	v2 =	vmul.f32 $5.120000000e+02, v2;
	_ =	sdelay $0x1  }
0x1a2: {  	v2 =	vadd.f32 v2, v3;
	_ =	sdelay $0x1  }
0x1a3: {  	v2 =	vtrunc.f32 v2  }
0x1a4: {  	v2 =	vcvt.f32.s32 v2;
	_ =	sdelay $0x1  }
0x1a5: {  	vm0 =	vgt.s32 v2, $0x0  }
0x1a6: {  	s3 =	sadd.s32 $0x20, s3;
	v2 =	vnsel vm0, $0x0, v2  }
.Ltmp6:
0x1a7: {  	s4 =	sand.u32 $0x70, s4;
	s8 =	sand.u32 $0x3F00, s3;
	v2 =	vmin.u32 v2, $0x3FFFF;
	(pc) =	sbr.rel @p0 .LBB2_14-.Ltmp6, $4  }
0x1a8: {  	s8 =	sor.u32 s4, s8;
	s4 =	smov.u32 s7;
	v3 =	vor.u32 v0, v2;
	v2 =	vor.u32 v1, v2  }
0x1a9: {  	[tilespmem:s8+$0x4000] =	vst v3  }
0x1aa: {  	s6 =	sadd.s32 $0x10, s6;
	[tilespmem:s8+$0x4080] =	vst v2  }
0x1ab: {  	s5 =	sadd.s32 $0x10, s5;
	s7 =	sadd.s32 $0x10, s7;
	v2 =	vld [tilespmem:s6+$0x0]  }
0x1ac: {  	_ = 	snop  }
0x1ad: {  	v3 =	vld [tilespmem:s5+$0x0];
	_ =	sdelay $0x2  }
0x1ae: {  	v2 =	vmul.f32 $5.120000000e+02, v2;
	_ =	sdelay $0x1  }
0x1af: {  	v2 =	vadd.f32 v2, v3;
	_ =	sdelay $0x1  }
0x1b0: {  	v2 =	vtrunc.f32 v2  }
0x1b1: {  	v2 =	vcvt.f32.s32 v2;
	_ =	sdelay $0x1  }
0x1b2: {  	vm0 =	vgt.s32 v2, $0x0  }
0x1b3: {  	s3 =	sadd.s32 $0x20, s3;
	v2 =	vnsel vm0, $0x0, v2  }
0x1b4: {  	s4 =	sand.u32 $0x70, s4;
	s3 =	sand.u32 $0x3F00, s3;
	v2 =	vmin.u32 v2, $0x3FFFF  }
0x1b5: {  	s3 =	sor.u32 s4, s3;
	v3 =	vor.u32 v0, v2  }
0x1b6: {  	v2 =	vor.u32 v1, v2;
	[tilespmem:s3+$0x4000] =	vst v3  }
0x1b7: {  	[tilespmem:s3+$0x4080] =	vst v2  }
0x1b8: {  	[tilespmem:s25], [sflag:$0x1] =	stream.indirect.gather [hbm4b:s21+s24], $0x1, s24, s24, $0xb8;
	[tilespmem:$0x1C000] =	vst v63  }
0x1b9: {  	_ =	swait.ge [sflag:s14], $0x4000  }
0x1ba: {  	[sflag:s14] =	ssyncset.done $0x0  }
0x1bb: {  	s3 =	simm.s32 $0x0;
	s6 =	rddreg [dreg:$0x7];
	[sflag:s14] =	ssyncadd.s32 $0xFFFFC000  }
0x1bc: {  	[hbm4b:s6+s3] =	stream.linear.scatter [tilespmem:s28], [sflag:$0x4], $0x4000, $0x38;
	[tilespmem:$0x1C000] =	vst v63  }
0x1bd: {  	_ =	swait.ge [sflag:s23], $0x4000  }
0x1be: {  	s7 =	sld [smem:$0x7F5]  }
0x1bf: {  	[sflag:s23] =	ssyncset.done $0x0  }
0x1c0: {  	[sflag:s23] =	ssyncadd.s32 $0xFFFFC000  }
0x1c1: {  	[tilespmem:s3], [sflag:$0x4] =	stream.linear.gather [hbm4b:s7+s3], $0x2000, $0x38;
	[tilespmem:$0x1C000] =	vst v63  }
0x1c2: {  	_ =	swait.ge [sflag:s23], $0x2000  }
0x1c3: {  	s6 =	sld [smem:$0x7F6]  }
0x1c4: {  	[sflag:s23] =	ssyncset.done $0x0  }
0x1c5: {  	s8 =	simm.s32 $0x2000;
	[sflag:s23] =	ssyncadd.s32 $0xFFFFE000  }
0x1c6: {  	[tilespmem:s8], [sflag:$0x4] =	stream.linear.gather [hbm4b:s6+s3], $0x2000, $0x38;
	[tilespmem:$0x1C000] =	vst v63  }
0x1c7: {  	_ =	swait.ge [sflag:s23], $0x2000  }
0x1c8: {  	[sflag:s23] =	ssyncset.done $0x0  }
0x1c9: {  	[sflag:s23] =	ssyncadd.s32 $0xFFFFE000  }
0x1ca: {  	v2 =	vld [tilespmem:s8+$0x0];
	_ =	sdelay $0x1  }
0x1cb: {  	v3 =	vld [tilespmem:s3+$0x0];
	_ =	sdelay $0x2  }
0x1cc: {  	v2 =	vmul.f32 $5.120000000e+02, v2;
	_ =	sdelay $0x1  }
0x1cd: {  	v2 =	vadd.f32 v2, v3;
	_ =	sdelay $0x1  }
0x1ce: {  	v2 =	vtrunc.f32 v2  }
0x1cf: {  	v2 =	vcvt.f32.s32 v2;
	_ =	sdelay $0x1  }
0x1d0: {  	vm15 =	vgt.s32 v2, $0x0  }
0x1d1: {  	v2 =	vnsel vm15, $0x0, v2  }
0x1d2: {  	s7 =	sand.u32 $0x3F00, s3;
	s8 =	sand.u32 $0x70, s3;
	v2 =	vmin.u32 v2, $0x3FFFF  }
0x1d3: {  	s4 =	sor.u32 s8, s7;
	v3 =	vor.u32 v0, v2  }
0x1d4: {  	v2 =	vor.u32 v1, v2;
	[tilespmem:s4+$0x8000] =	vst v3  }
0x1d5: {  	s6 =	simm.s32 $0x2010;
	[tilespmem:s4+$0x8080] =	vst v2  }
0x1d6: {  	s5 =	simm.s32 $0x10;
	s7 =	simm.s32 $0x20;
	s4 =	simm.s32 $0x10;
	v2 =	vld [tilespmem:s6+$0x0]  }
.LBB2_16:
0x1d7: {  	p0 =	sne.s32 s7, $0x1FF0;
	v3 =	vld [tilespmem:s5+$0x0];
	_ =	sdelay $0x3  }
0x1d8: {  	v2 =	vmul.f32 $5.120000000e+02, v2;
	_ =	sdelay $0x1  }
0x1d9: {  	v2 =	vadd.f32 v2, v3;
	_ =	sdelay $0x1  }
0x1da: {  	v2 =	vtrunc.f32 v2  }
0x1db: {  	v2 =	vcvt.f32.s32 v2;
	_ =	sdelay $0x1  }
0x1dc: {  	vm0 =	vgt.s32 v2, $0x0  }
0x1dd: {  	s3 =	sadd.s32 $0x20, s3;
	v2 =	vnsel vm0, $0x0, v2  }
.Ltmp7:
0x1de: {  	s4 =	sand.u32 $0x70, s4;
	s8 =	sand.u32 $0x3F00, s3;
	v2 =	vmin.u32 v2, $0x3FFFF;
	(pc) =	sbr.rel @p0 .LBB2_16-.Ltmp7, $4  }
0x1df: {  	s8 =	sor.u32 s4, s8;
	s4 =	smov.u32 s7;
	v3 =	vor.u32 v0, v2;
	v2 =	vor.u32 v1, v2  }
0x1e0: {  	[tilespmem:s8+$0x8000] =	vst v3  }
0x1e1: {  	s6 =	sadd.s32 $0x10, s6;
	[tilespmem:s8+$0x8080] =	vst v2  }
0x1e2: {  	s5 =	sadd.s32 $0x10, s5;
	s7 =	sadd.s32 $0x10, s7;
	v2 =	vld [tilespmem:s6+$0x0]  }
0x1e3: {  	_ = 	snop  }
0x1e4: {  	v3 =	vld [tilespmem:s5+$0x0];
	_ =	sdelay $0x2  }
0x1e5: {  	v2 =	vmul.f32 $5.120000000e+02, v2;
	_ =	sdelay $0x1  }
0x1e6: {  	v2 =	vadd.f32 v2, v3;
	_ =	sdelay $0x1  }
0x1e7: {  	v2 =	vtrunc.f32 v2  }
0x1e8: {  	v2 =	vcvt.f32.s32 v2;
	_ =	sdelay $0x1  }
0x1e9: {  	vm0 =	vgt.s32 v2, $0x0  }
0x1ea: {  	s3 =	sadd.s32 $0x20, s3;
	v2 =	vnsel vm0, $0x0, v2  }
0x1eb: {  	s4 =	sand.u32 $0x70, s4;
	s3 =	sand.u32 $0x3F00, s3;
	v2 =	vmin.u32 v2, $0x3FFFF  }
0x1ec: {  	s3 =	sor.u32 s4, s3;
	v3 =	vor.u32 v0, v2  }
0x1ed: {  	v2 =	vor.u32 v1, v2;
	[tilespmem:s3+$0x8000] =	vst v3  }
0x1ee: {  	[tilespmem:s3+$0x8080] =	vst v2  }
0x1ef: {  	[tilespmem:s28], [sflag:$0x2] =	stream.indirect.gather [hbm4b:s21+s24], $0x1, s26, s24, $0xb8;
	[tilespmem:$0x1C000] =	vst v63  }
0x1f0: {  	_ =	swait.ge [sflag:s0], $0x4000  }
0x1f1: {  	[sflag:s0] =	ssyncset.done $0x0  }
0x1f2: {  	s3 =	simm.s32 $0x0;
	s6 =	rddreg [dreg:$0x8];
	[sflag:s0] =	ssyncadd.s32 $0xFFFFC000  }
0x1f3: {  	[hbm4b:s6+s3] =	stream.linear.scatter [tilespmem:s30], [sflag:$0x4], $0x4000, $0x38;
	[tilespmem:$0x1C000] =	vst v63  }
0x1f4: {  	_ =	swait.ge [sflag:s23], $0x4000  }
0x1f5: {  	s7 =	sld [smem:$0x7F7]  }
0x1f6: {  	[sflag:s23] =	ssyncset.done $0x0  }
0x1f7: {  	[sflag:s23] =	ssyncadd.s32 $0xFFFFC000  }
0x1f8: {  	[tilespmem:s3], [sflag:$0x4] =	stream.linear.gather [hbm4b:s7+s3], $0x2000, $0x38;
	[tilespmem:$0x1C000] =	vst v63  }
0x1f9: {  	_ =	swait.ge [sflag:s23], $0x2000  }
0x1fa: {  	s6 =	sld [smem:$0x7F8]  }
0x1fb: {  	[sflag:s23] =	ssyncset.done $0x0  }
0x1fc: {  	s8 =	simm.s32 $0x2000;
	[sflag:s23] =	ssyncadd.s32 $0xFFFFE000  }
0x1fd: {  	[tilespmem:s8], [sflag:$0x4] =	stream.linear.gather [hbm4b:s6+s3], $0x2000, $0x38;
	[tilespmem:$0x1C000] =	vst v63  }
0x1fe: {  	_ =	swait.ge [sflag:s23], $0x2000  }
0x1ff: {  	[sflag:s23] =	ssyncset.done $0x0  }
0x200: {  	[sflag:s23] =	ssyncadd.s32 $0xFFFFE000  }
0x201: {  	v2 =	vld [tilespmem:s8+$0x0];
	_ =	sdelay $0x1  }
0x202: {  	v3 =	vld [tilespmem:s3+$0x0];
	_ =	sdelay $0x2  }
0x203: {  	v2 =	vmul.f32 $5.120000000e+02, v2;
	_ =	sdelay $0x1  }
0x204: {  	v2 =	vadd.f32 v2, v3;
	_ =	sdelay $0x1  }
0x205: {  	v2 =	vtrunc.f32 v2  }
0x206: {  	v2 =	vcvt.f32.s32 v2;
	_ =	sdelay $0x1  }
0x207: {  	vm15 =	vgt.s32 v2, $0x0  }
0x208: {  	v2 =	vnsel vm15, $0x0, v2  }
0x209: {  	s7 =	sand.u32 $0x3F00, s3;
	s8 =	sand.u32 $0x70, s3;
	v2 =	vmin.u32 v2, $0x3FFFF  }
0x20a: {  	s4 =	sor.u32 s8, s7;
	v3 =	vor.u32 v0, v2  }
0x20b: {  	v2 =	vor.u32 v1, v2;
	[tilespmem:s4+$0xC000] =	vst v3  }
0x20c: {  	s6 =	simm.s32 $0x2010;
	[tilespmem:s4+$0xC080] =	vst v2  }
0x20d: {  	s5 =	simm.s32 $0x10;
	s7 =	simm.s32 $0x20;
	s4 =	simm.s32 $0x10;
	v2 =	vld [tilespmem:s6+$0x0]  }
.LBB2_18:
0x20e: {  	p0 =	sne.s32 s7, $0x1FF0;
	v3 =	vld [tilespmem:s5+$0x0];
	_ =	sdelay $0x3  }
0x20f: {  	v2 =	vmul.f32 $5.120000000e+02, v2;
	_ =	sdelay $0x1  }
0x210: {  	v2 =	vadd.f32 v2, v3;
	_ =	sdelay $0x1  }
0x211: {  	v2 =	vtrunc.f32 v2  }
0x212: {  	v2 =	vcvt.f32.s32 v2;
	_ =	sdelay $0x1  }
0x213: {  	vm0 =	vgt.s32 v2, $0x0  }
0x214: {  	s3 =	sadd.s32 $0x20, s3;
	v2 =	vnsel vm0, $0x0, v2  }
.Ltmp8:
0x215: {  	s4 =	sand.u32 $0x70, s4;
	s8 =	sand.u32 $0x3F00, s3;
	v2 =	vmin.u32 v2, $0x3FFFF;
	(pc) =	sbr.rel @p0 .LBB2_18-.Ltmp8, $4  }
0x216: {  	s8 =	sor.u32 s4, s8;
	s4 =	smov.u32 s7;
	v3 =	vor.u32 v0, v2;
	v2 =	vor.u32 v1, v2  }
0x217: {  	[tilespmem:s8+$0xC000] =	vst v3  }
0x218: {  	s6 =	sadd.s32 $0x10, s6;
	[tilespmem:s8+$0xC080] =	vst v2  }
0x219: {  	s5 =	sadd.s32 $0x10, s5;
	s7 =	sadd.s32 $0x10, s7;
	v2 =	vld [tilespmem:s6+$0x0]  }
0x21a: {  	_ = 	snop  }
0x21b: {  	v3 =	vld [tilespmem:s5+$0x0];
	_ =	sdelay $0x2  }
0x21c: {  	v2 =	vmul.f32 $5.120000000e+02, v2;
	_ =	sdelay $0x1  }
0x21d: {  	v2 =	vadd.f32 v2, v3;
	_ =	sdelay $0x1  }
0x21e: {  	v2 =	vtrunc.f32 v2  }
0x21f: {  	v2 =	vcvt.f32.s32 v2;
	_ =	sdelay $0x1  }
0x220: {  	vm0 =	vgt.s32 v2, $0x0  }
0x221: {  	s3 =	sadd.s32 $0x20, s3;
	v2 =	vnsel vm0, $0x0, v2  }
0x222: {  	s4 =	sand.u32 $0x70, s4;
	s3 =	sand.u32 $0x3F00, s3;
	v2 =	vmin.u32 v2, $0x3FFFF  }
0x223: {  	s3 =	sor.u32 s4, s3;
	v3 =	vor.u32 v0, v2  }
0x224: {  	v2 =	vor.u32 v1, v2;
	[tilespmem:s3+$0xC000] =	vst v3  }
0x225: {  	[tilespmem:s3+$0xC080] =	vst v2  }
0x226: {  	[tilespmem:s30], [sflag:$0x3] =	stream.indirect.gather [hbm4b:s21+s24], $0x1, s29, s24, $0xb8;
	[tilespmem:$0x1C000] =	vst v63  }
0x227: {  	_ =	swait.ge [sflag:s31], $0x4000  }
0x228: {  	[sflag:s31] =	ssyncset.done $0x0  }
0x229: {  	s3 =	simm.s32 $0x0;
	s6 =	rddreg [dreg:$0x9];
	[sflag:s31] =	ssyncadd.s32 $0xFFFFC000  }
0x22a: {  	[hbm4b:s6+s3] =	stream.linear.scatter [tilespmem:s25], [sflag:$0x4], $0x4000, $0x38;
	[tilespmem:$0x1C000] =	vst v63  }
0x22b: {  	_ =	swait.ge [sflag:s23], $0x4000  }
0x22c: {  	s7 =	sld [smem:$0x7F9]  }
0x22d: {  	[sflag:s23] =	ssyncset.done $0x0  }
0x22e: {  	[sflag:s23] =	ssyncadd.s32 $0xFFFFC000  }
0x22f: {  	[tilespmem:s3], [sflag:$0x4] =	stream.linear.gather [hbm4b:s7+s3], $0x2000, $0x38;
	[tilespmem:$0x1C000] =	vst v63  }
0x230: {  	_ =	swait.ge [sflag:s23], $0x2000  }
0x231: {  	s6 =	sld [smem:$0x7FA]  }
0x232: {  	[sflag:s23] =	ssyncset.done $0x0  }
0x233: {  	s8 =	simm.s32 $0x2000;
	[sflag:s23] =	ssyncadd.s32 $0xFFFFE000  }
0x234: {  	[tilespmem:s8], [sflag:$0x4] =	stream.linear.gather [hbm4b:s6+s3], $0x2000, $0x38;
	[tilespmem:$0x1C000] =	vst v63  }
0x235: {  	_ =	swait.ge [sflag:s23], $0x2000  }
0x236: {  	[sflag:s23] =	ssyncset.done $0x0  }
0x237: {  	[sflag:s23] =	ssyncadd.s32 $0xFFFFE000  }
0x238: {  	v2 =	vld [tilespmem:s8+$0x0];
	_ =	sdelay $0x1  }
0x239: {  	v3 =	vld [tilespmem:s3+$0x0];
	_ =	sdelay $0x2  }
0x23a: {  	v2 =	vmul.f32 $5.120000000e+02, v2;
	_ =	sdelay $0x1  }
0x23b: {  	v2 =	vadd.f32 v2, v3;
	_ =	sdelay $0x1  }
0x23c: {  	v2 =	vtrunc.f32 v2  }
0x23d: {  	v2 =	vcvt.f32.s32 v2;
	_ =	sdelay $0x1  }
0x23e: {  	vm15 =	vgt.s32 v2, $0x0  }
0x23f: {  	v2 =	vnsel vm15, $0x0, v2  }
0x240: {  	s7 =	sand.u32 $0x3F00, s3;
	s8 =	sand.u32 $0x70, s3;
	v2 =	vmin.u32 v2, $0x3FFFF  }
0x241: {  	s4 =	sor.u32 s8, s7;
	v3 =	vor.u32 v0, v2  }
0x242: {  	v2 =	vor.u32 v1, v2;
	[tilespmem:s4+$0x4000] =	vst v3  }
0x243: {  	s6 =	simm.s32 $0x2010;
	[tilespmem:s4+$0x4080] =	vst v2  }
0x244: {  	s5 =	simm.s32 $0x10;
	s7 =	simm.s32 $0x20;
	s4 =	simm.s32 $0x10;
	v2 =	vld [tilespmem:s6+$0x0]  }
.LBB2_20:
0x245: {  	p0 =	sne.s32 s7, $0x1FF0;
	v3 =	vld [tilespmem:s5+$0x0];
	_ =	sdelay $0x3  }
0x246: {  	v2 =	vmul.f32 $5.120000000e+02, v2;
	_ =	sdelay $0x1  }
0x247: {  	v2 =	vadd.f32 v2, v3;
	_ =	sdelay $0x1  }
0x248: {  	v2 =	vtrunc.f32 v2  }
0x249: {  	v2 =	vcvt.f32.s32 v2;
	_ =	sdelay $0x1  }
0x24a: {  	vm0 =	vgt.s32 v2, $0x0  }
0x24b: {  	s3 =	sadd.s32 $0x20, s3;
	v2 =	vnsel vm0, $0x0, v2  }
.Ltmp9:
0x24c: {  	s4 =	sand.u32 $0x70, s4;
	s8 =	sand.u32 $0x3F00, s3;
	v2 =	vmin.u32 v2, $0x3FFFF;
	(pc) =	sbr.rel @p0 .LBB2_20-.Ltmp9, $4  }
0x24d: {  	s8 =	sor.u32 s4, s8;
	s4 =	smov.u32 s7;
	v3 =	vor.u32 v0, v2;
	v2 =	vor.u32 v1, v2  }
0x24e: {  	[tilespmem:s8+$0x4000] =	vst v3  }
0x24f: {  	s6 =	sadd.s32 $0x10, s6;
	[tilespmem:s8+$0x4080] =	vst v2  }
0x250: {  	s5 =	sadd.s32 $0x10, s5;
	s7 =	sadd.s32 $0x10, s7;
	v2 =	vld [tilespmem:s6+$0x0]  }
0x251: {  	_ = 	snop  }
0x252: {  	v3 =	vld [tilespmem:s5+$0x0];
	_ =	sdelay $0x2  }
0x253: {  	v2 =	vmul.f32 $5.120000000e+02, v2;
	_ =	sdelay $0x1  }
0x254: {  	v2 =	vadd.f32 v2, v3;
	_ =	sdelay $0x1  }
0x255: {  	v2 =	vtrunc.f32 v2  }
0x256: {  	v2 =	vcvt.f32.s32 v2;
	_ =	sdelay $0x1  }
0x257: {  	vm0 =	vgt.s32 v2, $0x0  }
0x258: {  	s3 =	sadd.s32 $0x20, s3;
	v2 =	vnsel vm0, $0x0, v2  }
0x259: {  	s4 =	sand.u32 $0x70, s4;
	s3 =	sand.u32 $0x3F00, s3;
	v2 =	vmin.u32 v2, $0x3FFFF  }
0x25a: {  	s3 =	sor.u32 s4, s3;
	v3 =	vor.u32 v0, v2  }
0x25b: {  	v2 =	vor.u32 v1, v2;
	[tilespmem:s3+$0x4000] =	vst v3  }
0x25c: {  	[tilespmem:s3+$0x4080] =	vst v2  }
0x25d: {  	[tilespmem:s25], [sflag:$0x1] =	stream.indirect.gather [hbm4b:s21+s24], $0x1, s24, s24, $0xb8;
	[tilespmem:$0x1C000] =	vst v63  }
0x25e: {  	_ =	swait.ge [sflag:s14], $0x4000  }
0x25f: {  	[sflag:s14] =	ssyncset.done $0x0  }
0x260: {  	s3 =	simm.s32 $0x0;
	s8 =	rddreg [dreg:$0xa];
	[sflag:s14] =	ssyncadd.s32 $0xFFFFC000  }
0x261: {  	[hbm4b:s8+s3] =	stream.linear.scatter [tilespmem:s28], [sflag:$0x4], $0x4000, $0x38;
	[tilespmem:$0x1C000] =	vst v63  }
0x262: {  	_ =	swait.ge [sflag:s23], $0x4000  }
0x263: {  	s5 =	sld [smem:$0x7FB]  }
0x264: {  	[sflag:s23] =	ssyncset.done $0x0  }
0x265: {  	[sflag:s23] =	ssyncadd.s32 $0xFFFFC000  }
0x266: {  	[tilespmem:s3], [sflag:$0x4] =	stream.linear.gather [hbm4b:s5+s3], $0x2000, $0x38;
	[tilespmem:$0x1C000] =	vst v63  }
0x267: {  	_ =	swait.ge [sflag:s23], $0x2000  }
0x268: {  	[sflag:s23] =	ssyncset.done $0x0  }
0x269: {  	s6 =	simm.s32 $0x2000;
	[sflag:s23] =	ssyncadd.s32 $0xFFFFE000  }
0x26a: {  	[tilespmem:s6], [sflag:$0x4] =	stream.linear.gather [hbm4b:s9+s3], $0x2000, $0x38;
	[tilespmem:$0x1C000] =	vst v63  }
0x26b: {  	_ =	swait.ge [sflag:s23], $0x2000  }
0x26c: {  	[sflag:s23] =	ssyncset.done $0x0  }
0x26d: {  	[sflag:s23] =	ssyncadd.s32 $0xFFFFE000  }
0x26e: {  	v2 =	vld [tilespmem:s6+$0x0];
	_ =	sdelay $0x1  }
0x26f: {  	v3 =	vld [tilespmem:s3+$0x0];
	_ =	sdelay $0x2  }
0x270: {  	v2 =	vmul.f32 $5.120000000e+02, v2;
	_ =	sdelay $0x1  }
0x271: {  	v2 =	vadd.f32 v2, v3;
	_ =	sdelay $0x1  }
0x272: {  	v2 =	vtrunc.f32 v2  }
0x273: {  	v2 =	vcvt.f32.s32 v2;
	_ =	sdelay $0x1  }
0x274: {  	vm15 =	vgt.s32 v2, $0x0  }
0x275: {  	v2 =	vnsel vm15, $0x0, v2  }
0x276: {  	s7 =	sand.u32 $0x3F00, s3;
	s8 =	sand.u32 $0x70, s3;
	v2 =	vmin.u32 v2, $0x3FFFF  }
0x277: {  	s4 =	sor.u32 s8, s7;
	v3 =	vor.u32 v0, v2  }
0x278: {  	v2 =	vor.u32 v1, v2;
	[tilespmem:s4+$0x8000] =	vst v3  }
0x279: {  	s6 =	simm.s32 $0x2010;
	[tilespmem:s4+$0x8080] =	vst v2  }
0x27a: {  	s7 =	simm.s32 $0x20;
	s5 =	simm.s32 $0x10;
	s4 =	simm.s32 $0x10;
	v2 =	vld [tilespmem:s6+$0x0]  }
.LBB2_22:
0x27b: {  	p0 =	sne.s32 s7, $0x1FF0;
	v3 =	vld [tilespmem:s5+$0x0];
	_ =	sdelay $0x3  }
0x27c: {  	v2 =	vmul.f32 $5.120000000e+02, v2;
	_ =	sdelay $0x1  }
0x27d: {  	v2 =	vadd.f32 v2, v3;
	_ =	sdelay $0x1  }
0x27e: {  	v2 =	vtrunc.f32 v2  }
0x27f: {  	v2 =	vcvt.f32.s32 v2;
	_ =	sdelay $0x1  }
0x280: {  	vm0 =	vgt.s32 v2, $0x0  }
0x281: {  	s3 =	sadd.s32 $0x20, s3;
	v2 =	vnsel vm0, $0x0, v2  }
.Ltmp10:
0x282: {  	s4 =	sand.u32 $0x70, s4;
	s8 =	sand.u32 $0x3F00, s3;
	v2 =	vmin.u32 v2, $0x3FFFF;
	(pc) =	sbr.rel @p0 .LBB2_22-.Ltmp10, $4  }
0x283: {  	s8 =	sor.u32 s4, s8;
	s4 =	smov.u32 s7;
	v3 =	vor.u32 v0, v2;
	v2 =	vor.u32 v1, v2  }
0x284: {  	[tilespmem:s8+$0x8000] =	vst v3  }
0x285: {  	s6 =	sadd.s32 $0x10, s6;
	[tilespmem:s8+$0x8080] =	vst v2  }
0x286: {  	s5 =	sadd.s32 $0x10, s5;
	s7 =	sadd.s32 $0x10, s7;
	v2 =	vld [tilespmem:s6+$0x0]  }
0x287: {  	_ = 	snop  }
0x288: {  	v3 =	vld [tilespmem:s5+$0x0];
	_ =	sdelay $0x2  }
0x289: {  	v2 =	vmul.f32 $5.120000000e+02, v2;
	_ =	sdelay $0x1  }
0x28a: {  	v2 =	vadd.f32 v2, v3;
	_ =	sdelay $0x1  }
0x28b: {  	v2 =	vtrunc.f32 v2  }
0x28c: {  	v2 =	vcvt.f32.s32 v2;
	_ =	sdelay $0x1  }
0x28d: {  	vm0 =	vgt.s32 v2, $0x0  }
0x28e: {  	s3 =	sadd.s32 $0x20, s3;
	v2 =	vnsel vm0, $0x0, v2  }
0x28f: {  	s4 =	sand.u32 $0x70, s4;
	s3 =	sand.u32 $0x3F00, s3;
	v2 =	vmin.u32 v2, $0x3FFFF  }
0x290: {  	s3 =	sor.u32 s4, s3;
	v3 =	vor.u32 v0, v2  }
0x291: {  	v2 =	vor.u32 v1, v2;
	[tilespmem:s3+$0x8000] =	vst v3  }
0x292: {  	[tilespmem:s3+$0x8080] =	vst v2  }
0x293: {  	[tilespmem:s28], [sflag:$0x2] =	stream.indirect.gather [hbm4b:s21+s24], $0x1, s26, s24, $0xb8;
	[tilespmem:$0x1C000] =	vst v63  }
0x294: {  	_ =	swait.ge [sflag:s0], $0x4000  }
0x295: {  	[sflag:s0] =	ssyncset.done $0x0  }
0x296: {  	s3 =	simm.s32 $0x0;
	s5 =	rddreg [dreg:$0xb];
	[sflag:s0] =	ssyncadd.s32 $0xFFFFC000  }
0x297: {  	[hbm4b:s5+s3] =	stream.linear.scatter [tilespmem:s30], [sflag:$0x4], $0x4000, $0x38;
	[tilespmem:$0x1C000] =	vst v63  }
0x298: {  	_ =	swait.ge [sflag:s23], $0x4000  }
0x299: {  	[sflag:s23] =	ssyncset.done $0x0  }
0x29a: {  	[sflag:s23] =	ssyncadd.s32 $0xFFFFC000  }
0x29b: {  	[tilespmem:s3], [sflag:$0x4] =	stream.linear.gather [hbm4b:s10+s3], $0x2000, $0x38;
	[tilespmem:$0x1C000] =	vst v63  }
0x29c: {  	_ =	swait.ge [sflag:s23], $0x2000  }
0x29d: {  	[sflag:s23] =	ssyncset.done $0x0  }
0x29e: {  	s6 =	simm.s32 $0x2000;
	[sflag:s23] =	ssyncadd.s32 $0xFFFFE000  }
0x29f: {  	[tilespmem:s6], [sflag:$0x4] =	stream.linear.gather [hbm4b:s11+s3], $0x2000, $0x38;
	[tilespmem:$0x1C000] =	vst v63  }
0x2a0: {  	_ =	swait.ge [sflag:s23], $0x2000  }
0x2a1: {  	[sflag:s23] =	ssyncset.done $0x0  }
0x2a2: {  	[sflag:s23] =	ssyncadd.s32 $0xFFFFE000  }
0x2a3: {  	v2 =	vld [tilespmem:s6+$0x0];
	_ =	sdelay $0x1  }
0x2a4: {  	v3 =	vld [tilespmem:s3+$0x0];
	_ =	sdelay $0x2  }
0x2a5: {  	v2 =	vmul.f32 $5.120000000e+02, v2;
	_ =	sdelay $0x1  }
0x2a6: {  	v2 =	vadd.f32 v2, v3;
	_ =	sdelay $0x1  }
0x2a7: {  	v2 =	vtrunc.f32 v2  }
0x2a8: {  	v2 =	vcvt.f32.s32 v2;
	_ =	sdelay $0x1  }
0x2a9: {  	vm15 =	vgt.s32 v2, $0x0  }
0x2aa: {  	v2 =	vnsel vm15, $0x0, v2  }
0x2ab: {  	s7 =	sand.u32 $0x3F00, s3;
	s8 =	sand.u32 $0x70, s3;
	v2 =	vmin.u32 v2, $0x3FFFF  }
0x2ac: {  	s4 =	sor.u32 s8, s7;
	v3 =	vor.u32 v0, v2  }
0x2ad: {  	v2 =	vor.u32 v1, v2;
	[tilespmem:s4+$0xC000] =	vst v3  }
0x2ae: {  	s6 =	simm.s32 $0x2010;
	[tilespmem:s4+$0xC080] =	vst v2  }
0x2af: {  	s7 =	simm.s32 $0x20;
	s5 =	simm.s32 $0x10;
	s4 =	simm.s32 $0x10;
	v2 =	vld [tilespmem:s6+$0x0]  }
.LBB2_24:
0x2b0: {  	p0 =	sne.s32 s7, $0x1FF0;
	v3 =	vld [tilespmem:s5+$0x0];
	_ =	sdelay $0x3  }
0x2b1: {  	v2 =	vmul.f32 $5.120000000e+02, v2;
	_ =	sdelay $0x1  }
0x2b2: {  	v2 =	vadd.f32 v2, v3;
	_ =	sdelay $0x1  }
0x2b3: {  	v2 =	vtrunc.f32 v2  }
0x2b4: {  	v2 =	vcvt.f32.s32 v2;
	_ =	sdelay $0x1  }
0x2b5: {  	vm0 =	vgt.s32 v2, $0x0  }
0x2b6: {  	s3 =	sadd.s32 $0x20, s3;
	v2 =	vnsel vm0, $0x0, v2  }
.Ltmp11:
0x2b7: {  	s4 =	sand.u32 $0x70, s4;
	s8 =	sand.u32 $0x3F00, s3;
	v2 =	vmin.u32 v2, $0x3FFFF;
	(pc) =	sbr.rel @p0 .LBB2_24-.Ltmp11, $4  }
0x2b8: {  	s8 =	sor.u32 s4, s8;
	s4 =	smov.u32 s7;
	v3 =	vor.u32 v0, v2;
	v2 =	vor.u32 v1, v2  }
0x2b9: {  	[tilespmem:s8+$0xC000] =	vst v3  }
0x2ba: {  	s6 =	sadd.s32 $0x10, s6;
	[tilespmem:s8+$0xC080] =	vst v2  }
0x2bb: {  	s5 =	sadd.s32 $0x10, s5;
	s7 =	sadd.s32 $0x10, s7;
	v2 =	vld [tilespmem:s6+$0x0]  }
0x2bc: {  	_ = 	snop  }
0x2bd: {  	v3 =	vld [tilespmem:s5+$0x0];
	_ =	sdelay $0x2  }
0x2be: {  	v2 =	vmul.f32 $5.120000000e+02, v2;
	_ =	sdelay $0x1  }
0x2bf: {  	v2 =	vadd.f32 v2, v3;
	_ =	sdelay $0x1  }
0x2c0: {  	v2 =	vtrunc.f32 v2  }
0x2c1: {  	v2 =	vcvt.f32.s32 v2;
	_ =	sdelay $0x1  }
0x2c2: {  	vm0 =	vgt.s32 v2, $0x0  }
0x2c3: {  	s3 =	sadd.s32 $0x20, s3;
	v2 =	vnsel vm0, $0x0, v2  }
0x2c4: {  	s4 =	sand.u32 $0x70, s4;
	s3 =	sand.u32 $0x3F00, s3;
	v2 =	vmin.u32 v2, $0x3FFFF  }
0x2c5: {  	s3 =	sor.u32 s4, s3;
	v3 =	vor.u32 v0, v2  }
0x2c6: {  	v2 =	vor.u32 v1, v2;
	[tilespmem:s3+$0xC000] =	vst v3  }
0x2c7: {  	[tilespmem:s3+$0xC080] =	vst v2  }
0x2c8: {  	[tilespmem:s30], [sflag:$0x3] =	stream.indirect.gather [hbm4b:s21+s24], $0x1, s29, s24, $0xb8;
	[tilespmem:$0x1C000] =	vst v63  }
0x2c9: {  	_ =	swait.ge [sflag:s31], $0x4000  }
0x2ca: {  	[sflag:s31] =	ssyncset.done $0x0  }
0x2cb: {  	s3 =	simm.s32 $0x0;
	s5 =	rddreg [dreg:$0xc];
	[sflag:s31] =	ssyncadd.s32 $0xFFFFC000  }
0x2cc: {  	[hbm4b:s5+s3] =	stream.linear.scatter [tilespmem:s25], [sflag:$0x4], $0x4000, $0x38;
	[tilespmem:$0x1C000] =	vst v63  }
0x2cd: {  	_ =	swait.ge [sflag:s23], $0x4000  }
0x2ce: {  	[sflag:s23] =	ssyncset.done $0x0  }
0x2cf: {  	[sflag:s23] =	ssyncadd.s32 $0xFFFFC000  }
0x2d0: {  	[tilespmem:s3], [sflag:$0x4] =	stream.linear.gather [hbm4b:s12+s3], $0x2000, $0x38;
	[tilespmem:$0x1C000] =	vst v63  }
0x2d1: {  	_ =	swait.ge [sflag:s23], $0x2000  }
0x2d2: {  	[sflag:s23] =	ssyncset.done $0x0  }
0x2d3: {  	s6 =	simm.s32 $0x2000;
	[sflag:s23] =	ssyncadd.s32 $0xFFFFE000  }
0x2d4: {  	[tilespmem:s6], [sflag:$0x4] =	stream.linear.gather [hbm4b:s13+s3], $0x2000, $0x38;
	[tilespmem:$0x1C000] =	vst v63  }
0x2d5: {  	_ =	swait.ge [sflag:s23], $0x2000  }
0x2d6: {  	[sflag:s23] =	ssyncset.done $0x0  }
0x2d7: {  	[sflag:s23] =	ssyncadd.s32 $0xFFFFE000  }
0x2d8: {  	v2 =	vld [tilespmem:s6+$0x0];
	_ =	sdelay $0x1  }
0x2d9: {  	v3 =	vld [tilespmem:s3+$0x0];
	_ =	sdelay $0x2  }
0x2da: {  	v2 =	vmul.f32 $5.120000000e+02, v2;
	_ =	sdelay $0x1  }
0x2db: {  	v2 =	vadd.f32 v2, v3;
	_ =	sdelay $0x1  }
0x2dc: {  	v2 =	vtrunc.f32 v2  }
0x2dd: {  	v2 =	vcvt.f32.s32 v2;
	_ =	sdelay $0x1  }
0x2de: {  	vm15 =	vgt.s32 v2, $0x0  }
0x2df: {  	v2 =	vnsel vm15, $0x0, v2  }
0x2e0: {  	s7 =	sand.u32 $0x3F00, s3;
	s8 =	sand.u32 $0x70, s3;
	v2 =	vmin.u32 v2, $0x3FFFF  }
0x2e1: {  	s4 =	sor.u32 s8, s7;
	v3 =	vor.u32 v0, v2  }
0x2e2: {  	v2 =	vor.u32 v1, v2;
	[tilespmem:s4+$0x4000] =	vst v3  }
0x2e3: {  	s6 =	simm.s32 $0x2010;
	[tilespmem:s4+$0x4080] =	vst v2  }
0x2e4: {  	s7 =	simm.s32 $0x20;
	s5 =	simm.s32 $0x10;
	s4 =	simm.s32 $0x10;
	v2 =	vld [tilespmem:s6+$0x0]  }
.LBB2_26:
0x2e5: {  	p0 =	sne.s32 s7, $0x1FF0;
	v3 =	vld [tilespmem:s5+$0x0];
	_ =	sdelay $0x3  }
0x2e6: {  	v2 =	vmul.f32 $5.120000000e+02, v2;
	_ =	sdelay $0x1  }
0x2e7: {  	v2 =	vadd.f32 v2, v3;
	_ =	sdelay $0x1  }
0x2e8: {  	v2 =	vtrunc.f32 v2  }
0x2e9: {  	v2 =	vcvt.f32.s32 v2;
	_ =	sdelay $0x1  }
0x2ea: {  	vm0 =	vgt.s32 v2, $0x0  }
0x2eb: {  	s3 =	sadd.s32 $0x20, s3;
	v2 =	vnsel vm0, $0x0, v2  }
.Ltmp12:
0x2ec: {  	s4 =	sand.u32 $0x70, s4;
	s8 =	sand.u32 $0x3F00, s3;
	v2 =	vmin.u32 v2, $0x3FFFF;
	(pc) =	sbr.rel @p0 .LBB2_26-.Ltmp12, $4  }
0x2ed: {  	s8 =	sor.u32 s4, s8;
	s4 =	smov.u32 s7;
	v3 =	vor.u32 v0, v2;
	v2 =	vor.u32 v1, v2  }
0x2ee: {  	[tilespmem:s8+$0x4000] =	vst v3  }
0x2ef: {  	s6 =	sadd.s32 $0x10, s6;
	[tilespmem:s8+$0x4080] =	vst v2  }
0x2f0: {  	s5 =	sadd.s32 $0x10, s5;
	s7 =	sadd.s32 $0x10, s7;
	v2 =	vld [tilespmem:s6+$0x0]  }
0x2f1: {  	_ = 	snop  }
0x2f2: {  	v3 =	vld [tilespmem:s5+$0x0];
	_ =	sdelay $0x2  }
0x2f3: {  	v2 =	vmul.f32 $5.120000000e+02, v2;
	_ =	sdelay $0x1  }
0x2f4: {  	v2 =	vadd.f32 v2, v3;
	_ =	sdelay $0x1  }
0x2f5: {  	v2 =	vtrunc.f32 v2  }
0x2f6: {  	v2 =	vcvt.f32.s32 v2;
	_ =	sdelay $0x1  }
0x2f7: {  	vm0 =	vgt.s32 v2, $0x0  }
0x2f8: {  	s3 =	sadd.s32 $0x20, s3;
	v2 =	vnsel vm0, $0x0, v2  }
0x2f9: {  	s4 =	sand.u32 $0x70, s4;
	s3 =	sand.u32 $0x3F00, s3;
	v2 =	vmin.u32 v2, $0x3FFFF  }
0x2fa: {  	s3 =	sor.u32 s4, s3;
	v3 =	vor.u32 v0, v2  }
0x2fb: {  	v2 =	vor.u32 v1, v2;
	[tilespmem:s3+$0x4000] =	vst v3  }
0x2fc: {  	[tilespmem:s3+$0x4080] =	vst v2  }
0x2fd: {  	[tilespmem:s25], [sflag:$0x1] =	stream.indirect.gather [hbm4b:s21+s24], $0x1, s24, s24, $0xb8;
	[tilespmem:$0x1C000] =	vst v63  }
0x2fe: {  	_ =	swait.ge [sflag:s14], $0x4000  }
0x2ff: {  	[sflag:s14] =	ssyncset.done $0x0  }
0x300: {  	s3 =	simm.s32 $0x0;
	s5 =	rddreg [dreg:$0xd];
	[sflag:s14] =	ssyncadd.s32 $0xFFFFC000  }
0x301: {  	[hbm4b:s5+s3] =	stream.linear.scatter [tilespmem:s28], [sflag:$0x4], $0x4000, $0x38;
	[tilespmem:$0x1C000] =	vst v63  }
0x302: {  	_ =	swait.ge [sflag:s23], $0x4000  }
0x303: {  	[sflag:s23] =	ssyncset.done $0x0  }
0x304: {  	[sflag:s23] =	ssyncadd.s32 $0xFFFFC000  }
0x305: {  	[tilespmem:s3], [sflag:$0x4] =	stream.linear.gather [hbm4b:s15+s3], $0x2000, $0x38;
	[tilespmem:$0x1C000] =	vst v63  }
0x306: {  	_ =	swait.ge [sflag:s23], $0x2000  }
0x307: {  	[sflag:s23] =	ssyncset.done $0x0  }
0x308: {  	s6 =	simm.s32 $0x2000;
	[sflag:s23] =	ssyncadd.s32 $0xFFFFE000  }
0x309: {  	[tilespmem:s6], [sflag:$0x4] =	stream.linear.gather [hbm4b:s16+s3], $0x2000, $0x38;
	[tilespmem:$0x1C000] =	vst v63  }
0x30a: {  	_ =	swait.ge [sflag:s23], $0x2000  }
0x30b: {  	[sflag:s23] =	ssyncset.done $0x0  }
0x30c: {  	[sflag:s23] =	ssyncadd.s32 $0xFFFFE000  }
0x30d: {  	v2 =	vld [tilespmem:s6+$0x0];
	_ =	sdelay $0x1  }
0x30e: {  	v3 =	vld [tilespmem:s3+$0x0];
	_ =	sdelay $0x2  }
0x30f: {  	v2 =	vmul.f32 $5.120000000e+02, v2;
	_ =	sdelay $0x1  }
0x310: {  	v2 =	vadd.f32 v2, v3;
	_ =	sdelay $0x1  }
0x311: {  	v2 =	vtrunc.f32 v2  }
0x312: {  	v2 =	vcvt.f32.s32 v2;
	_ =	sdelay $0x1  }
0x313: {  	vm15 =	vgt.s32 v2, $0x0  }
0x314: {  	v2 =	vnsel vm15, $0x0, v2  }
0x315: {  	s7 =	sand.u32 $0x3F00, s3;
	s8 =	sand.u32 $0x70, s3;
	v2 =	vmin.u32 v2, $0x3FFFF  }
0x316: {  	s4 =	sor.u32 s8, s7;
	v3 =	vor.u32 v0, v2  }
0x317: {  	v2 =	vor.u32 v1, v2;
	[tilespmem:s4+$0x8000] =	vst v3  }
0x318: {  	s6 =	simm.s32 $0x2010;
	[tilespmem:s4+$0x8080] =	vst v2  }
0x319: {  	s7 =	simm.s32 $0x20;
	s5 =	simm.s32 $0x10;
	s4 =	simm.s32 $0x10;
	v2 =	vld [tilespmem:s6+$0x0]  }
.LBB2_28:
0x31a: {  	p0 =	sne.s32 s7, $0x1FF0;
	v3 =	vld [tilespmem:s5+$0x0];
	_ =	sdelay $0x3  }
0x31b: {  	v2 =	vmul.f32 $5.120000000e+02, v2;
	_ =	sdelay $0x1  }
0x31c: {  	v2 =	vadd.f32 v2, v3;
	_ =	sdelay $0x1  }
0x31d: {  	v2 =	vtrunc.f32 v2  }
0x31e: {  	v2 =	vcvt.f32.s32 v2;
	_ =	sdelay $0x1  }
0x31f: {  	vm0 =	vgt.s32 v2, $0x0  }
0x320: {  	s3 =	sadd.s32 $0x20, s3;
	v2 =	vnsel vm0, $0x0, v2  }
.Ltmp13:
0x321: {  	s4 =	sand.u32 $0x70, s4;
	s8 =	sand.u32 $0x3F00, s3;
	v2 =	vmin.u32 v2, $0x3FFFF;
	(pc) =	sbr.rel @p0 .LBB2_28-.Ltmp13, $4  }
0x322: {  	s8 =	sor.u32 s4, s8;
	s4 =	smov.u32 s7;
	v3 =	vor.u32 v0, v2;
	v2 =	vor.u32 v1, v2  }
0x323: {  	[tilespmem:s8+$0x8000] =	vst v3  }
0x324: {  	s6 =	sadd.s32 $0x10, s6;
	[tilespmem:s8+$0x8080] =	vst v2  }
0x325: {  	s5 =	sadd.s32 $0x10, s5;
	s7 =	sadd.s32 $0x10, s7;
	v2 =	vld [tilespmem:s6+$0x0]  }
0x326: {  	_ = 	snop  }
0x327: {  	v3 =	vld [tilespmem:s5+$0x0];
	_ =	sdelay $0x2  }
0x328: {  	v2 =	vmul.f32 $5.120000000e+02, v2;
	_ =	sdelay $0x1  }
0x329: {  	v2 =	vadd.f32 v2, v3;
	_ =	sdelay $0x1  }
0x32a: {  	v2 =	vtrunc.f32 v2  }
0x32b: {  	v2 =	vcvt.f32.s32 v2;
	_ =	sdelay $0x1  }
0x32c: {  	vm0 =	vgt.s32 v2, $0x0  }
0x32d: {  	s3 =	sadd.s32 $0x20, s3;
	v2 =	vnsel vm0, $0x0, v2  }
0x32e: {  	s4 =	sand.u32 $0x70, s4;
	s3 =	sand.u32 $0x3F00, s3;
	v2 =	vmin.u32 v2, $0x3FFFF  }
0x32f: {  	s3 =	sor.u32 s4, s3;
	v3 =	vor.u32 v0, v2  }
0x330: {  	v2 =	vor.u32 v1, v2;
	[tilespmem:s3+$0x8000] =	vst v3  }
0x331: {  	[tilespmem:s3+$0x8080] =	vst v2  }
0x332: {  	[tilespmem:s28], [sflag:$0x2] =	stream.indirect.gather [hbm4b:s21+s24], $0x1, s26, s24, $0xb8;
	[tilespmem:$0x1C000] =	vst v63  }
0x333: {  	_ =	swait.ge [sflag:s0], $0x4000  }
0x334: {  	[sflag:s0] =	ssyncset.done $0x0  }
0x335: {  	s3 =	simm.s32 $0x0;
	s5 =	rddreg [dreg:$0xe];
	[sflag:s0] =	ssyncadd.s32 $0xFFFFC000  }
0x336: {  	[hbm4b:s5+s3] =	stream.linear.scatter [tilespmem:s30], [sflag:$0x4], $0x4000, $0x38;
	[tilespmem:$0x1C000] =	vst v63  }
0x337: {  	_ =	swait.ge [sflag:s23], $0x4000  }
0x338: {  	[sflag:s23] =	ssyncset.done $0x0  }
0x339: {  	[sflag:s23] =	ssyncadd.s32 $0xFFFFC000  }
0x33a: {  	[tilespmem:s3], [sflag:$0x4] =	stream.linear.gather [hbm4b:s17+s3], $0x2000, $0x38;
	[tilespmem:$0x1C000] =	vst v63  }
0x33b: {  	_ =	swait.ge [sflag:s23], $0x2000  }
0x33c: {  	[sflag:s23] =	ssyncset.done $0x0  }
0x33d: {  	s6 =	simm.s32 $0x2000;
	[sflag:s23] =	ssyncadd.s32 $0xFFFFE000  }
0x33e: {  	[tilespmem:s6], [sflag:$0x4] =	stream.linear.gather [hbm4b:s18+s3], $0x2000, $0x38;
	[tilespmem:$0x1C000] =	vst v63  }
0x33f: {  	_ =	swait.ge [sflag:s23], $0x2000  }
0x340: {  	[sflag:s23] =	ssyncset.done $0x0  }
0x341: {  	[sflag:s23] =	ssyncadd.s32 $0xFFFFE000  }
0x342: {  	v2 =	vld [tilespmem:s6+$0x0];
	_ =	sdelay $0x1  }
0x343: {  	v3 =	vld [tilespmem:s3+$0x0];
	_ =	sdelay $0x2  }
0x344: {  	v2 =	vmul.f32 $5.120000000e+02, v2;
	_ =	sdelay $0x1  }
0x345: {  	v2 =	vadd.f32 v2, v3;
	_ =	sdelay $0x1  }
0x346: {  	v2 =	vtrunc.f32 v2  }
0x347: {  	v2 =	vcvt.f32.s32 v2;
	_ =	sdelay $0x1  }
0x348: {  	vm15 =	vgt.s32 v2, $0x0  }
0x349: {  	v2 =	vnsel vm15, $0x0, v2  }
0x34a: {  	s7 =	sand.u32 $0x3F00, s3;
	s8 =	sand.u32 $0x70, s3;
	v2 =	vmin.u32 v2, $0x3FFFF  }
0x34b: {  	s4 =	sor.u32 s8, s7;
	v3 =	vor.u32 v0, v2  }
0x34c: {  	v2 =	vor.u32 v1, v2;
	[tilespmem:s4+$0xC000] =	vst v3  }
0x34d: {  	s6 =	simm.s32 $0x2010;
	[tilespmem:s4+$0xC080] =	vst v2  }
0x34e: {  	s7 =	simm.s32 $0x20;
	s5 =	simm.s32 $0x10;
	s4 =	simm.s32 $0x10;
	v2 =	vld [tilespmem:s6+$0x0]  }
.LBB2_30:
0x34f: {  	p0 =	sne.s32 s7, $0x1FF0;
	v3 =	vld [tilespmem:s5+$0x0];
	_ =	sdelay $0x3  }
0x350: {  	v2 =	vmul.f32 $5.120000000e+02, v2;
	_ =	sdelay $0x1  }
0x351: {  	v2 =	vadd.f32 v2, v3;
	_ =	sdelay $0x1  }
0x352: {  	v2 =	vtrunc.f32 v2  }
0x353: {  	v2 =	vcvt.f32.s32 v2;
	_ =	sdelay $0x1  }
0x354: {  	vm0 =	vgt.s32 v2, $0x0  }
0x355: {  	s3 =	sadd.s32 $0x20, s3;
	v2 =	vnsel vm0, $0x0, v2  }
.Ltmp14:
0x356: {  	s4 =	sand.u32 $0x70, s4;
	s8 =	sand.u32 $0x3F00, s3;
	v2 =	vmin.u32 v2, $0x3FFFF;
	(pc) =	sbr.rel @p0 .LBB2_30-.Ltmp14, $4  }
0x357: {  	s8 =	sor.u32 s4, s8;
	s4 =	smov.u32 s7;
	v3 =	vor.u32 v0, v2;
	v2 =	vor.u32 v1, v2  }
0x358: {  	[tilespmem:s8+$0xC000] =	vst v3  }
0x359: {  	s6 =	sadd.s32 $0x10, s6;
	[tilespmem:s8+$0xC080] =	vst v2  }
0x35a: {  	s5 =	sadd.s32 $0x10, s5;
	s7 =	sadd.s32 $0x10, s7;
	v2 =	vld [tilespmem:s6+$0x0]  }
0x35b: {  	_ = 	snop  }
0x35c: {  	v3 =	vld [tilespmem:s5+$0x0];
	_ =	sdelay $0x2  }
0x35d: {  	v2 =	vmul.f32 $5.120000000e+02, v2;
	_ =	sdelay $0x1  }
0x35e: {  	v2 =	vadd.f32 v2, v3;
	_ =	sdelay $0x1  }
0x35f: {  	v2 =	vtrunc.f32 v2  }
0x360: {  	v2 =	vcvt.f32.s32 v2;
	_ =	sdelay $0x1  }
0x361: {  	vm0 =	vgt.s32 v2, $0x0  }
0x362: {  	s3 =	sadd.s32 $0x20, s3;
	v2 =	vnsel vm0, $0x0, v2  }
0x363: {  	s4 =	sand.u32 $0x70, s4;
	s3 =	sand.u32 $0x3F00, s3;
	v2 =	vmin.u32 v2, $0x3FFFF  }
0x364: {  	s3 =	sor.u32 s4, s3;
	v3 =	vor.u32 v0, v2  }
0x365: {  	v2 =	vor.u32 v1, v2;
	[tilespmem:s3+$0xC000] =	vst v3  }
0x366: {  	[tilespmem:s3+$0xC080] =	vst v2  }
0x367: {  	[tilespmem:s30], [sflag:$0x3] =	stream.indirect.gather [hbm4b:s21+s24], $0x1, s29, s24, $0xb8;
	[tilespmem:$0x1C000] =	vst v63  }
0x368: {  	_ =	swait.ge [sflag:s31], $0x4000  }
0x369: {  	[sflag:s31] =	ssyncset.done $0x0  }
0x36a: {  	s3 =	simm.s32 $0x0;
	s5 =	rddreg [dreg:$0xf];
	[sflag:s31] =	ssyncadd.s32 $0xFFFFC000  }
0x36b: {  	[hbm4b:s5+s3] =	stream.linear.scatter [tilespmem:s25], [sflag:$0x4], $0x4000, $0x38;
	[tilespmem:$0x1C000] =	vst v63  }
0x36c: {  	_ =	swait.ge [sflag:s23], $0x4000  }
0x36d: {  	[sflag:s23] =	ssyncset.done $0x0  }
0x36e: {  	[sflag:s23] =	ssyncadd.s32 $0xFFFFC000  }
0x36f: {  	[tilespmem:s3], [sflag:$0x4] =	stream.linear.gather [hbm4b:s19+s3], $0x2000, $0x38;
	[tilespmem:$0x1C000] =	vst v63  }
0x370: {  	_ =	swait.ge [sflag:s23], $0x2000  }
0x371: {  	[sflag:s23] =	ssyncset.done $0x0  }
0x372: {  	s6 =	simm.s32 $0x2000;
	[sflag:s23] =	ssyncadd.s32 $0xFFFFE000  }
0x373: {  	[tilespmem:s6], [sflag:$0x4] =	stream.linear.gather [hbm4b:s20+s3], $0x2000, $0x38;
	[tilespmem:$0x1C000] =	vst v63  }
0x374: {  	_ =	swait.ge [sflag:s23], $0x2000  }
0x375: {  	[sflag:s23] =	ssyncset.done $0x0  }
0x376: {  	[sflag:s23] =	ssyncadd.s32 $0xFFFFE000  }
0x377: {  	v2 =	vld [tilespmem:s6+$0x0];
	_ =	sdelay $0x1  }
0x378: {  	v3 =	vld [tilespmem:s3+$0x0];
	_ =	sdelay $0x2  }
0x379: {  	v2 =	vmul.f32 $5.120000000e+02, v2;
	_ =	sdelay $0x1  }
0x37a: {  	v2 =	vadd.f32 v2, v3;
	_ =	sdelay $0x1  }
0x37b: {  	v2 =	vtrunc.f32 v2  }
0x37c: {  	v2 =	vcvt.f32.s32 v2;
	_ =	sdelay $0x1  }
0x37d: {  	vm15 =	vgt.s32 v2, $0x0  }
0x37e: {  	v2 =	vnsel vm15, $0x0, v2  }
0x37f: {  	s7 =	sand.u32 $0x3F00, s3;
	s8 =	sand.u32 $0x70, s3;
	v2 =	vmin.u32 v2, $0x3FFFF  }
0x380: {  	s4 =	sor.u32 s8, s7;
	v3 =	vor.u32 v0, v2  }
0x381: {  	v2 =	vor.u32 v1, v2;
	[tilespmem:s4+$0x4000] =	vst v3  }
0x382: {  	s6 =	simm.s32 $0x2010;
	[tilespmem:s4+$0x4080] =	vst v2  }
0x383: {  	s7 =	simm.s32 $0x20;
	s5 =	simm.s32 $0x10;
	s4 =	simm.s32 $0x10;
	v2 =	vld [tilespmem:s6+$0x0]  }
.LBB2_32:
0x384: {  	p0 =	sne.s32 s7, $0x1FF0;
	v3 =	vld [tilespmem:s5+$0x0];
	_ =	sdelay $0x3  }
0x385: {  	v2 =	vmul.f32 $5.120000000e+02, v2;
	_ =	sdelay $0x1  }
0x386: {  	v2 =	vadd.f32 v2, v3;
	_ =	sdelay $0x1  }
0x387: {  	v2 =	vtrunc.f32 v2  }
0x388: {  	v2 =	vcvt.f32.s32 v2;
	_ =	sdelay $0x1  }
0x389: {  	vm0 =	vgt.s32 v2, $0x0  }
0x38a: {  	s3 =	sadd.s32 $0x20, s3;
	v2 =	vnsel vm0, $0x0, v2  }
.Ltmp15:
0x38b: {  	s4 =	sand.u32 $0x70, s4;
	s8 =	sand.u32 $0x3F00, s3;
	v2 =	vmin.u32 v2, $0x3FFFF;
	(pc) =	sbr.rel @p0 .LBB2_32-.Ltmp15, $4  }
0x38c: {  	s8 =	sor.u32 s4, s8;
	s4 =	smov.u32 s7;
	v3 =	vor.u32 v0, v2;
	v2 =	vor.u32 v1, v2  }
0x38d: {  	[tilespmem:s8+$0x4000] =	vst v3  }
0x38e: {  	s6 =	sadd.s32 $0x10, s6;
	[tilespmem:s8+$0x4080] =	vst v2  }
0x38f: {  	s5 =	sadd.s32 $0x10, s5;
	s7 =	sadd.s32 $0x10, s7;
	v2 =	vld [tilespmem:s6+$0x0]  }
0x390: {  	_ = 	snop  }
0x391: {  	v3 =	vld [tilespmem:s5+$0x0];
	_ =	sdelay $0x2  }
0x392: {  	v2 =	vmul.f32 $5.120000000e+02, v2;
	_ =	sdelay $0x1  }
0x393: {  	v2 =	vadd.f32 v2, v3;
	_ =	sdelay $0x1  }
0x394: {  	v2 =	vtrunc.f32 v2  }
0x395: {  	v2 =	vcvt.f32.s32 v2;
	_ =	sdelay $0x1  }
0x396: {  	vm0 =	vgt.s32 v2, $0x0  }
0x397: {  	s3 =	sadd.s32 $0x20, s3;
	v2 =	vnsel vm0, $0x0, v2  }
0x398: {  	s4 =	sand.u32 $0x70, s4;
	s3 =	sand.u32 $0x3F00, s3;
	v2 =	vmin.u32 v2, $0x3FFFF  }
0x399: {  	s3 =	sor.u32 s4, s3;
	v3 =	vor.u32 v0, v2  }
0x39a: {  	v2 =	vor.u32 v1, v2;
	[tilespmem:s3+$0x4000] =	vst v3  }
0x39b: {  	[tilespmem:s3+$0x4080] =	vst v2  }
0x39c: {  	[tilespmem:s25], [sflag:$0x1] =	stream.indirect.gather [hbm4b:s21+s24], $0x1, s24, s24, $0xb8;
	[tilespmem:$0x1C000] =	vst v63  }
0x39d: {  	_ =	swait.ge [sflag:s14], $0x4000  }
0x39e: {  	[sflag:s14] =	ssyncset.done $0x0  }
0x39f: {  	s6 =	rddreg [dreg:$0x10];
	[sflag:s14] =	ssyncadd.s32 $0xFFFFC000  }
0x3a0: {  	[hbm4b:s6+s1] =	stream.linear.scatter [tilespmem:s28], [sflag:$0x4], $0x4000, $0x38;
	[tilespmem:$0x1C000] =	vst v63  }
0x3a1: {  	_ =	swait.ge [sflag:s23], $0x4000  }
0x3a2: {  	[sflag:s23] =	ssyncset.done $0x0  }
0x3a3: {  	[sflag:s23] =	ssyncadd.s32 $0xFFFFC000  }
0x3a4: {  	_ =	swait.ge [sflag:s0], $0x4000  }
0x3a5: {  	[sflag:s0] =	ssyncset.done $0x0  }
0x3a6: {  	s7 =	rddreg [dreg:$0x11];
	[sflag:s0] =	ssyncadd.s32 $0xFFFFC000  }
0x3a7: {  	[hbm4b:s7+s1] =	stream.linear.scatter [tilespmem:s30], [sflag:$0x4], $0x4000, $0x38;
	[tilespmem:$0x1C000] =	vst v63  }
0x3a8: {  	_ =	swait.ge [sflag:s23], $0x4000  }
0x3a9: {  	[sflag:s23] =	ssyncset.done $0x0  }
0x3aa: {  	[sflag:s23] =	ssyncadd.s32 $0xFFFFC000  }
0x3ab: {  	s2 =	sadd.s32 $0x1, s2;
	_ =	swait.ge [sflag:s31], $0x4000  }
0x3ac: {  	p0 =	sne.s32 s2, s22;
	[sflag:s31] =	ssyncset.done $0x0  }
.Ltmp16:
0x3ad: {  	s8 =	rddreg [dreg:$0x12];
	[sflag:s31] =	ssyncadd.s32 $0xFFFFC000;
	(pc) =	sbr.rel @p0 .LBB2_1-.Ltmp16, $4  }
0x3ae: {  	[hbm4b:s8+s1] =	stream.linear.scatter [tilespmem:s25], [sflag:$0x4], $0x4000, $0x38;
	[tilespmem:$0x1C000] =	vst v63  }
0x3af: {  	_ =	swait.ge [sflag:s23], $0x4000  }
0x3b0: {  	[sflag:s23] =	ssyncset.done $0x0  }
0x3b1: {  	[sflag:s23] =	ssyncadd.s32 $0xFFFFC000  }
0x3b2: {  	_ =	sfence.sel $0x180000  }
0x3b3: {  	[bflag:$0x0] =	sbarrier.arrive $0xFFFF  }
0x3b4: {  	_ =	strace $0x90000047  }
0x3b5: {  	s0 =	stileid.u32;
	[bflag:$0x2] =	sbarrier.arrive $0xFFFF  }
0x3b6: {  	p0 =	sne.s32 s0, $0x0;
	s0 =	rddreg [dreg:$0x2]  }
0x3b7: {  	s0 =	sadd.s32 @!p0 $0x100000, s0  }
0x3b8: {  	[sflag:s0] =	ssyncadd.tile.s32 @!p0 $0x1;
	_ =	shalt  }
.Lfunc_end2:
_tile_overlayer_lowered:
.L_overlay_start_2:
0x3b9: {  	(tag) =	ssettag $0x2  }
0x3ba: {  	s0 =	rddreg [dreg:$0x0];
	s2 =	stileid.u32  }
0x3bb: {  	s1 =	rddreg [dreg:$0x1];
	p0 =	sne.s32 s2, $0x0  }
0x3bc: {  	s3 =	rddreg [dreg:$0x2];
	[bflag:$0x3] =	sbarrier.arrive $0xFFFF;
	s2 =	simm.s32 @!p0 $0x1C04  }
0x3bd: {  	[timem:s3], [sflag:s2] =	dma.local @!p0 [hbm:s0], s1  }
0x3be: {  	s0 =	simm.s32 @!p0 $0x4  }
0x3bf: {  	_ =	swait.ge @!p0 [sflag:s0], s1  }
0x3c0: {  	s1 =	ssub.s32 @!p0 $0x0, s1;
	[sflag:s0] =	ssyncset.done @!p0 $0x0  }
0x3c1: {  	[sflag:s0] =	ssyncadd.s32 @!p0 s1  }
0x3c2: {  	[bflag:$0x3] =	sbarrier.arrive $0xFFFF  }
0x3c3: {  	_ =	shalt  }

</sc_bundles>
